<compile_context>
chip_gen: v7x
topology: tpu7x:2x2x1
jax: 0.10.2.dev20260603
libtpu: 0.0.44.dev20260713+nightly
codegen_flags: <defaults>
</compile_context>

<pallas_src>
import jax
import jax.numpy as jnp
import numpy as np
from jax import lax
from jax.experimental import pallas as pl
from jax.experimental.pallas import tpu as pltpu
from jax.experimental.pallas import tpu_sc as plsc

FROM_H = FROM_W = 224
TO_H = TO_W = 512
BATCH = 4
CHANNELS = 96
IMGS = BATCH * CHANNELS

NW = 32
NIMG_PER_W = IMGS // NW
CHUNK = 4
IN_ROWS = CHUNK * 7
OUT_ROWS = CHUNK * 16
INW = IN_ROWS * FROM_W
NCHUNK16 = INW // 16
NBUF = 2
HALF_ROWS = FROM_H // 2
HALF_OUT = TO_H // 2

P7 = tuple(int(v) for v in (np.arange(7) * 16) // 7)


def _build_idx_table() -> np.ndarray:
    xmap = (np.arange(FROM_W) * TO_W) // FROM_W
    idx = np.empty((CHUNK, 7, FROM_W), np.int32)
    for rg in range(CHUNK):
        for j in range(7):
            idx[rg, j, :] = ((rg * 16 + P7[j]) << 9) | xmap
    return idx.reshape(-1)


_IDX_TABLE = _build_idx_table()


def _sc_body(x_hbm, idx_hbm, out_hbm, idxv,
             in0, in1, out0, out1, isem0, isem1, osem0, osem1):
    inbufs = (in0, in1)
    outbufs = (out0, out1)
    isems = (isem0, isem1)
    osems = (osem0, osem1)

    wid = lax.axis_index("s") * 2 + lax.axis_index("c")
    img_base = wid * NIMG_PER_W

    pltpu.sync_copy(idx_hbm, idxv)

    zv = jnp.zeros((16,), jnp.float32)

    @pl.loop(0, OUT_ROWS)
    def _zero_r(r):
        for b in range(NBUF):
            @pl.loop(0, TO_W // 16, unroll=8)
            def _zero_c(c):
                outbufs[b][r, pl.ds(c * 16, 16)] = zv

    def in_slice(img, half):
        return x_hbm.at[img, pl.ds(half * HALF_ROWS, HALF_ROWS)]

    for half in range(2):
        pltpu.async_copy(in_slice(img_base, half), inbufs[half], isems[half])

    @pl.loop(0, NIMG_PER_W)
    def _image(li):
        img = img_base + li
        for half in range(2):
            pltpu.make_async_copy(
                in_slice(img, half), inbufs[half], isems[half]).wait()
            inb = inbufs[half]
            for sub in range(4):
                b = sub % 2
                outb = outbufs[b]
                r0 = half * HALF_OUT + sub * OUT_ROWS
                out_ref = out_hbm.at[img, pl.ds(r0, OUT_ROWS)]

                if half == 0 and sub < 2:
                    @pl.when(li > 0)
                    def _wait_out():
                        pltpu.make_async_copy(outb, out_ref, osems[b]).wait()
                else:
                    pltpu.make_async_copy(outb, out_ref, osems[b]).wait()

                row0 = sub * IN_ROWS

                @plsc.parallel_loop(0, NCHUNK16, 1, unroll=14)
                def _scatter(ci):
                    r = ci // (FROM_W // 16)
                    c = ci % (FROM_W // 16)
                    iv = idxv[pl.ds(ci * 16, 16)]
                    ivr = lax.shift_right_logical(iv, 9)
                    ivc = lax.bitwise_and(iv, 511)
                    dv = inb[row0 + r, pl.ds(c * 16, 16)]
                    plsc.store_scatter(outb, [ivr, ivc], dv)

                pltpu.async_copy(outb, out_ref, osems[b])

            @pl.when(li + 1 < NIMG_PER_W)
            def _next_in():
                pltpu.async_copy(
                    in_slice(img + 1, half), inbufs[half], isems[half])

    for b in range(2):
        pltpu.make_async_copy(
            outbufs[b], out_hbm.at[img_base, pl.ds(0, OUT_ROWS)],
            osems[b]).wait()


@jax.jit
def _dilute(x):
    x_img = x.reshape(IMGS, FROM_H, FROM_W)
    idx = jnp.asarray(_IDX_TABLE)
    call = pl.kernel(
        _sc_body,
        out_type=jax.ShapeDtypeStruct((IMGS, TO_H, TO_W), jnp.float32),
        mesh=plsc.VectorSubcoreMesh(core_axis_name="c", subcore_axis_name="s"),
        compiler_params=pltpu.CompilerParams(needs_layout_passes=False),
        scratch_types=(
            [pltpu.VMEM((INW,), jnp.int32)]
            + [pltpu.VMEM((HALF_ROWS, FROM_W), jnp.float32) for _ in range(2)]
            + [pltpu.VMEM((OUT_ROWS, TO_W), jnp.float32) for _ in range(2)]
            + [pltpu.SemaphoreType.DMA for _ in range(4)]
        ),
    )
    return call(x_img, idx)


def kernel(x):
    return _dilute(x).reshape(BATCH, CHANNELS, TO_H, TO_W)

# --- scband reference (transcript-rebuilt; emitter-appended) ---
"""Pipeline reference for scband-dilution-15040975470785 (READ-ONLY COPY).

The authoritative reference and input builder live on the scoring server;
editing this copy changes nothing except your own understanding.
"""

import jax, jax.numpy as jnp
import numpy as np

FROM_SIZE = (224, 224)
TO_SIZE = (512, 512)
BATCH = 4
CHANNELS = 96


def setup_inputs(seed: int = 0) -> dict:
    key = jax.random.key(seed)
    x = jax.random.normal(key, (BATCH, CHANNELS, FROM_SIZE[0], FROM_SIZE[1]), dtype=jnp.float32)
    return {"x": x}


def reference(x):
    # Input is already at fromSize, so the Resize(fromSize) transform is an identity.
    fromH, fromW = FROM_SIZE
    toH, toW = TO_SIZE
    # Per original loop: ans[..., int(y*toH/fromH), int(x*toW/fromW)] = inp[..., y, x]
    y_map = jnp.asarray((np.arange(fromH) * toH / fromH).astype(np.int64))
    x_map = jnp.asarray((np.arange(fromW) * toW / fromW).astype(np.int64))
    out = jnp.zeros((x.shape[0], x.shape[1], toH, toW), dtype=x.dtype)
    # Scatter-overwrite: dilute source pixels into a larger zero canvas
    out = out.at[:, :, y_map[:, None], x_map[None, :]].set(x)
    return out

if __name__ == "__main__":
    import jax
    _d = setup_inputs()
    print(jax.jit(kernel)(*tuple(_d.values())))

</pallas_src>

<mosaic_0001>
#map = affine_map<(d0, d1) -> (0, 0, 0)>
#map1 = affine_map<(d0, d1) -> (0)>
module attributes {stable_mosaic.version = 14 : i64} {
  func.func @_sc_body(%arg0: i32, %arg1: i32, %arg2: memref<384x224x224xf32, #tpu.memory_space<hbm>>, %arg3: memref<6272xi32, #tpu.memory_space<hbm>>, %arg4: memref<384x512x512xf32, #tpu.memory_space<hbm>>, %arg5: memref<6272xi32, #tpu.memory_space<vmem>>, %arg6: memref<112x224xf32, #tpu.memory_space<vmem>>, %arg7: memref<112x224xf32, #tpu.memory_space<vmem>>, %arg8: memref<64x512xf32, #tpu.memory_space<vmem>>, %arg9: memref<64x512xf32, #tpu.memory_space<vmem>>, %arg10: memref<!tpu.dma_semaphore, #tpu.memory_space<semaphore_mem>>, %arg11: memref<!tpu.dma_semaphore, #tpu.memory_space<semaphore_mem>>, %arg12: memref<!tpu.dma_semaphore, #tpu.memory_space<semaphore_mem>>, %arg13: memref<!tpu.dma_semaphore, #tpu.memory_space<semaphore_mem>>) attributes {dimension_semantics = [#tpu.dimension_semantics<core_parallel>, #tpu.dimension_semantics<subcore_parallel>], iteration_bounds = array<i64: 2, 16>, scalar_prefetch = 0 : i64, scratch_operands = 9 : i64, tpu.core_type = #tpu.core_type<sc_vector_subcore>, window_params = [{transform_indices = #map}, {transform_indices = #map1}, {transform_indices = #map}]} {
    %mul3A = arith.constant 2 : i32
    %mul3A_0 = arith.muli %arg1, %mul3A : i32
    %add3A = arith.addi %mul3A_0, %arg0 : i32
    %mul3A_1 = arith.constant 12 : i32
    %mul3A_2 = arith.muli %add3A, %mul3A_1 : i32
    "tpu.region"() ({
      %run_scoped3A = tpu.sem_alloc : memref<!tpu.dma_semaphore, #tpu.memory_space<semaphore_mem>>
      tpu.enqueue_dma source(%arg3 : memref<6272xi32, #tpu.memory_space<hbm>>) target(%arg5 : memref<6272xi32, #tpu.memory_space<vmem>>) target_semaphore(%run_scoped3A : memref<!tpu.dma_semaphore, #tpu.memory_space<semaphore_mem>>)
      tpu.wait_dma2 semaphore(%run_scoped3A : memref<!tpu.dma_semaphore, #tpu.memory_space<semaphore_mem>>) src(%arg3 : memref<6272xi32, #tpu.memory_space<hbm>>) dst(%arg5 : memref<6272xi32, #tpu.memory_space<vmem>>)
      tpu.yield
    }) : () -> ()
    %broadcast_in_dim3A = arith.constant 0.000000e+00 : f32
    %broadcast_in_dim3A_3 = vector.broadcast %broadcast_in_dim3A : f32 to vector<16xf32>
    %scan3A = arith.constant 0 : i32
    %scan3A_4 = arith.constant 64 : i32
    %scan3A_5 = arith.addi %scan3A, %scan3A_4 : i32
    %scan3A_6 = arith.constant 1 : i32
    scf.for %scan3A_43 = %scan3A to %scan3A_5 step %scan3A_6  : i32 {
      %mul3A_44 = arith.constant 1 : i32
      %mul3A_45 = arith.muli %scan3A_43, %mul3A_44 : i32
      %add3A_46 = arith.constant 0 : i32
      %add3A_47 = arith.addi %add3A_46, %mul3A_45 : i32
      %scan3A_48 = arith.constant 0 : i32
      %scan3A_49 = arith.constant 32 : i32
      %scan3A_50 = arith.addi %scan3A_48, %scan3A_49 : i32
      %scan3A_51 = arith.constant 8 : i32
      scf.for %scan3A_58 = %scan3A_48 to %scan3A_50 step %scan3A_51  : i32 {
        %mul3A_59 = arith.constant 1 : i32
        %mul3A_60 = arith.muli %scan3A_58, %mul3A_59 : i32
        %add3A_61 = arith.constant 0 : i32
        %add3A_62 = arith.addi %add3A_61, %mul3A_60 : i32
        %mul3A_63 = arith.constant 16 : i32
        %mul3A_64 = arith.muli %add3A_62, %mul3A_63 : i32
        %swap3A = arith.index_cast %add3A_47 : i32 to index
        %swap3A_65 = arith.index_cast %mul3A_64 : i32 to index
        %swap3A_66 = tpu.vector_load %arg8[%swap3A, %swap3A_65] {strides = array<i32>} : memref<64x512xf32, #tpu.memory_space<vmem>>, vector<16xf32>,
        tpu.vector_store %arg8[%swap3A, %swap3A_65], %broadcast_in_dim3A_3 {strides = array<i32>} : memref<64x512xf32, #tpu.memory_space<vmem>>, vector<16xf32>,
        %scan3A_67 = arith.constant 1 : i32
        %scan3A_68 = arith.addi %scan3A_58, %scan3A_67 : i32
        %mul3A_69 = arith.constant 1 : i32
        %mul3A_70 = arith.muli %scan3A_68, %mul3A_69 : i32
        %add3A_71 = arith.constant 0 : i32
        %add3A_72 = arith.addi %add3A_71, %mul3A_70 : i32
        %mul3A_73 = arith.constant 16 : i32
        %mul3A_74 = arith.muli %add3A_72, %mul3A_73 : i32
        %swap3A_75 = arith.index_cast %add3A_47 : i32 to index
        %swap3A_76 = arith.index_cast %mul3A_74 : i32 to index
        %swap3A_77 = tpu.vector_load %arg8[%swap3A_75, %swap3A_76] {strides = array<i32>} : memref<64x512xf32, #tpu.memory_space<vmem>>, vector<16xf32>,
        tpu.vector_store %arg8[%swap3A_75, %swap3A_76], %broadcast_in_dim3A_3 {strides = array<i32>} : memref<64x512xf32, #tpu.memory_space<vmem>>, vector<16xf32>,
        %scan3A_78 = arith.constant 2 : i32
        %scan3A_79 = arith.addi %scan3A_58, %scan3A_78 : i32
        %mul3A_80 = arith.constant 1 : i32
        %mul3A_81 = arith.muli %scan3A_79, %mul3A_80 : i32
        %add3A_82 = arith.constant 0 : i32
        %add3A_83 = arith.addi %add3A_82, %mul3A_81 : i32
        %mul3A_84 = arith.constant 16 : i32
        %mul3A_85 = arith.muli %add3A_83, %mul3A_84 : i32
        %swap3A_86 = arith.index_cast %add3A_47 : i32 to index
        %swap3A_87 = arith.index_cast %mul3A_85 : i32 to index
        %swap3A_88 = tpu.vector_load %arg8[%swap3A_86, %swap3A_87] {strides = array<i32>} : memref<64x512xf32, #tpu.memory_space<vmem>>, vector<16xf32>,
        tpu.vector_store %arg8[%swap3A_86, %swap3A_87], %broadcast_in_dim3A_3 {strides = array<i32>} : memref<64x512xf32, #tpu.memory_space<vmem>>, vector<16xf32>,
        %scan3A_89 = arith.constant 3 : i32
        %scan3A_90 = arith.addi %scan3A_58, %scan3A_89 : i32
        %mul3A_91 = arith.constant 1 : i32
        %mul3A_92 = arith.muli %scan3A_90, %mul3A_91 : i32
        %add3A_93 = arith.constant 0 : i32
        %add3A_94 = arith.addi %add3A_93, %mul3A_92 : i32
        %mul3A_95 = arith.constant 16 : i32
        %mul3A_96 = arith.muli %add3A_94, %mul3A_95 : i32
        %swap3A_97 = arith.index_cast %add3A_47 : i32 to index
        %swap3A_98 = arith.index_cast %mul3A_96 : i32 to index
        %swap3A_99 = tpu.vector_load %arg8[%swap3A_97, %swap3A_98] {strides = array<i32>} : memref<64x512xf32, #tpu.memory_space<vmem>>, vector<16xf32>,
        tpu.vector_store %arg8[%swap3A_97, %swap3A_98], %broadcast_in_dim3A_3 {strides = array<i32>} : memref<64x512xf32, #tpu.memory_space<vmem>>, vector<16xf32>,
        %scan3A_100 = arith.constant 4 : i32
        %scan3A_101 = arith.addi %scan3A_58, %scan3A_100 : i32
        %mul3A_102 = arith.constant 1 : i32
        %mul3A_103 = arith.muli %scan3A_101, %mul3A_102 : i32
        %add3A_104 = arith.constant 0 : i32
        %add3A_105 = arith.addi %add3A_104, %mul3A_103 : i32
        %mul3A_106 = arith.constant 16 : i32
        %mul3A_107 = arith.muli %add3A_105, %mul3A_106 : i32
        %swap3A_108 = arith.index_cast %add3A_47 : i32 to index
        %swap3A_109 = arith.index_cast %mul3A_107 : i32 to index
        %swap3A_110 = tpu.vector_load %arg8[%swap3A_108, %swap3A_109] {strides = array<i32>} : memref<64x512xf32, #tpu.memory_space<vmem>>, vector<16xf32>,
        tpu.vector_store %arg8[%swap3A_108, %swap3A_109], %broadcast_in_dim3A_3 {strides = array<i32>} : memref<64x512xf32, #tpu.memory_space<vmem>>, vector<16xf32>,
        %scan3A_111 = arith.constant 5 : i32
        %scan3A_112 = arith.addi %scan3A_58, %scan3A_111 : i32
        %mul3A_113 = arith.constant 1 : i32
        %mul3A_114 = arith.muli %scan3A_112, %mul3A_113 : i32
        %add3A_115 = arith.constant 0 : i32
        %add3A_116 = arith.addi %add3A_115, %mul3A_114 : i32
        %mul3A_117 = arith.constant 16 : i32
        %mul3A_118 = arith.muli %add3A_116, %mul3A_117 : i32
        %swap3A_119 = arith.index_cast %add3A_47 : i32 to index
        %swap3A_120 = arith.index_cast %mul3A_118 : i32 to index
        %swap3A_121 = tpu.vector_load %arg8[%swap3A_119, %swap3A_120] {strides = array<i32>} : memref<64x512xf32, #tpu.memory_space<vmem>>, vector<16xf32>,
        tpu.vector_store %arg8[%swap3A_119, %swap3A_120], %broadcast_in_dim3A_3 {strides = array<i32>} : memref<64x512xf32, #tpu.memory_space<vmem>>, vector<16xf32>,
        %scan3A_122 = arith.constant 6 : i32
        %scan3A_123 = arith.addi %scan3A_58, %scan3A_122 : i32
        %mul3A_124 = arith.constant 1 : i32
        %mul3A_125 = arith.muli %scan3A_123, %mul3A_124 : i32
        %add3A_126 = arith.constant 0 : i32
        %add3A_127 = arith.addi %add3A_126, %mul3A_125 : i32
        %mul3A_128 = arith.constant 16 : i32
        %mul3A_129 = arith.muli %add3A_127, %mul3A_128 : i32
        %swap3A_130 = arith.index_cast %add3A_47 : i32 to index
        %swap3A_131 = arith.index_cast %mul3A_129 : i32 to index
        %swap3A_132 = tpu.vector_load %arg8[%swap3A_130, %swap3A_131] {strides = array<i32>} : memref<64x512xf32, #tpu.memory_space<vmem>>, vector<16xf32>,
        tpu.vector_store %arg8[%swap3A_130, %swap3A_131], %broadcast_in_dim3A_3 {strides = array<i32>} : memref<64x512xf32, #tpu.memory_space<vmem>>, vector<16xf32>,
        %scan3A_133 = arith.constant 7 : i32
        %scan3A_134 = arith.addi %scan3A_58, %scan3A_133 : i32
        %mul3A_135 = arith.constant 1 : i32
        %mul3A_136 = arith.muli %scan3A_134, %mul3A_135 : i32
        %add3A_137 = arith.constant 0 : i32
        %add3A_138 = arith.addi %add3A_137, %mul3A_136 : i32
        %mul3A_139 = arith.constant 16 : i32
        %mul3A_140 = arith.muli %add3A_138, %mul3A_139 : i32
        %swap3A_141 = arith.index_cast %add3A_47 : i32 to index
        %swap3A_142 = arith.index_cast %mul3A_140 : i32 to index
        %swap3A_143 = tpu.vector_load %arg8[%swap3A_141, %swap3A_142] {strides = array<i32>} : memref<64x512xf32, #tpu.memory_space<vmem>>, vector<16xf32>,
        tpu.vector_store %arg8[%swap3A_141, %swap3A_142], %broadcast_in_dim3A_3 {strides = array<i32>} : memref<64x512xf32, #tpu.memory_space<vmem>>, vector<16xf32>,
      }
      %scan3A_52 = arith.constant 32 : i32
      %scan3A_53 = arith.constant 0 : i32
      %scan3A_54 = arith.constant 32 : i32
      %scan3A_55 = arith.addi %scan3A_53, %scan3A_54 : i32
      %scan3A_56 = arith.constant 8 : i32
      scf.for %scan3A_58 = %scan3A_53 to %scan3A_55 step %scan3A_56  : i32 {
        %mul3A_59 = arith.constant 1 : i32
        %mul3A_60 = arith.muli %scan3A_58, %mul3A_59 : i32
        %add3A_61 = arith.constant 0 : i32
        %add3A_62 = arith.addi %add3A_61, %mul3A_60 : i32
        %mul3A_63 = arith.constant 16 : i32
        %mul3A_64 = arith.muli %add3A_62, %mul3A_63 : i32
        %swap3A = arith.index_cast %add3A_47 : i32 to index
        %swap3A_65 = arith.index_cast %mul3A_64 : i32 to index
        %swap3A_66 = tpu.vector_load %arg9[%swap3A, %swap3A_65] {strides = array<i32>} : memref<64x512xf32, #tpu.memory_space<vmem>>, vector<16xf32>,
        tpu.vector_store %arg9[%swap3A, %swap3A_65], %broadcast_in_dim3A_3 {strides = array<i32>} : memref<64x512xf32, #tpu.memory_space<vmem>>, vector<16xf32>,
        %scan3A_67 = arith.constant 1 : i32
        %scan3A_68 = arith.addi %scan3A_58, %scan3A_67 : i32
        %mul3A_69 = arith.constant 1 : i32
        %mul3A_70 = arith.muli %scan3A_68, %mul3A_69 : i32
        %add3A_71 = arith.constant 0 : i32
        %add3A_72 = arith.addi %add3A_71, %mul3A_70 : i32
        %mul3A_73 = arith.constant 16 : i32
        %mul3A_74 = arith.muli %add3A_72, %mul3A_73 : i32
        %swap3A_75 = arith.index_cast %add3A_47 : i32 to index
        %swap3A_76 = arith.index_cast %mul3A_74 : i32 to index
        %swap3A_77 = tpu.vector_load %arg9[%swap3A_75, %swap3A_76] {strides = array<i32>} : memref<64x512xf32, #tpu.memory_space<vmem>>, vector<16xf32>,
        tpu.vector_store %arg9[%swap3A_75, %swap3A_76], %broadcast_in_dim3A_3 {strides = array<i32>} : memref<64x512xf32, #tpu.memory_space<vmem>>, vector<16xf32>,
        %scan3A_78 = arith.constant 2 : i32
        %scan3A_79 = arith.addi %scan3A_58, %scan3A_78 : i32
        %mul3A_80 = arith.constant 1 : i32
        %mul3A_81 = arith.muli %scan3A_79, %mul3A_80 : i32
        %add3A_82 = arith.constant 0 : i32
        %add3A_83 = arith.addi %add3A_82, %mul3A_81 : i32
        %mul3A_84 = arith.constant 16 : i32
        %mul3A_85 = arith.muli %add3A_83, %mul3A_84 : i32
        %swap3A_86 = arith.index_cast %add3A_47 : i32 to index
        %swap3A_87 = arith.index_cast %mul3A_85 : i32 to index
        %swap3A_88 = tpu.vector_load %arg9[%swap3A_86, %swap3A_87] {strides = array<i32>} : memref<64x512xf32, #tpu.memory_space<vmem>>, vector<16xf32>,
        tpu.vector_store %arg9[%swap3A_86, %swap3A_87], %broadcast_in_dim3A_3 {strides = array<i32>} : memref<64x512xf32, #tpu.memory_space<vmem>>, vector<16xf32>,
        %scan3A_89 = arith.constant 3 : i32
        %scan3A_90 = arith.addi %scan3A_58, %scan3A_89 : i32
        %mul3A_91 = arith.constant 1 : i32
        %mul3A_92 = arith.muli %scan3A_90, %mul3A_91 : i32
        %add3A_93 = arith.constant 0 : i32
        %add3A_94 = arith.addi %add3A_93, %mul3A_92 : i32
        %mul3A_95 = arith.constant 16 : i32
        %mul3A_96 = arith.muli %add3A_94, %mul3A_95 : i32
        %swap3A_97 = arith.index_cast %add3A_47 : i32 to index
        %swap3A_98 = arith.index_cast %mul3A_96 : i32 to index
        %swap3A_99 = tpu.vector_load %arg9[%swap3A_97, %swap3A_98] {strides = array<i32>} : memref<64x512xf32, #tpu.memory_space<vmem>>, vector<16xf32>,
        tpu.vector_store %arg9[%swap3A_97, %swap3A_98], %broadcast_in_dim3A_3 {strides = array<i32>} : memref<64x512xf32, #tpu.memory_space<vmem>>, vector<16xf32>,
        %scan3A_100 = arith.constant 4 : i32
        %scan3A_101 = arith.addi %scan3A_58, %scan3A_100 : i32
        %mul3A_102 = arith.constant 1 : i32
        %mul3A_103 = arith.muli %scan3A_101, %mul3A_102 : i32
        %add3A_104 = arith.constant 0 : i32
        %add3A_105 = arith.addi %add3A_104, %mul3A_103 : i32
        %mul3A_106 = arith.constant 16 : i32
        %mul3A_107 = arith.muli %add3A_105, %mul3A_106 : i32
        %swap3A_108 = arith.index_cast %add3A_47 : i32 to index
        %swap3A_109 = arith.index_cast %mul3A_107 : i32 to index
        %swap3A_110 = tpu.vector_load %arg9[%swap3A_108, %swap3A_109] {strides = array<i32>} : memref<64x512xf32, #tpu.memory_space<vmem>>, vector<16xf32>,
        tpu.vector_store %arg9[%swap3A_108, %swap3A_109], %broadcast_in_dim3A_3 {strides = array<i32>} : memref<64x512xf32, #tpu.memory_space<vmem>>, vector<16xf32>,
        %scan3A_111 = arith.constant 5 : i32
        %scan3A_112 = arith.addi %scan3A_58, %scan3A_111 : i32
        %mul3A_113 = arith.constant 1 : i32
        %mul3A_114 = arith.muli %scan3A_112, %mul3A_113 : i32
        %add3A_115 = arith.constant 0 : i32
        %add3A_116 = arith.addi %add3A_115, %mul3A_114 : i32
        %mul3A_117 = arith.constant 16 : i32
        %mul3A_118 = arith.muli %add3A_116, %mul3A_117 : i32
        %swap3A_119 = arith.index_cast %add3A_47 : i32 to index
        %swap3A_120 = arith.index_cast %mul3A_118 : i32 to index
        %swap3A_121 = tpu.vector_load %arg9[%swap3A_119, %swap3A_120] {strides = array<i32>} : memref<64x512xf32, #tpu.memory_space<vmem>>, vector<16xf32>,
        tpu.vector_store %arg9[%swap3A_119, %swap3A_120], %broadcast_in_dim3A_3 {strides = array<i32>} : memref<64x512xf32, #tpu.memory_space<vmem>>, vector<16xf32>,
        %scan3A_122 = arith.constant 6 : i32
        %scan3A_123 = arith.addi %scan3A_58, %scan3A_122 : i32
        %mul3A_124 = arith.constant 1 : i32
        %mul3A_125 = arith.muli %scan3A_123, %mul3A_124 : i32
        %add3A_126 = arith.constant 0 : i32
        %add3A_127 = arith.addi %add3A_126, %mul3A_125 : i32
        %mul3A_128 = arith.constant 16 : i32
        %mul3A_129 = arith.muli %add3A_127, %mul3A_128 : i32
        %swap3A_130 = arith.index_cast %add3A_47 : i32 to index
        %swap3A_131 = arith.index_cast %mul3A_129 : i32 to index
        %swap3A_132 = tpu.vector_load %arg9[%swap3A_130, %swap3A_131] {strides = array<i32>} : memref<64x512xf32, #tpu.memory_space<vmem>>, vector<16xf32>,
        tpu.vector_store %arg9[%swap3A_130, %swap3A_131], %broadcast_in_dim3A_3 {strides = array<i32>} : memref<64x512xf32, #tpu.memory_space<vmem>>, vector<16xf32>,
        %scan3A_133 = arith.constant 7 : i32
        %scan3A_134 = arith.addi %scan3A_58, %scan3A_133 : i32
        %mul3A_135 = arith.constant 1 : i32
        %mul3A_136 = arith.muli %scan3A_134, %mul3A_135 : i32
        %add3A_137 = arith.constant 0 : i32
        %add3A_138 = arith.addi %add3A_137, %mul3A_136 : i32
        %mul3A_139 = arith.constant 16 : i32
        %mul3A_140 = arith.muli %add3A_138, %mul3A_139 : i32
        %swap3A_141 = arith.index_cast %add3A_47 : i32 to index
        %swap3A_142 = arith.index_cast %mul3A_140 : i32 to index
        %swap3A_143 = tpu.vector_load %arg9[%swap3A_141, %swap3A_142] {strides = array<i32>} : memref<64x512xf32, #tpu.memory_space<vmem>>, vector<16xf32>,
        tpu.vector_store %arg9[%swap3A_141, %swap3A_142], %broadcast_in_dim3A_3 {strides = array<i32>} : memref<64x512xf32, #tpu.memory_space<vmem>>, vector<16xf32>,
      }
      %scan3A_57 = arith.constant 32 : i32
    }
    %scan3A_7 = arith.constant 64 : i32
    %dma_start3A = arith.constant 0 : i32
    %dma_start3A_8 = arith.constant 0 : i32
    %dma_start3A_9 = tpu.memref_slice %arg2[%mul3A_2, %dma_start3A, %dma_start3A_8] : memref<384x224x224xf32, #tpu.memory_space<hbm>> -> memref<1x112x224xf32, #tpu.memory_space<hbm>>
    %dma_start3A_10 = tpu.memref_squeeze %dma_start3A_9 : memref<1x112x224xf32, #tpu.memory_space<hbm>> -> memref<112x224xf32, #tpu.memory_space<hbm>>
    %dma_start3A_11 = arith.constant 0 : i32
    %dma_start3A_12 = arith.constant 0 : i32
    %dma_start3A_13 = tpu.memref_slice %arg2[%mul3A_2, %dma_start3A_11, %dma_start3A_12] : memref<384x224x224xf32, #tpu.memory_space<hbm>> -> memref<1x112x224xf32, #tpu.memory_space<hbm>>
    %dma_start3A_14 = tpu.memref_squeeze %dma_start3A_13 : memref<1x112x224xf32, #tpu.memory_space<hbm>> -> memref<112x224xf32, #tpu.memory_space<hbm>>
    tpu.enqueue_dma source(%dma_start3A_14 : memref<112x224xf32, #tpu.memory_space<hbm>>) target(%arg6 : memref<112x224xf32, #tpu.memory_space<vmem>>) target_semaphore(%arg10 : memref<!tpu.dma_semaphore, #tpu.memory_space<semaphore_mem>>)
    %dma_start3A_15 = arith.constant 112 : i32
    %dma_start3A_16 = arith.constant 0 : i32
    %dma_start3A_17 = tpu.memref_slice %arg2[%mul3A_2, %dma_start3A_15, %dma_start3A_16] : memref<384x224x224xf32, #tpu.memory_space<hbm>> -> memref<1x112x224xf32, #tpu.memory_space<hbm>>
    %dma_start3A_18 = tpu.memref_squeeze %dma_start3A_17 : memref<1x112x224xf32, #tpu.memory_space<hbm>> -> memref<112x224xf32, #tpu.memory_space<hbm>>
    %dma_start3A_19 = arith.constant 112 : i32
    %dma_start3A_20 = arith.constant 0 : i32
    %dma_start3A_21 = tpu.memref_slice %arg2[%mul3A_2, %dma_start3A_19, %dma_start3A_20] : memref<384x224x224xf32, #tpu.memory_space<hbm>> -> memref<1x112x224xf32, #tpu.memory_space<hbm>>
    %dma_start3A_22 = tpu.memref_squeeze %dma_start3A_21 : memref<1x112x224xf32, #tpu.memory_space<hbm>> -> memref<112x224xf32, #tpu.memory_space<hbm>>
    tpu.enqueue_dma source(%dma_start3A_22 : memref<112x224xf32, #tpu.memory_space<hbm>>) target(%arg7 : memref<112x224xf32, #tpu.memory_space<vmem>>) target_semaphore(%arg11 : memref<!tpu.dma_semaphore, #tpu.memory_space<semaphore_mem>>)
    %scan3A_23 = arith.constant 0 : i32
    %scan3A_24 = arith.constant 12 : i32
    %scan3A_25 = arith.addi %scan3A_23, %scan3A_24 : i32
    %scan3A_26 = arith.constant 1 : i32
    scf.for %scan3A_43 = %scan3A_23 to %scan3A_25 step %scan3A_26  : i32 {
      %mul3A_44 = arith.constant 1 : i32
      %mul3A_45 = arith.muli %scan3A_43, %mul3A_44 : i32
      %add3A_46 = arith.constant 0 : i32
      %add3A_47 = arith.addi %add3A_46, %mul3A_45 : i32
      %add3A_48 = arith.addi %mul3A_2, %add3A_47 : i32
      %dma_wait3A_49 = arith.constant 0 : i32
      %dma_wait3A_50 = arith.constant 0 : i32
      %dma_wait3A_51 = tpu.memref_slice %arg2[%add3A_48, %dma_wait3A_49, %dma_wait3A_50] : memref<384x224x224xf32, #tpu.memory_space<hbm>> -> memref<1x112x224xf32, #tpu.memory_space<hbm>>
      %dma_wait3A_52 = tpu.memref_squeeze %dma_wait3A_51 : memref<1x112x224xf32, #tpu.memory_space<hbm>> -> memref<112x224xf32, #tpu.memory_space<hbm>>
      %dma_wait3A_53 = arith.constant 0 : i32
      %dma_wait3A_54 = arith.constant 0 : i32
      %dma_wait3A_55 = tpu.memref_slice %arg2[%add3A_48, %dma_wait3A_53, %dma_wait3A_54] : memref<384x224x224xf32, #tpu.memory_space<hbm>> -> memref<1x112x224xf32, #tpu.memory_space<hbm>>
      %dma_wait3A_56 = tpu.memref_squeeze %dma_wait3A_55 : memref<1x112x224xf32, #tpu.memory_space<hbm>> -> memref<112x224xf32, #tpu.memory_space<hbm>>
      tpu.wait_dma2 semaphore(%arg10 : memref<!tpu.dma_semaphore, #tpu.memory_space<semaphore_mem>>) src(%dma_wait3A_56 : memref<112x224xf32, #tpu.memory_space<hbm>>) dst(%arg6 : memref<112x224xf32, #tpu.memory_space<vmem>>)
      %gt3A = arith.constant 0 : i32
      %gt3A_57 = arith.cmpi sgt, %add3A_47, %gt3A : i32
      %convert_element_type3A = arith.extui %gt3A_57 : i1 to i32
      %cond3A = arith.constant 0 : i32
      %cond3A_58 = arith.cmpi ne, %convert_element_type3A, %cond3A : i32
      scf.if %cond3A_58 {
        %dma_wait3A_220 = arith.constant 0 : i32
        %dma_wait3A_221 = arith.constant 0 : i32
        %dma_wait3A_222 = tpu.memref_slice %arg4[%add3A_48, %dma_wait3A_220, %dma_wait3A_221] : memref<384x512x512xf32, #tpu.memory_space<hbm>> -> memref<1x64x512xf32, #tpu.memory_space<hbm>>
        %dma_wait3A_223 = tpu.memref_squeeze %dma_wait3A_222 : memref<1x64x512xf32, #tpu.memory_space<hbm>> -> memref<64x512xf32, #tpu.memory_space<hbm>>
        %dma_wait3A_224 = arith.constant 0 : i32
        %dma_wait3A_225 = arith.constant 0 : i32
        %dma_wait3A_226 = tpu.memref_slice %arg4[%add3A_48, %dma_wait3A_224, %dma_wait3A_225] : memref<384x512x512xf32, #tpu.memory_space<hbm>> -> memref<1x64x512xf32, #tpu.memory_space<hbm>>
        %dma_wait3A_227 = tpu.memref_squeeze %dma_wait3A_226 : memref<1x64x512xf32, #tpu.memory_space<hbm>> -> memref<64x512xf32, #tpu.memory_space<hbm>>
        tpu.wait_dma2 semaphore(%arg12 : memref<!tpu.dma_semaphore, #tpu.memory_space<semaphore_mem>>) src(%arg8 : memref<64x512xf32, #tpu.memory_space<vmem>>) dst(%dma_wait3A_227 : memref<64x512xf32, #tpu.memory_space<hbm>>)
      } else {
      }
      %parallel_loop3A = arith.constant 0 : i32
      %parallel_loop3A_59 = arith.constant 392 : i32
      %parallel_loop3A_60 = arith.constant 1 : i32
      scf.for %parallel_loop3A_220 = %parallel_loop3A to %parallel_loop3A_59 step %parallel_loop3A_60  : i32 {
        %parallel_loop3A_221 = arith.constant 14 : i32
        %parallel_loop3A_222 = arith.divsi %parallel_loop3A_220, %parallel_loop3A_221 : i32
        %parallel_loop3A_223 = arith.constant 0 : i32
        %parallel_loop3A_224 = arith.cmpi sgt, %parallel_loop3A_220, %parallel_loop3A_223 : i32
        %parallel_loop3A_225 = arith.extui %parallel_loop3A_224 : i1 to i32
        %parallel_loop3A_226 = arith.constant 0 : i32
        %parallel_loop3A_227 = arith.cmpi slt, %parallel_loop3A_220, %parallel_loop3A_226 : i32
        %parallel_loop3A_228 = arith.extui %parallel_loop3A_227 : i1 to i32
        %parallel_loop3A_229 = arith.subi %parallel_loop3A_225, %parallel_loop3A_228 : i32
        %parallel_loop3A_230 = arith.constant 0 : i32
        %parallel_loop3A_231 = arith.cmpi sgt, %parallel_loop3A_221, %parallel_loop3A_230 : i32
        %parallel_loop3A_232 = arith.extui %parallel_loop3A_231 : i1 to i32
        %parallel_loop3A_233 = arith.constant 0 : i32
        %parallel_loop3A_234 = arith.cmpi slt, %parallel_loop3A_221, %parallel_loop3A_233 : i32
        %parallel_loop3A_235 = arith.extui %parallel_loop3A_234 : i1 to i32
        %parallel_loop3A_236 = arith.subi %parallel_loop3A_232, %parallel_loop3A_235 : i32
        %parallel_loop3A_237 = arith.cmpi ne, %parallel_loop3A_229, %parallel_loop3A_236 : i32
        %parallel_loop3A_238 = arith.remsi %parallel_loop3A_220, %parallel_loop3A_221 : i32
        %parallel_loop3A_239 = arith.constant 0 : i32
        %parallel_loop3A_240 = arith.cmpi ne, %parallel_loop3A_238, %parallel_loop3A_239 : i32
        %parallel_loop3A_241 = arith.andi %parallel_loop3A_237, %parallel_loop3A_240 : i1
        %parallel_loop3A_242 = arith.constant 1 : i32
        %parallel_loop3A_243 = arith.subi %parallel_loop3A_222, %parallel_loop3A_242 : i32
        %parallel_loop3A_244 = arith.select %parallel_loop3A_241, %parallel_loop3A_243, %parallel_loop3A_222 : i32
        %parallel_loop3A_245 = arith.constant 14 : i32
        %parallel_loop3A_246 = arith.constant 0 : i32
        %parallel_loop3A_247 = arith.cmpi eq, %parallel_loop3A_245, %parallel_loop3A_246 : i32
        %parallel_loop3A_248 = arith.constant 1 : i32
        %parallel_loop3A_249 = arith.select %parallel_loop3A_247, %parallel_loop3A_248, %parallel_loop3A_245 : i32
        %parallel_loop3A_250 = arith.remsi %parallel_loop3A_220, %parallel_loop3A_249 : i32
        %parallel_loop3A_251 = arith.constant 0 : i32
        %parallel_loop3A_252 = arith.cmpi ne, %parallel_loop3A_250, %parallel_loop3A_251 : i32
        %parallel_loop3A_253 = arith.constant 0 : i32
        %parallel_loop3A_254 = arith.cmpi slt, %parallel_loop3A_250, %parallel_loop3A_253 : i32
        %parallel_loop3A_255 = arith.constant 0 : i32
        %parallel_loop3A_256 = arith.cmpi slt, %parallel_loop3A_249, %parallel_loop3A_255 : i32
        %parallel_loop3A_257 = arith.xori %parallel_loop3A_254, %parallel_loop3A_256 : i1
        %parallel_loop3A_258 = arith.andi %parallel_loop3A_257, %parallel_loop3A_252 : i1
        %parallel_loop3A_259 = arith.addi %parallel_loop3A_250, %parallel_loop3A_249 : i32
        %parallel_loop3A_260 = arith.select %parallel_loop3A_258, %parallel_loop3A_259, %parallel_loop3A_250 : i32
        %parallel_loop3A_261 = arith.constant 16 : i32
        %parallel_loop3A_262 = arith.muli %parallel_loop3A_220, %parallel_loop3A_261 : i32
        %parallel_loop3A_263 = arith.index_cast %parallel_loop3A_262 : i32 to index
        %parallel_loop3A_264 = tpu.vector_load %arg5[%parallel_loop3A_263] {strides = array<i32>} : memref<6272xi32, #tpu.memory_space<vmem>>, vector<16xi32>,
        %parallel_loop3A_265 = arith.constant 9 : i32
        %parallel_loop3A_266 = vector.broadcast %parallel_loop3A_265 : i32 to vector<16xi32>
        %parallel_loop3A_267 = arith.shrui %parallel_loop3A_264, %parallel_loop3A_266 : vector<16xi32>
        %parallel_loop3A_268 = arith.constant 511 : i32
        %parallel_loop3A_269 = vector.broadcast %parallel_loop3A_268 : i32 to vector<16xi32>
        %parallel_loop3A_270 = arith.andi %parallel_loop3A_264, %parallel_loop3A_269 : vector<16xi32>
        %parallel_loop3A_271 = arith.constant 0 : i32
        %parallel_loop3A_272 = arith.addi %parallel_loop3A_271, %parallel_loop3A_244 : i32
        %parallel_loop3A_273 = arith.constant 16 : i32
        %parallel_loop3A_274 = arith.muli %parallel_loop3A_260, %parallel_loop3A_273 : i32
        %parallel_loop3A_275 = arith.index_cast %parallel_loop3A_272 : i32 to index
        %parallel_loop3A_276 = arith.index_cast %parallel_loop3A_274 : i32 to index
        %parallel_loop3A_277 = tpu.vector_load %arg6[%parallel_loop3A_275, %parallel_loop3A_276] {strides = array<i32>} : memref<112x224xf32, #tpu.memory_space<vmem>>, vector<16xf32>,
        tpu.vector_store_idx %arg8[%parallel_loop3A_267, %parallel_loop3A_270], %parallel_loop3A_277 : memref<64x512xf32, #tpu.memory_space<vmem>>[vector<16xi32>, vector<16xi32>], vector<16xf32>,
      } {sc.loop_unroll_factor = 14 : i64, sc.parallel_access}
      %dma_start3A_61 = arith.constant 0 : i32
      %dma_start3A_62 = arith.constant 0 : i32
      %dma_start3A_63 = tpu.memref_slice %arg4[%add3A_48, %dma_start3A_61, %dma_start3A_62] : memref<384x512x512xf32, #tpu.memory_space<hbm>> -> memref<1x64x512xf32, #tpu.memory_space<hbm>>
      %dma_start3A_64 = tpu.memref_squeeze %dma_start3A_63 : memref<1x64x512xf32, #tpu.memory_space<hbm>> -> memref<64x512xf32, #tpu.memory_space<hbm>>
      %dma_start3A_65 = arith.constant 0 : i32
      %dma_start3A_66 = arith.constant 0 : i32
      %dma_start3A_67 = tpu.memref_slice %arg4[%add3A_48, %dma_start3A_65, %dma_start3A_66] : memref<384x512x512xf32, #tpu.memory_space<hbm>> -> memref<1x64x512xf32, #tpu.memory_space<hbm>>
      %dma_start3A_68 = tpu.memref_squeeze %dma_start3A_67 : memref<1x64x512xf32, #tpu.memory_space<hbm>> -> memref<64x512xf32, #tpu.memory_space<hbm>>
      tpu.enqueue_dma source(%arg8 : memref<64x512xf32, #tpu.memory_space<vmem>>) target(%dma_start3A_68 : memref<64x512xf32, #tpu.memory_space<hbm>>) target_semaphore(%arg12 : memref<!tpu.dma_semaphore, #tpu.memory_space<semaphore_mem>>)
      %gt3A_69 = arith.constant 0 : i32
      %gt3A_70 = arith.cmpi sgt, %add3A_47, %gt3A_69 : i32
      %convert_element_type3A_71 = arith.extui %gt3A_70 : i1 to i32
      %cond3A_72 = arith.constant 0 : i32
      %cond3A_73 = arith.cmpi ne, %convert_element_type3A_71, %cond3A_72 : i32
      scf.if %cond3A_73 {
        %dma_wait3A_220 = arith.constant 64 : i32
        %dma_wait3A_221 = arith.constant 0 : i32
        %dma_wait3A_222 = tpu.memref_slice %arg4[%add3A_48, %dma_wait3A_220, %dma_wait3A_221] : memref<384x512x512xf32, #tpu.memory_space<hbm>> -> memref<1x64x512xf32, #tpu.memory_space<hbm>>
        %dma_wait3A_223 = tpu.memref_squeeze %dma_wait3A_222 : memref<1x64x512xf32, #tpu.memory_space<hbm>> -> memref<64x512xf32, #tpu.memory_space<hbm>>
        %dma_wait3A_224 = arith.constant 64 : i32
        %dma_wait3A_225 = arith.constant 0 : i32
        %dma_wait3A_226 = tpu.memref_slice %arg4[%add3A_48, %dma_wait3A_224, %dma_wait3A_225] : memref<384x512x512xf32, #tpu.memory_space<hbm>> -> memref<1x64x512xf32, #tpu.memory_space<hbm>>
        %dma_wait3A_227 = tpu.memref_squeeze %dma_wait3A_226 : memref<1x64x512xf32, #tpu.memory_space<hbm>> -> memref<64x512xf32, #tpu.memory_space<hbm>>
        tpu.wait_dma2 semaphore(%arg13 : memref<!tpu.dma_semaphore, #tpu.memory_space<semaphore_mem>>) src(%arg9 : memref<64x512xf32, #tpu.memory_space<vmem>>) dst(%dma_wait3A_227 : memref<64x512xf32, #tpu.memory_space<hbm>>)
      } else {
      }
      %parallel_loop3A_74 = arith.constant 0 : i32
      %parallel_loop3A_75 = arith.constant 392 : i32
      %parallel_loop3A_76 = arith.constant 1 : i32
      scf.for %parallel_loop3A_220 = %parallel_loop3A_74 to %parallel_loop3A_75 step %parallel_loop3A_76  : i32 {
        %parallel_loop3A_221 = arith.constant 14 : i32
        %parallel_loop3A_222 = arith.divsi %parallel_loop3A_220, %parallel_loop3A_221 : i32
        %parallel_loop3A_223 = arith.constant 0 : i32
        %parallel_loop3A_224 = arith.cmpi sgt, %parallel_loop3A_220, %parallel_loop3A_223 : i32
        %parallel_loop3A_225 = arith.extui %parallel_loop3A_224 : i1 to i32
        %parallel_loop3A_226 = arith.constant 0 : i32
        %parallel_loop3A_227 = arith.cmpi slt, %parallel_loop3A_220, %parallel_loop3A_226 : i32
        %parallel_loop3A_228 = arith.extui %parallel_loop3A_227 : i1 to i32
        %parallel_loop3A_229 = arith.subi %parallel_loop3A_225, %parallel_loop3A_228 : i32
        %parallel_loop3A_230 = arith.constant 0 : i32
        %parallel_loop3A_231 = arith.cmpi sgt, %parallel_loop3A_221, %parallel_loop3A_230 : i32
        %parallel_loop3A_232 = arith.extui %parallel_loop3A_231 : i1 to i32
        %parallel_loop3A_233 = arith.constant 0 : i32
        %parallel_loop3A_234 = arith.cmpi slt, %parallel_loop3A_221, %parallel_loop3A_233 : i32
        %parallel_loop3A_235 = arith.extui %parallel_loop3A_234 : i1 to i32
        %parallel_loop3A_236 = arith.subi %parallel_loop3A_232, %parallel_loop3A_235 : i32
        %parallel_loop3A_237 = arith.cmpi ne, %parallel_loop3A_229, %parallel_loop3A_236 : i32
        %parallel_loop3A_238 = arith.remsi %parallel_loop3A_220, %parallel_loop3A_221 : i32
        %parallel_loop3A_239 = arith.constant 0 : i32
        %parallel_loop3A_240 = arith.cmpi ne, %parallel_loop3A_238, %parallel_loop3A_239 : i32
        %parallel_loop3A_241 = arith.andi %parallel_loop3A_237, %parallel_loop3A_240 : i1
        %parallel_loop3A_242 = arith.constant 1 : i32
        %parallel_loop3A_243 = arith.subi %parallel_loop3A_222, %parallel_loop3A_242 : i32
        %parallel_loop3A_244 = arith.select %parallel_loop3A_241, %parallel_loop3A_243, %parallel_loop3A_222 : i32
        %parallel_loop3A_245 = arith.constant 14 : i32
        %parallel_loop3A_246 = arith.constant 0 : i32
        %parallel_loop3A_247 = arith.cmpi eq, %parallel_loop3A_245, %parallel_loop3A_246 : i32
        %parallel_loop3A_248 = arith.constant 1 : i32
        %parallel_loop3A_249 = arith.select %parallel_loop3A_247, %parallel_loop3A_248, %parallel_loop3A_245 : i32
        %parallel_loop3A_250 = arith.remsi %parallel_loop3A_220, %parallel_loop3A_249 : i32
        %parallel_loop3A_251 = arith.constant 0 : i32
        %parallel_loop3A_252 = arith.cmpi ne, %parallel_loop3A_250, %parallel_loop3A_251 : i32
        %parallel_loop3A_253 = arith.constant 0 : i32
        %parallel_loop3A_254 = arith.cmpi slt, %parallel_loop3A_250, %parallel_loop3A_253 : i32
        %parallel_loop3A_255 = arith.constant 0 : i32
        %parallel_loop3A_256 = arith.cmpi slt, %parallel_loop3A_249, %parallel_loop3A_255 : i32
        %parallel_loop3A_257 = arith.xori %parallel_loop3A_254, %parallel_loop3A_256 : i1
        %parallel_loop3A_258 = arith.andi %parallel_loop3A_257, %parallel_loop3A_252 : i1
        %parallel_loop3A_259 = arith.addi %parallel_loop3A_250, %parallel_loop3A_249 : i32
        %parallel_loop3A_260 = arith.select %parallel_loop3A_258, %parallel_loop3A_259, %parallel_loop3A_250 : i32
        %parallel_loop3A_261 = arith.constant 16 : i32
        %parallel_loop3A_262 = arith.muli %parallel_loop3A_220, %parallel_loop3A_261 : i32
        %parallel_loop3A_263 = arith.index_cast %parallel_loop3A_262 : i32 to index
        %parallel_loop3A_264 = tpu.vector_load %arg5[%parallel_loop3A_263] {strides = array<i32>} : memref<6272xi32, #tpu.memory_space<vmem>>, vector<16xi32>,
        %parallel_loop3A_265 = arith.constant 9 : i32
        %parallel_loop3A_266 = vector.broadcast %parallel_loop3A_265 : i32 to vector<16xi32>
        %parallel_loop3A_267 = arith.shrui %parallel_loop3A_264, %parallel_loop3A_266 : vector<16xi32>
        %parallel_loop3A_268 = arith.constant 511 : i32
        %parallel_loop3A_269 = vector.broadcast %parallel_loop3A_268 : i32 to vector<16xi32>
        %parallel_loop3A_270 = arith.andi %parallel_loop3A_264, %parallel_loop3A_269 : vector<16xi32>
        %parallel_loop3A_271 = arith.constant 28 : i32
        %parallel_loop3A_272 = arith.addi %parallel_loop3A_271, %parallel_loop3A_244 : i32
        %parallel_loop3A_273 = arith.constant 16 : i32
        %parallel_loop3A_274 = arith.muli %parallel_loop3A_260, %parallel_loop3A_273 : i32
        %parallel_loop3A_275 = arith.index_cast %parallel_loop3A_272 : i32 to index
        %parallel_loop3A_276 = arith.index_cast %parallel_loop3A_274 : i32 to index
        %parallel_loop3A_277 = tpu.vector_load %arg6[%parallel_loop3A_275, %parallel_loop3A_276] {strides = array<i32>} : memref<112x224xf32, #tpu.memory_space<vmem>>, vector<16xf32>,
        tpu.vector_store_idx %arg9[%parallel_loop3A_267, %parallel_loop3A_270], %parallel_loop3A_277 : memref<64x512xf32, #tpu.memory_space<vmem>>[vector<16xi32>, vector<16xi32>], vector<16xf32>,
      } {sc.loop_unroll_factor = 14 : i64, sc.parallel_access}
      %dma_start3A_77 = arith.constant 64 : i32
      %dma_start3A_78 = arith.constant 0 : i32
      %dma_start3A_79 = tpu.memref_slice %arg4[%add3A_48, %dma_start3A_77, %dma_start3A_78] : memref<384x512x512xf32, #tpu.memory_space<hbm>> -> memref<1x64x512xf32, #tpu.memory_space<hbm>>
      %dma_start3A_80 = tpu.memref_squeeze %dma_start3A_79 : memref<1x64x512xf32, #tpu.memory_space<hbm>> -> memref<64x512xf32, #tpu.memory_space<hbm>>
      %dma_start3A_81 = arith.constant 64 : i32
      %dma_start3A_82 = arith.constant 0 : i32
      %dma_start3A_83 = tpu.memref_slice %arg4[%add3A_48, %dma_start3A_81, %dma_start3A_82] : memref<384x512x512xf32, #tpu.memory_space<hbm>> -> memref<1x64x512xf32, #tpu.memory_space<hbm>>
      %dma_start3A_84 = tpu.memref_squeeze %dma_start3A_83 : memref<1x64x512xf32, #tpu.memory_space<hbm>> -> memref<64x512xf32, #tpu.memory_space<hbm>>
      tpu.enqueue_dma source(%arg9 : memref<64x512xf32, #tpu.memory_space<vmem>>) target(%dma_start3A_84 : memref<64x512xf32, #tpu.memory_space<hbm>>) target_semaphore(%arg13 : memref<!tpu.dma_semaphore, #tpu.memory_space<semaphore_mem>>)
      %dma_wait3A_85 = arith.constant 128 : i32
      %dma_wait3A_86 = arith.constant 0 : i32
      %dma_wait3A_87 = tpu.memref_slice %arg4[%add3A_48, %dma_wait3A_85, %dma_wait3A_86] : memref<384x512x512xf32, #tpu.memory_space<hbm>> -> memref<1x64x512xf32, #tpu.memory_space<hbm>>
      %dma_wait3A_88 = tpu.memref_squeeze %dma_wait3A_87 : memref<1x64x512xf32, #tpu.memory_space<hbm>> -> memref<64x512xf32, #tpu.memory_space<hbm>>
      %dma_wait3A_89 = arith.constant 128 : i32
      %dma_wait3A_90 = arith.constant 0 : i32
      %dma_wait3A_91 = tpu.memref_slice %arg4[%add3A_48, %dma_wait3A_89, %dma_wait3A_90] : memref<384x512x512xf32, #tpu.memory_space<hbm>> -> memref<1x64x512xf32, #tpu.memory_space<hbm>>
      %dma_wait3A_92 = tpu.memref_squeeze %dma_wait3A_91 : memref<1x64x512xf32, #tpu.memory_space<hbm>> -> memref<64x512xf32, #tpu.memory_space<hbm>>
      tpu.wait_dma2 semaphore(%arg12 : memref<!tpu.dma_semaphore, #tpu.memory_space<semaphore_mem>>) src(%arg8 : memref<64x512xf32, #tpu.memory_space<vmem>>) dst(%dma_wait3A_92 : memref<64x512xf32, #tpu.memory_space<hbm>>)
      %parallel_loop3A_93 = arith.constant 0 : i32
      %parallel_loop3A_94 = arith.constant 392 : i32
      %parallel_loop3A_95 = arith.constant 1 : i32
      scf.for %parallel_loop3A_220 = %parallel_loop3A_93 to %parallel_loop3A_94 step %parallel_loop3A_95  : i32 {
        %parallel_loop3A_221 = arith.constant 14 : i32
        %parallel_loop3A_222 = arith.divsi %parallel_loop3A_220, %parallel_loop3A_221 : i32
        %parallel_loop3A_223 = arith.constant 0 : i32
        %parallel_loop3A_224 = arith.cmpi sgt, %parallel_loop3A_220, %parallel_loop3A_223 : i32
        %parallel_loop3A_225 = arith.extui %parallel_loop3A_224 : i1 to i32
        %parallel_loop3A_226 = arith.constant 0 : i32
        %parallel_loop3A_227 = arith.cmpi slt, %parallel_loop3A_220, %parallel_loop3A_226 : i32
        %parallel_loop3A_228 = arith.extui %parallel_loop3A_227 : i1 to i32
        %parallel_loop3A_229 = arith.subi %parallel_loop3A_225, %parallel_loop3A_228 : i32
        %parallel_loop3A_230 = arith.constant 0 : i32
        %parallel_loop3A_231 = arith.cmpi sgt, %parallel_loop3A_221, %parallel_loop3A_230 : i32
        %parallel_loop3A_232 = arith.extui %parallel_loop3A_231 : i1 to i32
        %parallel_loop3A_233 = arith.constant 0 : i32
        %parallel_loop3A_234 = arith.cmpi slt, %parallel_loop3A_221, %parallel_loop3A_233 : i32
        %parallel_loop3A_235 = arith.extui %parallel_loop3A_234 : i1 to i32
        %parallel_loop3A_236 = arith.subi %parallel_loop3A_232, %parallel_loop3A_235 : i32
        %parallel_loop3A_237 = arith.cmpi ne, %parallel_loop3A_229, %parallel_loop3A_236 : i32
        %parallel_loop3A_238 = arith.remsi %parallel_loop3A_220, %parallel_loop3A_221 : i32
        %parallel_loop3A_239 = arith.constant 0 : i32
        %parallel_loop3A_240 = arith.cmpi ne, %parallel_loop3A_238, %parallel_loop3A_239 : i32
        %parallel_loop3A_241 = arith.andi %parallel_loop3A_237, %parallel_loop3A_240 : i1
        %parallel_loop3A_242 = arith.constant 1 : i32
        %parallel_loop3A_243 = arith.subi %parallel_loop3A_222, %parallel_loop3A_242 : i32
        %parallel_loop3A_244 = arith.select %parallel_loop3A_241, %parallel_loop3A_243, %parallel_loop3A_222 : i32
        %parallel_loop3A_245 = arith.constant 14 : i32
        %parallel_loop3A_246 = arith.constant 0 : i32
        %parallel_loop3A_247 = arith.cmpi eq, %parallel_loop3A_245, %parallel_loop3A_246 : i32
        %parallel_loop3A_248 = arith.constant 1 : i32
        %parallel_loop3A_249 = arith.select %parallel_loop3A_247, %parallel_loop3A_248, %parallel_loop3A_245 : i32
        %parallel_loop3A_250 = arith.remsi %parallel_loop3A_220, %parallel_loop3A_249 : i32
        %parallel_loop3A_251 = arith.constant 0 : i32
        %parallel_loop3A_252 = arith.cmpi ne, %parallel_loop3A_250, %parallel_loop3A_251 : i32
        %parallel_loop3A_253 = arith.constant 0 : i32
        %parallel_loop3A_254 = arith.cmpi slt, %parallel_loop3A_250, %parallel_loop3A_253 : i32
        %parallel_loop3A_255 = arith.constant 0 : i32
        %parallel_loop3A_256 = arith.cmpi slt, %parallel_loop3A_249, %parallel_loop3A_255 : i32
        %parallel_loop3A_257 = arith.xori %parallel_loop3A_254, %parallel_loop3A_256 : i1
        %parallel_loop3A_258 = arith.andi %parallel_loop3A_257, %parallel_loop3A_252 : i1
        %parallel_loop3A_259 = arith.addi %parallel_loop3A_250, %parallel_loop3A_249 : i32
        %parallel_loop3A_260 = arith.select %parallel_loop3A_258, %parallel_loop3A_259, %parallel_loop3A_250 : i32
        %parallel_loop3A_261 = arith.constant 16 : i32
        %parallel_loop3A_262 = arith.muli %parallel_loop3A_220, %parallel_loop3A_261 : i32
        %parallel_loop3A_263 = arith.index_cast %parallel_loop3A_262 : i32 to index
        %parallel_loop3A_264 = tpu.vector_load %arg5[%parallel_loop3A_263] {strides = array<i32>} : memref<6272xi32, #tpu.memory_space<vmem>>, vector<16xi32>,
        %parallel_loop3A_265 = arith.constant 9 : i32
        %parallel_loop3A_266 = vector.broadcast %parallel_loop3A_265 : i32 to vector<16xi32>
        %parallel_loop3A_267 = arith.shrui %parallel_loop3A_264, %parallel_loop3A_266 : vector<16xi32>
        %parallel_loop3A_268 = arith.constant 511 : i32
        %parallel_loop3A_269 = vector.broadcast %parallel_loop3A_268 : i32 to vector<16xi32>
        %parallel_loop3A_270 = arith.andi %parallel_loop3A_264, %parallel_loop3A_269 : vector<16xi32>
        %parallel_loop3A_271 = arith.constant 56 : i32
        %parallel_loop3A_272 = arith.addi %parallel_loop3A_271, %parallel_loop3A_244 : i32
        %parallel_loop3A_273 = arith.constant 16 : i32
        %parallel_loop3A_274 = arith.muli %parallel_loop3A_260, %parallel_loop3A_273 : i32
        %parallel_loop3A_275 = arith.index_cast %parallel_loop3A_272 : i32 to index
        %parallel_loop3A_276 = arith.index_cast %parallel_loop3A_274 : i32 to index
        %parallel_loop3A_277 = tpu.vector_load %arg6[%parallel_loop3A_275, %parallel_loop3A_276] {strides = array<i32>} : memref<112x224xf32, #tpu.memory_space<vmem>>, vector<16xf32>,
        tpu.vector_store_idx %arg8[%parallel_loop3A_267, %parallel_loop3A_270], %parallel_loop3A_277 : memref<64x512xf32, #tpu.memory_space<vmem>>[vector<16xi32>, vector<16xi32>], vector<16xf32>,
      } {sc.loop_unroll_factor = 14 : i64, sc.parallel_access}
      %dma_start3A_96 = arith.constant 128 : i32
      %dma_start3A_97 = arith.constant 0 : i32
      %dma_start3A_98 = tpu.memref_slice %arg4[%add3A_48, %dma_start3A_96, %dma_start3A_97] : memref<384x512x512xf32, #tpu.memory_space<hbm>> -> memref<1x64x512xf32, #tpu.memory_space<hbm>>
      %dma_start3A_99 = tpu.memref_squeeze %dma_start3A_98 : memref<1x64x512xf32, #tpu.memory_space<hbm>> -> memref<64x512xf32, #tpu.memory_space<hbm>>
      %dma_start3A_100 = arith.constant 128 : i32
      %dma_start3A_101 = arith.constant 0 : i32
      %dma_start3A_102 = tpu.memref_slice %arg4[%add3A_48, %dma_start3A_100, %dma_start3A_101] : memref<384x512x512xf32, #tpu.memory_space<hbm>> -> memref<1x64x512xf32, #tpu.memory_space<hbm>>
      %dma_start3A_103 = tpu.memref_squeeze %dma_start3A_102 : memref<1x64x512xf32, #tpu.memory_space<hbm>> -> memref<64x512xf32, #tpu.memory_space<hbm>>
      tpu.enqueue_dma source(%arg8 : memref<64x512xf32, #tpu.memory_space<vmem>>) target(%dma_start3A_103 : memref<64x512xf32, #tpu.memory_space<hbm>>) target_semaphore(%arg12 : memref<!tpu.dma_semaphore, #tpu.memory_space<semaphore_mem>>)
      %dma_wait3A_104 = arith.constant 192 : i32
      %dma_wait3A_105 = arith.constant 0 : i32
      %dma_wait3A_106 = tpu.memref_slice %arg4[%add3A_48, %dma_wait3A_104, %dma_wait3A_105] : memref<384x512x512xf32, #tpu.memory_space<hbm>> -> memref<1x64x512xf32, #tpu.memory_space<hbm>>
      %dma_wait3A_107 = tpu.memref_squeeze %dma_wait3A_106 : memref<1x64x512xf32, #tpu.memory_space<hbm>> -> memref<64x512xf32, #tpu.memory_space<hbm>>
      %dma_wait3A_108 = arith.constant 192 : i32
      %dma_wait3A_109 = arith.constant 0 : i32
      %dma_wait3A_110 = tpu.memref_slice %arg4[%add3A_48, %dma_wait3A_108, %dma_wait3A_109] : memref<384x512x512xf32, #tpu.memory_space<hbm>> -> memref<1x64x512xf32, #tpu.memory_space<hbm>>
      %dma_wait3A_111 = tpu.memref_squeeze %dma_wait3A_110 : memref<1x64x512xf32, #tpu.memory_space<hbm>> -> memref<64x512xf32, #tpu.memory_space<hbm>>
      tpu.wait_dma2 semaphore(%arg13 : memref<!tpu.dma_semaphore, #tpu.memory_space<semaphore_mem>>) src(%arg9 : memref<64x512xf32, #tpu.memory_space<vmem>>) dst(%dma_wait3A_111 : memref<64x512xf32, #tpu.memory_space<hbm>>)
      %parallel_loop3A_112 = arith.constant 0 : i32
      %parallel_loop3A_113 = arith.constant 392 : i32
      %parallel_loop3A_114 = arith.constant 1 : i32
      scf.for %parallel_loop3A_220 = %parallel_loop3A_112 to %parallel_loop3A_113 step %parallel_loop3A_114  : i32 {
        %parallel_loop3A_221 = arith.constant 14 : i32
        %parallel_loop3A_222 = arith.divsi %parallel_loop3A_220, %parallel_loop3A_221 : i32
        %parallel_loop3A_223 = arith.constant 0 : i32
        %parallel_loop3A_224 = arith.cmpi sgt, %parallel_loop3A_220, %parallel_loop3A_223 : i32
        %parallel_loop3A_225 = arith.extui %parallel_loop3A_224 : i1 to i32
        %parallel_loop3A_226 = arith.constant 0 : i32
        %parallel_loop3A_227 = arith.cmpi slt, %parallel_loop3A_220, %parallel_loop3A_226 : i32
        %parallel_loop3A_228 = arith.extui %parallel_loop3A_227 : i1 to i32
        %parallel_loop3A_229 = arith.subi %parallel_loop3A_225, %parallel_loop3A_228 : i32
        %parallel_loop3A_230 = arith.constant 0 : i32
        %parallel_loop3A_231 = arith.cmpi sgt, %parallel_loop3A_221, %parallel_loop3A_230 : i32
        %parallel_loop3A_232 = arith.extui %parallel_loop3A_231 : i1 to i32
        %parallel_loop3A_233 = arith.constant 0 : i32
        %parallel_loop3A_234 = arith.cmpi slt, %parallel_loop3A_221, %parallel_loop3A_233 : i32
        %parallel_loop3A_235 = arith.extui %parallel_loop3A_234 : i1 to i32
        %parallel_loop3A_236 = arith.subi %parallel_loop3A_232, %parallel_loop3A_235 : i32
        %parallel_loop3A_237 = arith.cmpi ne, %parallel_loop3A_229, %parallel_loop3A_236 : i32
        %parallel_loop3A_238 = arith.remsi %parallel_loop3A_220, %parallel_loop3A_221 : i32
        %parallel_loop3A_239 = arith.constant 0 : i32
        %parallel_loop3A_240 = arith.cmpi ne, %parallel_loop3A_238, %parallel_loop3A_239 : i32
        %parallel_loop3A_241 = arith.andi %parallel_loop3A_237, %parallel_loop3A_240 : i1
        %parallel_loop3A_242 = arith.constant 1 : i32
        %parallel_loop3A_243 = arith.subi %parallel_loop3A_222, %parallel_loop3A_242 : i32
        %parallel_loop3A_244 = arith.select %parallel_loop3A_241, %parallel_loop3A_243, %parallel_loop3A_222 : i32
        %parallel_loop3A_245 = arith.constant 14 : i32
        %parallel_loop3A_246 = arith.constant 0 : i32
        %parallel_loop3A_247 = arith.cmpi eq, %parallel_loop3A_245, %parallel_loop3A_246 : i32
        %parallel_loop3A_248 = arith.constant 1 : i32
        %parallel_loop3A_249 = arith.select %parallel_loop3A_247, %parallel_loop3A_248, %parallel_loop3A_245 : i32
        %parallel_loop3A_250 = arith.remsi %parallel_loop3A_220, %parallel_loop3A_249 : i32
        %parallel_loop3A_251 = arith.constant 0 : i32
        %parallel_loop3A_252 = arith.cmpi ne, %parallel_loop3A_250, %parallel_loop3A_251 : i32
        %parallel_loop3A_253 = arith.constant 0 : i32
        %parallel_loop3A_254 = arith.cmpi slt, %parallel_loop3A_250, %parallel_loop3A_253 : i32
        %parallel_loop3A_255 = arith.constant 0 : i32
        %parallel_loop3A_256 = arith.cmpi slt, %parallel_loop3A_249, %parallel_loop3A_255 : i32
        %parallel_loop3A_257 = arith.xori %parallel_loop3A_254, %parallel_loop3A_256 : i1
        %parallel_loop3A_258 = arith.andi %parallel_loop3A_257, %parallel_loop3A_252 : i1
        %parallel_loop3A_259 = arith.addi %parallel_loop3A_250, %parallel_loop3A_249 : i32
        %parallel_loop3A_260 = arith.select %parallel_loop3A_258, %parallel_loop3A_259, %parallel_loop3A_250 : i32
        %parallel_loop3A_261 = arith.constant 16 : i32
        %parallel_loop3A_262 = arith.muli %parallel_loop3A_220, %parallel_loop3A_261 : i32
        %parallel_loop3A_263 = arith.index_cast %parallel_loop3A_262 : i32 to index
        %parallel_loop3A_264 = tpu.vector_load %arg5[%parallel_loop3A_263] {strides = array<i32>} : memref<6272xi32, #tpu.memory_space<vmem>>, vector<16xi32>,
        %parallel_loop3A_265 = arith.constant 9 : i32
        %parallel_loop3A_266 = vector.broadcast %parallel_loop3A_265 : i32 to vector<16xi32>
        %parallel_loop3A_267 = arith.shrui %parallel_loop3A_264, %parallel_loop3A_266 : vector<16xi32>
        %parallel_loop3A_268 = arith.constant 511 : i32
        %parallel_loop3A_269 = vector.broadcast %parallel_loop3A_268 : i32 to vector<16xi32>
        %parallel_loop3A_270 = arith.andi %parallel_loop3A_264, %parallel_loop3A_269 : vector<16xi32>
        %parallel_loop3A_271 = arith.constant 84 : i32
        %parallel_loop3A_272 = arith.addi %parallel_loop3A_271, %parallel_loop3A_244 : i32
        %parallel_loop3A_273 = arith.constant 16 : i32
        %parallel_loop3A_274 = arith.muli %parallel_loop3A_260, %parallel_loop3A_273 : i32
        %parallel_loop3A_275 = arith.index_cast %parallel_loop3A_272 : i32 to index
        %parallel_loop3A_276 = arith.index_cast %parallel_loop3A_274 : i32 to index
        %parallel_loop3A_277 = tpu.vector_load %arg6[%parallel_loop3A_275, %parallel_loop3A_276] {strides = array<i32>} : memref<112x224xf32, #tpu.memory_space<vmem>>, vector<16xf32>,
        tpu.vector_store_idx %arg9[%parallel_loop3A_267, %parallel_loop3A_270], %parallel_loop3A_277 : memref<64x512xf32, #tpu.memory_space<vmem>>[vector<16xi32>, vector<16xi32>], vector<16xf32>,
      } {sc.loop_unroll_factor = 14 : i64, sc.parallel_access}
      %dma_start3A_115 = arith.constant 192 : i32
      %dma_start3A_116 = arith.constant 0 : i32
      %dma_start3A_117 = tpu.memref_slice %arg4[%add3A_48, %dma_start3A_115, %dma_start3A_116] : memref<384x512x512xf32, #tpu.memory_space<hbm>> -> memref<1x64x512xf32, #tpu.memory_space<hbm>>
      %dma_start3A_118 = tpu.memref_squeeze %dma_start3A_117 : memref<1x64x512xf32, #tpu.memory_space<hbm>> -> memref<64x512xf32, #tpu.memory_space<hbm>>
      %dma_start3A_119 = arith.constant 192 : i32
      %dma_start3A_120 = arith.constant 0 : i32
      %dma_start3A_121 = tpu.memref_slice %arg4[%add3A_48, %dma_start3A_119, %dma_start3A_120] : memref<384x512x512xf32, #tpu.memory_space<hbm>> -> memref<1x64x512xf32, #tpu.memory_space<hbm>>
      %dma_start3A_122 = tpu.memref_squeeze %dma_start3A_121 : memref<1x64x512xf32, #tpu.memory_space<hbm>> -> memref<64x512xf32, #tpu.memory_space<hbm>>
      tpu.enqueue_dma source(%arg9 : memref<64x512xf32, #tpu.memory_space<vmem>>) target(%dma_start3A_122 : memref<64x512xf32, #tpu.memory_space<hbm>>) target_semaphore(%arg13 : memref<!tpu.dma_semaphore, #tpu.memory_space<semaphore_mem>>)
      %add3A_123 = arith.constant 1 : i32
      %add3A_124 = arith.addi %add3A_47, %add3A_123 : i32
      %lt3A = arith.constant 12 : i32
      %lt3A_125 = arith.cmpi slt, %add3A_124, %lt3A : i32
      %convert_element_type3A_126 = arith.extui %lt3A_125 : i1 to i32
      %cond3A_127 = arith.constant 0 : i32
      %cond3A_128 = arith.cmpi ne, %convert_element_type3A_126, %cond3A_127 : i32
      scf.if %cond3A_128 {
        %add3A_220 = arith.constant 1 : i32
        %add3A_221 = arith.addi %add3A_48, %add3A_220 : i32
        %dma_start3A_222 = arith.constant 0 : i32
        %dma_start3A_223 = arith.constant 0 : i32
        %dma_start3A_224 = tpu.memref_slice %arg2[%add3A_221, %dma_start3A_222, %dma_start3A_223] : memref<384x224x224xf32, #tpu.memory_space<hbm>> -> memref<1x112x224xf32, #tpu.memory_space<hbm>>
        %dma_start3A_225 = tpu.memref_squeeze %dma_start3A_224 : memref<1x112x224xf32, #tpu.memory_space<hbm>> -> memref<112x224xf32, #tpu.memory_space<hbm>>
        %dma_start3A_226 = arith.constant 0 : i32
        %dma_start3A_227 = arith.constant 0 : i32
        %dma_start3A_228 = tpu.memref_slice %arg2[%add3A_221, %dma_start3A_226, %dma_start3A_227] : memref<384x224x224xf32, #tpu.memory_space<hbm>> -> memref<1x112x224xf32, #tpu.memory_space<hbm>>
        %dma_start3A_229 = tpu.memref_squeeze %dma_start3A_228 : memref<1x112x224xf32, #tpu.memory_space<hbm>> -> memref<112x224xf32, #tpu.memory_space<hbm>>
        tpu.enqueue_dma source(%dma_start3A_229 : memref<112x224xf32, #tpu.memory_space<hbm>>) target(%arg6 : memref<112x224xf32, #tpu.memory_space<vmem>>) target_semaphore(%arg10 : memref<!tpu.dma_semaphore, #tpu.memory_space<semaphore_mem>>)
      } else {
      }
      %dma_wait3A_129 = arith.constant 112 : i32
      %dma_wait3A_130 = arith.constant 0 : i32
      %dma_wait3A_131 = tpu.memref_slice %arg2[%add3A_48, %dma_wait3A_129, %dma_wait3A_130] : memref<384x224x224xf32, #tpu.memory_space<hbm>> -> memref<1x112x224xf32, #tpu.memory_space<hbm>>
      %dma_wait3A_132 = tpu.memref_squeeze %dma_wait3A_131 : memref<1x112x224xf32, #tpu.memory_space<hbm>> -> memref<112x224xf32, #tpu.memory_space<hbm>>
      %dma_wait3A_133 = arith.constant 112 : i32
      %dma_wait3A_134 = arith.constant 0 : i32
      %dma_wait3A_135 = tpu.memref_slice %arg2[%add3A_48, %dma_wait3A_133, %dma_wait3A_134] : memref<384x224x224xf32, #tpu.memory_space<hbm>> -> memref<1x112x224xf32, #tpu.memory_space<hbm>>
      %dma_wait3A_136 = tpu.memref_squeeze %dma_wait3A_135 : memref<1x112x224xf32, #tpu.memory_space<hbm>> -> memref<112x224xf32, #tpu.memory_space<hbm>>
      tpu.wait_dma2 semaphore(%arg11 : memref<!tpu.dma_semaphore, #tpu.memory_space<semaphore_mem>>) src(%dma_wait3A_136 : memref<112x224xf32, #tpu.memory_space<hbm>>) dst(%arg7 : memref<112x224xf32, #tpu.memory_space<vmem>>)
      %dma_wait3A_137 = arith.constant 256 : i32
      %dma_wait3A_138 = arith.constant 0 : i32
      %dma_wait3A_139 = tpu.memref_slice %arg4[%add3A_48, %dma_wait3A_137, %dma_wait3A_138] : memref<384x512x512xf32, #tpu.memory_space<hbm>> -> memref<1x64x512xf32, #tpu.memory_space<hbm>>
      %dma_wait3A_140 = tpu.memref_squeeze %dma_wait3A_139 : memref<1x64x512xf32, #tpu.memory_space<hbm>> -> memref<64x512xf32, #tpu.memory_space<hbm>>
      %dma_wait3A_141 = arith.constant 256 : i32
      %dma_wait3A_142 = arith.constant 0 : i32
      %dma_wait3A_143 = tpu.memref_slice %arg4[%add3A_48, %dma_wait3A_141, %dma_wait3A_142] : memref<384x512x512xf32, #tpu.memory_space<hbm>> -> memref<1x64x512xf32, #tpu.memory_space<hbm>>
      %dma_wait3A_144 = tpu.memref_squeeze %dma_wait3A_143 : memref<1x64x512xf32, #tpu.memory_space<hbm>> -> memref<64x512xf32, #tpu.memory_space<hbm>>
      tpu.wait_dma2 semaphore(%arg12 : memref<!tpu.dma_semaphore, #tpu.memory_space<semaphore_mem>>) src(%arg8 : memref<64x512xf32, #tpu.memory_space<vmem>>) dst(%dma_wait3A_144 : memref<64x512xf32, #tpu.memory_space<hbm>>)
      %parallel_loop3A_145 = arith.constant 0 : i32
      %parallel_loop3A_146 = arith.constant 392 : i32
      %parallel_loop3A_147 = arith.constant 1 : i32
      scf.for %parallel_loop3A_220 = %parallel_loop3A_145 to %parallel_loop3A_146 step %parallel_loop3A_147  : i32 {
        %parallel_loop3A_221 = arith.constant 14 : i32
        %parallel_loop3A_222 = arith.divsi %parallel_loop3A_220, %parallel_loop3A_221 : i32
        %parallel_loop3A_223 = arith.constant 0 : i32
        %parallel_loop3A_224 = arith.cmpi sgt, %parallel_loop3A_220, %parallel_loop3A_223 : i32
        %parallel_loop3A_225 = arith.extui %parallel_loop3A_224 : i1 to i32
        %parallel_loop3A_226 = arith.constant 0 : i32
        %parallel_loop3A_227 = arith.cmpi slt, %parallel_loop3A_220, %parallel_loop3A_226 : i32
        %parallel_loop3A_228 = arith.extui %parallel_loop3A_227 : i1 to i32
        %parallel_loop3A_229 = arith.subi %parallel_loop3A_225, %parallel_loop3A_228 : i32
        %parallel_loop3A_230 = arith.constant 0 : i32
        %parallel_loop3A_231 = arith.cmpi sgt, %parallel_loop3A_221, %parallel_loop3A_230 : i32
        %parallel_loop3A_232 = arith.extui %parallel_loop3A_231 : i1 to i32
        %parallel_loop3A_233 = arith.constant 0 : i32
        %parallel_loop3A_234 = arith.cmpi slt, %parallel_loop3A_221, %parallel_loop3A_233 : i32
        %parallel_loop3A_235 = arith.extui %parallel_loop3A_234 : i1 to i32
        %parallel_loop3A_236 = arith.subi %parallel_loop3A_232, %parallel_loop3A_235 : i32
        %parallel_loop3A_237 = arith.cmpi ne, %parallel_loop3A_229, %parallel_loop3A_236 : i32
        %parallel_loop3A_238 = arith.remsi %parallel_loop3A_220, %parallel_loop3A_221 : i32
        %parallel_loop3A_239 = arith.constant 0 : i32
        %parallel_loop3A_240 = arith.cmpi ne, %parallel_loop3A_238, %parallel_loop3A_239 : i32
        %parallel_loop3A_241 = arith.andi %parallel_loop3A_237, %parallel_loop3A_240 : i1
        %parallel_loop3A_242 = arith.constant 1 : i32
        %parallel_loop3A_243 = arith.subi %parallel_loop3A_222, %parallel_loop3A_242 : i32
        %parallel_loop3A_244 = arith.select %parallel_loop3A_241, %parallel_loop3A_243, %parallel_loop3A_222 : i32
        %parallel_loop3A_245 = arith.constant 14 : i32
        %parallel_loop3A_246 = arith.constant 0 : i32
        %parallel_loop3A_247 = arith.cmpi eq, %parallel_loop3A_245, %parallel_loop3A_246 : i32
        %parallel_loop3A_248 = arith.constant 1 : i32
        %parallel_loop3A_249 = arith.select %parallel_loop3A_247, %parallel_loop3A_248, %parallel_loop3A_245 : i32
        %parallel_loop3A_250 = arith.remsi %parallel_loop3A_220, %parallel_loop3A_249 : i32
        %parallel_loop3A_251 = arith.constant 0 : i32
        %parallel_loop3A_252 = arith.cmpi ne, %parallel_loop3A_250, %parallel_loop3A_251 : i32
        %parallel_loop3A_253 = arith.constant 0 : i32
        %parallel_loop3A_254 = arith.cmpi slt, %parallel_loop3A_250, %parallel_loop3A_253 : i32
        %parallel_loop3A_255 = arith.constant 0 : i32
        %parallel_loop3A_256 = arith.cmpi slt, %parallel_loop3A_249, %parallel_loop3A_255 : i32
        %parallel_loop3A_257 = arith.xori %parallel_loop3A_254, %parallel_loop3A_256 : i1
        %parallel_loop3A_258 = arith.andi %parallel_loop3A_257, %parallel_loop3A_252 : i1
        %parallel_loop3A_259 = arith.addi %parallel_loop3A_250, %parallel_loop3A_249 : i32
        %parallel_loop3A_260 = arith.select %parallel_loop3A_258, %parallel_loop3A_259, %parallel_loop3A_250 : i32
        %parallel_loop3A_261 = arith.constant 16 : i32
        %parallel_loop3A_262 = arith.muli %parallel_loop3A_220, %parallel_loop3A_261 : i32
        %parallel_loop3A_263 = arith.index_cast %parallel_loop3A_262 : i32 to index
        %parallel_loop3A_264 = tpu.vector_load %arg5[%parallel_loop3A_263] {strides = array<i32>} : memref<6272xi32, #tpu.memory_space<vmem>>, vector<16xi32>,
        %parallel_loop3A_265 = arith.constant 9 : i32
        %parallel_loop3A_266 = vector.broadcast %parallel_loop3A_265 : i32 to vector<16xi32>
        %parallel_loop3A_267 = arith.shrui %parallel_loop3A_264, %parallel_loop3A_266 : vector<16xi32>
        %parallel_loop3A_268 = arith.constant 511 : i32
        %parallel_loop3A_269 = vector.broadcast %parallel_loop3A_268 : i32 to vector<16xi32>
        %parallel_loop3A_270 = arith.andi %parallel_loop3A_264, %parallel_loop3A_269 : vector<16xi32>
        %parallel_loop3A_271 = arith.constant 0 : i32
        %parallel_loop3A_272 = arith.addi %parallel_loop3A_271, %parallel_loop3A_244 : i32
        %parallel_loop3A_273 = arith.constant 16 : i32
        %parallel_loop3A_274 = arith.muli %parallel_loop3A_260, %parallel_loop3A_273 : i32
        %parallel_loop3A_275 = arith.index_cast %parallel_loop3A_272 : i32 to index
        %parallel_loop3A_276 = arith.index_cast %parallel_loop3A_274 : i32 to index
        %parallel_loop3A_277 = tpu.vector_load %arg7[%parallel_loop3A_275, %parallel_loop3A_276] {strides = array<i32>} : memref<112x224xf32, #tpu.memory_space<vmem>>, vector<16xf32>,
        tpu.vector_store_idx %arg8[%parallel_loop3A_267, %parallel_loop3A_270], %parallel_loop3A_277 : memref<64x512xf32, #tpu.memory_space<vmem>>[vector<16xi32>, vector<16xi32>], vector<16xf32>,
      } {sc.loop_unroll_factor = 14 : i64, sc.parallel_access}
      %dma_start3A_148 = arith.constant 256 : i32
      %dma_start3A_149 = arith.constant 0 : i32
      %dma_start3A_150 = tpu.memref_slice %arg4[%add3A_48, %dma_start3A_148, %dma_start3A_149] : memref<384x512x512xf32, #tpu.memory_space<hbm>> -> memref<1x64x512xf32, #tpu.memory_space<hbm>>
      %dma_start3A_151 = tpu.memref_squeeze %dma_start3A_150 : memref<1x64x512xf32, #tpu.memory_space<hbm>> -> memref<64x512xf32, #tpu.memory_space<hbm>>
      %dma_start3A_152 = arith.constant 256 : i32
      %dma_start3A_153 = arith.constant 0 : i32
      %dma_start3A_154 = tpu.memref_slice %arg4[%add3A_48, %dma_start3A_152, %dma_start3A_153] : memref<384x512x512xf32, #tpu.memory_space<hbm>> -> memref<1x64x512xf32, #tpu.memory_space<hbm>>
      %dma_start3A_155 = tpu.memref_squeeze %dma_start3A_154 : memref<1x64x512xf32, #tpu.memory_space<hbm>> -> memref<64x512xf32, #tpu.memory_space<hbm>>
      tpu.enqueue_dma source(%arg8 : memref<64x512xf32, #tpu.memory_space<vmem>>) target(%dma_start3A_155 : memref<64x512xf32, #tpu.memory_space<hbm>>) target_semaphore(%arg12 : memref<!tpu.dma_semaphore, #tpu.memory_space<semaphore_mem>>)
      %dma_wait3A_156 = arith.constant 320 : i32
      %dma_wait3A_157 = arith.constant 0 : i32
      %dma_wait3A_158 = tpu.memref_slice %arg4[%add3A_48, %dma_wait3A_156, %dma_wait3A_157] : memref<384x512x512xf32, #tpu.memory_space<hbm>> -> memref<1x64x512xf32, #tpu.memory_space<hbm>>
      %dma_wait3A_159 = tpu.memref_squeeze %dma_wait3A_158 : memref<1x64x512xf32, #tpu.memory_space<hbm>> -> memref<64x512xf32, #tpu.memory_space<hbm>>
      %dma_wait3A_160 = arith.constant 320 : i32
      %dma_wait3A_161 = arith.constant 0 : i32
      %dma_wait3A_162 = tpu.memref_slice %arg4[%add3A_48, %dma_wait3A_160, %dma_wait3A_161] : memref<384x512x512xf32, #tpu.memory_space<hbm>> -> memref<1x64x512xf32, #tpu.memory_space<hbm>>
      %dma_wait3A_163 = tpu.memref_squeeze %dma_wait3A_162 : memref<1x64x512xf32, #tpu.memory_space<hbm>> -> memref<64x512xf32, #tpu.memory_space<hbm>>
      tpu.wait_dma2 semaphore(%arg13 : memref<!tpu.dma_semaphore, #tpu.memory_space<semaphore_mem>>) src(%arg9 : memref<64x512xf32, #tpu.memory_space<vmem>>) dst(%dma_wait3A_163 : memref<64x512xf32, #tpu.memory_space<hbm>>)
      %parallel_loop3A_164 = arith.constant 0 : i32
      %parallel_loop3A_165 = arith.constant 392 : i32
      %parallel_loop3A_166 = arith.constant 1 : i32
      scf.for %parallel_loop3A_220 = %parallel_loop3A_164 to %parallel_loop3A_165 step %parallel_loop3A_166  : i32 {
        %parallel_loop3A_221 = arith.constant 14 : i32
        %parallel_loop3A_222 = arith.divsi %parallel_loop3A_220, %parallel_loop3A_221 : i32
        %parallel_loop3A_223 = arith.constant 0 : i32
        %parallel_loop3A_224 = arith.cmpi sgt, %parallel_loop3A_220, %parallel_loop3A_223 : i32
        %parallel_loop3A_225 = arith.extui %parallel_loop3A_224 : i1 to i32
        %parallel_loop3A_226 = arith.constant 0 : i32
        %parallel_loop3A_227 = arith.cmpi slt, %parallel_loop3A_220, %parallel_loop3A_226 : i32
        %parallel_loop3A_228 = arith.extui %parallel_loop3A_227 : i1 to i32
        %parallel_loop3A_229 = arith.subi %parallel_loop3A_225, %parallel_loop3A_228 : i32
        %parallel_loop3A_230 = arith.constant 0 : i32
        %parallel_loop3A_231 = arith.cmpi sgt, %parallel_loop3A_221, %parallel_loop3A_230 : i32
        %parallel_loop3A_232 = arith.extui %parallel_loop3A_231 : i1 to i32
        %parallel_loop3A_233 = arith.constant 0 : i32
        %parallel_loop3A_234 = arith.cmpi slt, %parallel_loop3A_221, %parallel_loop3A_233 : i32
        %parallel_loop3A_235 = arith.extui %parallel_loop3A_234 : i1 to i32
        %parallel_loop3A_236 = arith.subi %parallel_loop3A_232, %parallel_loop3A_235 : i32
        %parallel_loop3A_237 = arith.cmpi ne, %parallel_loop3A_229, %parallel_loop3A_236 : i32
        %parallel_loop3A_238 = arith.remsi %parallel_loop3A_220, %parallel_loop3A_221 : i32
        %parallel_loop3A_239 = arith.constant 0 : i32
        %parallel_loop3A_240 = arith.cmpi ne, %parallel_loop3A_238, %parallel_loop3A_239 : i32
        %parallel_loop3A_241 = arith.andi %parallel_loop3A_237, %parallel_loop3A_240 : i1
        %parallel_loop3A_242 = arith.constant 1 : i32
        %parallel_loop3A_243 = arith.subi %parallel_loop3A_222, %parallel_loop3A_242 : i32
        %parallel_loop3A_244 = arith.select %parallel_loop3A_241, %parallel_loop3A_243, %parallel_loop3A_222 : i32
        %parallel_loop3A_245 = arith.constant 14 : i32
        %parallel_loop3A_246 = arith.constant 0 : i32
        %parallel_loop3A_247 = arith.cmpi eq, %parallel_loop3A_245, %parallel_loop3A_246 : i32
        %parallel_loop3A_248 = arith.constant 1 : i32
        %parallel_loop3A_249 = arith.select %parallel_loop3A_247, %parallel_loop3A_248, %parallel_loop3A_245 : i32
        %parallel_loop3A_250 = arith.remsi %parallel_loop3A_220, %parallel_loop3A_249 : i32
        %parallel_loop3A_251 = arith.constant 0 : i32
        %parallel_loop3A_252 = arith.cmpi ne, %parallel_loop3A_250, %parallel_loop3A_251 : i32
        %parallel_loop3A_253 = arith.constant 0 : i32
        %parallel_loop3A_254 = arith.cmpi slt, %parallel_loop3A_250, %parallel_loop3A_253 : i32
        %parallel_loop3A_255 = arith.constant 0 : i32
        %parallel_loop3A_256 = arith.cmpi slt, %parallel_loop3A_249, %parallel_loop3A_255 : i32
        %parallel_loop3A_257 = arith.xori %parallel_loop3A_254, %parallel_loop3A_256 : i1
        %parallel_loop3A_258 = arith.andi %parallel_loop3A_257, %parallel_loop3A_252 : i1
        %parallel_loop3A_259 = arith.addi %parallel_loop3A_250, %parallel_loop3A_249 : i32
        %parallel_loop3A_260 = arith.select %parallel_loop3A_258, %parallel_loop3A_259, %parallel_loop3A_250 : i32
        %parallel_loop3A_261 = arith.constant 16 : i32
        %parallel_loop3A_262 = arith.muli %parallel_loop3A_220, %parallel_loop3A_261 : i32
        %parallel_loop3A_263 = arith.index_cast %parallel_loop3A_262 : i32 to index
        %parallel_loop3A_264 = tpu.vector_load %arg5[%parallel_loop3A_263] {strides = array<i32>} : memref<6272xi32, #tpu.memory_space<vmem>>, vector<16xi32>,
        %parallel_loop3A_265 = arith.constant 9 : i32
        %parallel_loop3A_266 = vector.broadcast %parallel_loop3A_265 : i32 to vector<16xi32>
        %parallel_loop3A_267 = arith.shrui %parallel_loop3A_264, %parallel_loop3A_266 : vector<16xi32>
        %parallel_loop3A_268 = arith.constant 511 : i32
        %parallel_loop3A_269 = vector.broadcast %parallel_loop3A_268 : i32 to vector<16xi32>
        %parallel_loop3A_270 = arith.andi %parallel_loop3A_264, %parallel_loop3A_269 : vector<16xi32>
        %parallel_loop3A_271 = arith.constant 28 : i32
        %parallel_loop3A_272 = arith.addi %parallel_loop3A_271, %parallel_loop3A_244 : i32
        %parallel_loop3A_273 = arith.constant 16 : i32
        %parallel_loop3A_274 = arith.muli %parallel_loop3A_260, %parallel_loop3A_273 : i32
        %parallel_loop3A_275 = arith.index_cast %parallel_loop3A_272 : i32 to index
        %parallel_loop3A_276 = arith.index_cast %parallel_loop3A_274 : i32 to index
        %parallel_loop3A_277 = tpu.vector_load %arg7[%parallel_loop3A_275, %parallel_loop3A_276] {strides = array<i32>} : memref<112x224xf32, #tpu.memory_space<vmem>>, vector<16xf32>,
        tpu.vector_store_idx %arg9[%parallel_loop3A_267, %parallel_loop3A_270], %parallel_loop3A_277 : memref<64x512xf32, #tpu.memory_space<vmem>>[vector<16xi32>, vector<16xi32>], vector<16xf32>,
      } {sc.loop_unroll_factor = 14 : i64, sc.parallel_access}
      %dma_start3A_167 = arith.constant 320 : i32
      %dma_start3A_168 = arith.constant 0 : i32
      %dma_start3A_169 = tpu.memref_slice %arg4[%add3A_48, %dma_start3A_167, %dma_start3A_168] : memref<384x512x512xf32, #tpu.memory_space<hbm>> -> memref<1x64x512xf32, #tpu.memory_space<hbm>>
      %dma_start3A_170 = tpu.memref_squeeze %dma_start3A_169 : memref<1x64x512xf32, #tpu.memory_space<hbm>> -> memref<64x512xf32, #tpu.memory_space<hbm>>
      %dma_start3A_171 = arith.constant 320 : i32
      %dma_start3A_172 = arith.constant 0 : i32
      %dma_start3A_173 = tpu.memref_slice %arg4[%add3A_48, %dma_start3A_171, %dma_start3A_172] : memref<384x512x512xf32, #tpu.memory_space<hbm>> -> memref<1x64x512xf32, #tpu.memory_space<hbm>>
      %dma_start3A_174 = tpu.memref_squeeze %dma_start3A_173 : memref<1x64x512xf32, #tpu.memory_space<hbm>> -> memref<64x512xf32, #tpu.memory_space<hbm>>
      tpu.enqueue_dma source(%arg9 : memref<64x512xf32, #tpu.memory_space<vmem>>) target(%dma_start3A_174 : memref<64x512xf32, #tpu.memory_space<hbm>>) target_semaphore(%arg13 : memref<!tpu.dma_semaphore, #tpu.memory_space<semaphore_mem>>)
      %dma_wait3A_175 = arith.constant 384 : i32
      %dma_wait3A_176 = arith.constant 0 : i32
      %dma_wait3A_177 = tpu.memref_slice %arg4[%add3A_48, %dma_wait3A_175, %dma_wait3A_176] : memref<384x512x512xf32, #tpu.memory_space<hbm>> -> memref<1x64x512xf32, #tpu.memory_space<hbm>>
      %dma_wait3A_178 = tpu.memref_squeeze %dma_wait3A_177 : memref<1x64x512xf32, #tpu.memory_space<hbm>> -> memref<64x512xf32, #tpu.memory_space<hbm>>
      %dma_wait3A_179 = arith.constant 384 : i32
      %dma_wait3A_180 = arith.constant 0 : i32
      %dma_wait3A_181 = tpu.memref_slice %arg4[%add3A_48, %dma_wait3A_179, %dma_wait3A_180] : memref<384x512x512xf32, #tpu.memory_space<hbm>> -> memref<1x64x512xf32, #tpu.memory_space<hbm>>
      %dma_wait3A_182 = tpu.memref_squeeze %dma_wait3A_181 : memref<1x64x512xf32, #tpu.memory_space<hbm>> -> memref<64x512xf32, #tpu.memory_space<hbm>>
      tpu.wait_dma2 semaphore(%arg12 : memref<!tpu.dma_semaphore, #tpu.memory_space<semaphore_mem>>) src(%arg8 : memref<64x512xf32, #tpu.memory_space<vmem>>) dst(%dma_wait3A_182 : memref<64x512xf32, #tpu.memory_space<hbm>>)
      %parallel_loop3A_183 = arith.constant 0 : i32
      %parallel_loop3A_184 = arith.constant 392 : i32
      %parallel_loop3A_185 = arith.constant 1 : i32
      scf.for %parallel_loop3A_220 = %parallel_loop3A_183 to %parallel_loop3A_184 step %parallel_loop3A_185  : i32 {
        %parallel_loop3A_221 = arith.constant 14 : i32
        %parallel_loop3A_222 = arith.divsi %parallel_loop3A_220, %parallel_loop3A_221 : i32
        %parallel_loop3A_223 = arith.constant 0 : i32
        %parallel_loop3A_224 = arith.cmpi sgt, %parallel_loop3A_220, %parallel_loop3A_223 : i32
        %parallel_loop3A_225 = arith.extui %parallel_loop3A_224 : i1 to i32
        %parallel_loop3A_226 = arith.constant 0 : i32
        %parallel_loop3A_227 = arith.cmpi slt, %parallel_loop3A_220, %parallel_loop3A_226 : i32
        %parallel_loop3A_228 = arith.extui %parallel_loop3A_227 : i1 to i32
        %parallel_loop3A_229 = arith.subi %parallel_loop3A_225, %parallel_loop3A_228 : i32
        %parallel_loop3A_230 = arith.constant 0 : i32
        %parallel_loop3A_231 = arith.cmpi sgt, %parallel_loop3A_221, %parallel_loop3A_230 : i32
        %parallel_loop3A_232 = arith.extui %parallel_loop3A_231 : i1 to i32
        %parallel_loop3A_233 = arith.constant 0 : i32
        %parallel_loop3A_234 = arith.cmpi slt, %parallel_loop3A_221, %parallel_loop3A_233 : i32
        %parallel_loop3A_235 = arith.extui %parallel_loop3A_234 : i1 to i32
        %parallel_loop3A_236 = arith.subi %parallel_loop3A_232, %parallel_loop3A_235 : i32
        %parallel_loop3A_237 = arith.cmpi ne, %parallel_loop3A_229, %parallel_loop3A_236 : i32
        %parallel_loop3A_238 = arith.remsi %parallel_loop3A_220, %parallel_loop3A_221 : i32
        %parallel_loop3A_239 = arith.constant 0 : i32
        %parallel_loop3A_240 = arith.cmpi ne, %parallel_loop3A_238, %parallel_loop3A_239 : i32
        %parallel_loop3A_241 = arith.andi %parallel_loop3A_237, %parallel_loop3A_240 : i1
        %parallel_loop3A_242 = arith.constant 1 : i32
        %parallel_loop3A_243 = arith.subi %parallel_loop3A_222, %parallel_loop3A_242 : i32
        %parallel_loop3A_244 = arith.select %parallel_loop3A_241, %parallel_loop3A_243, %parallel_loop3A_222 : i32
        %parallel_loop3A_245 = arith.constant 14 : i32
        %parallel_loop3A_246 = arith.constant 0 : i32
        %parallel_loop3A_247 = arith.cmpi eq, %parallel_loop3A_245, %parallel_loop3A_246 : i32
        %parallel_loop3A_248 = arith.constant 1 : i32
        %parallel_loop3A_249 = arith.select %parallel_loop3A_247, %parallel_loop3A_248, %parallel_loop3A_245 : i32
        %parallel_loop3A_250 = arith.remsi %parallel_loop3A_220, %parallel_loop3A_249 : i32
        %parallel_loop3A_251 = arith.constant 0 : i32
        %parallel_loop3A_252 = arith.cmpi ne, %parallel_loop3A_250, %parallel_loop3A_251 : i32
        %parallel_loop3A_253 = arith.constant 0 : i32
        %parallel_loop3A_254 = arith.cmpi slt, %parallel_loop3A_250, %parallel_loop3A_253 : i32
        %parallel_loop3A_255 = arith.constant 0 : i32
        %parallel_loop3A_256 = arith.cmpi slt, %parallel_loop3A_249, %parallel_loop3A_255 : i32
        %parallel_loop3A_257 = arith.xori %parallel_loop3A_254, %parallel_loop3A_256 : i1
        %parallel_loop3A_258 = arith.andi %parallel_loop3A_257, %parallel_loop3A_252 : i1
        %parallel_loop3A_259 = arith.addi %parallel_loop3A_250, %parallel_loop3A_249 : i32
        %parallel_loop3A_260 = arith.select %parallel_loop3A_258, %parallel_loop3A_259, %parallel_loop3A_250 : i32
        %parallel_loop3A_261 = arith.constant 16 : i32
        %parallel_loop3A_262 = arith.muli %parallel_loop3A_220, %parallel_loop3A_261 : i32
        %parallel_loop3A_263 = arith.index_cast %parallel_loop3A_262 : i32 to index
        %parallel_loop3A_264 = tpu.vector_load %arg5[%parallel_loop3A_263] {strides = array<i32>} : memref<6272xi32, #tpu.memory_space<vmem>>, vector<16xi32>,
        %parallel_loop3A_265 = arith.constant 9 : i32
        %parallel_loop3A_266 = vector.broadcast %parallel_loop3A_265 : i32 to vector<16xi32>
        %parallel_loop3A_267 = arith.shrui %parallel_loop3A_264, %parallel_loop3A_266 : vector<16xi32>
        %parallel_loop3A_268 = arith.constant 511 : i32
        %parallel_loop3A_269 = vector.broadcast %parallel_loop3A_268 : i32 to vector<16xi32>
        %parallel_loop3A_270 = arith.andi %parallel_loop3A_264, %parallel_loop3A_269 : vector<16xi32>
        %parallel_loop3A_271 = arith.constant 56 : i32
        %parallel_loop3A_272 = arith.addi %parallel_loop3A_271, %parallel_loop3A_244 : i32
        %parallel_loop3A_273 = arith.constant 16 : i32
        %parallel_loop3A_274 = arith.muli %parallel_loop3A_260, %parallel_loop3A_273 : i32
        %parallel_loop3A_275 = arith.index_cast %parallel_loop3A_272 : i32 to index
        %parallel_loop3A_276 = arith.index_cast %parallel_loop3A_274 : i32 to index
        %parallel_loop3A_277 = tpu.vector_load %arg7[%parallel_loop3A_275, %parallel_loop3A_276] {strides = array<i32>} : memref<112x224xf32, #tpu.memory_space<vmem>>, vector<16xf32>,
        tpu.vector_store_idx %arg8[%parallel_loop3A_267, %parallel_loop3A_270], %parallel_loop3A_277 : memref<64x512xf32, #tpu.memory_space<vmem>>[vector<16xi32>, vector<16xi32>], vector<16xf32>,
      } {sc.loop_unroll_factor = 14 : i64, sc.parallel_access}
      %dma_start3A_186 = arith.constant 384 : i32
      %dma_start3A_187 = arith.constant 0 : i32
      %dma_start3A_188 = tpu.memref_slice %arg4[%add3A_48, %dma_start3A_186, %dma_start3A_187] : memref<384x512x512xf32, #tpu.memory_space<hbm>> -> memref<1x64x512xf32, #tpu.memory_space<hbm>>
      %dma_start3A_189 = tpu.memref_squeeze %dma_start3A_188 : memref<1x64x512xf32, #tpu.memory_space<hbm>> -> memref<64x512xf32, #tpu.memory_space<hbm>>
      %dma_start3A_190 = arith.constant 384 : i32
      %dma_start3A_191 = arith.constant 0 : i32
      %dma_start3A_192 = tpu.memref_slice %arg4[%add3A_48, %dma_start3A_190, %dma_start3A_191] : memref<384x512x512xf32, #tpu.memory_space<hbm>> -> memref<1x64x512xf32, #tpu.memory_space<hbm>>
      %dma_start3A_193 = tpu.memref_squeeze %dma_start3A_192 : memref<1x64x512xf32, #tpu.memory_space<hbm>> -> memref<64x512xf32, #tpu.memory_space<hbm>>
      tpu.enqueue_dma source(%arg8 : memref<64x512xf32, #tpu.memory_space<vmem>>) target(%dma_start3A_193 : memref<64x512xf32, #tpu.memory_space<hbm>>) target_semaphore(%arg12 : memref<!tpu.dma_semaphore, #tpu.memory_space<semaphore_mem>>)
      %dma_wait3A_194 = arith.constant 448 : i32
      %dma_wait3A_195 = arith.constant 0 : i32
      %dma_wait3A_196 = tpu.memref_slice %arg4[%add3A_48, %dma_wait3A_194, %dma_wait3A_195] : memref<384x512x512xf32, #tpu.memory_space<hbm>> -> memref<1x64x512xf32, #tpu.memory_space<hbm>>
      %dma_wait3A_197 = tpu.memref_squeeze %dma_wait3A_196 : memref<1x64x512xf32, #tpu.memory_space<hbm>> -> memref<64x512xf32, #tpu.memory_space<hbm>>
      %dma_wait3A_198 = arith.constant 448 : i32
      %dma_wait3A_199 = arith.constant 0 : i32
      %dma_wait3A_200 = tpu.memref_slice %arg4[%add3A_48, %dma_wait3A_198, %dma_wait3A_199] : memref<384x512x512xf32, #tpu.memory_space<hbm>> -> memref<1x64x512xf32, #tpu.memory_space<hbm>>
      %dma_wait3A_201 = tpu.memref_squeeze %dma_wait3A_200 : memref<1x64x512xf32, #tpu.memory_space<hbm>> -> memref<64x512xf32, #tpu.memory_space<hbm>>
      tpu.wait_dma2 semaphore(%arg13 : memref<!tpu.dma_semaphore, #tpu.memory_space<semaphore_mem>>) src(%arg9 : memref<64x512xf32, #tpu.memory_space<vmem>>) dst(%dma_wait3A_201 : memref<64x512xf32, #tpu.memory_space<hbm>>)
      %parallel_loop3A_202 = arith.constant 0 : i32
      %parallel_loop3A_203 = arith.constant 392 : i32
      %parallel_loop3A_204 = arith.constant 1 : i32
      scf.for %parallel_loop3A_220 = %parallel_loop3A_202 to %parallel_loop3A_203 step %parallel_loop3A_204  : i32 {
        %parallel_loop3A_221 = arith.constant 14 : i32
        %parallel_loop3A_222 = arith.divsi %parallel_loop3A_220, %parallel_loop3A_221 : i32
        %parallel_loop3A_223 = arith.constant 0 : i32
        %parallel_loop3A_224 = arith.cmpi sgt, %parallel_loop3A_220, %parallel_loop3A_223 : i32
        %parallel_loop3A_225 = arith.extui %parallel_loop3A_224 : i1 to i32
        %parallel_loop3A_226 = arith.constant 0 : i32
        %parallel_loop3A_227 = arith.cmpi slt, %parallel_loop3A_220, %parallel_loop3A_226 : i32
        %parallel_loop3A_228 = arith.extui %parallel_loop3A_227 : i1 to i32
        %parallel_loop3A_229 = arith.subi %parallel_loop3A_225, %parallel_loop3A_228 : i32
        %parallel_loop3A_230 = arith.constant 0 : i32
        %parallel_loop3A_231 = arith.cmpi sgt, %parallel_loop3A_221, %parallel_loop3A_230 : i32
        %parallel_loop3A_232 = arith.extui %parallel_loop3A_231 : i1 to i32
        %parallel_loop3A_233 = arith.constant 0 : i32
        %parallel_loop3A_234 = arith.cmpi slt, %parallel_loop3A_221, %parallel_loop3A_233 : i32
        %parallel_loop3A_235 = arith.extui %parallel_loop3A_234 : i1 to i32
        %parallel_loop3A_236 = arith.subi %parallel_loop3A_232, %parallel_loop3A_235 : i32
        %parallel_loop3A_237 = arith.cmpi ne, %parallel_loop3A_229, %parallel_loop3A_236 : i32
        %parallel_loop3A_238 = arith.remsi %parallel_loop3A_220, %parallel_loop3A_221 : i32
        %parallel_loop3A_239 = arith.constant 0 : i32
        %parallel_loop3A_240 = arith.cmpi ne, %parallel_loop3A_238, %parallel_loop3A_239 : i32
        %parallel_loop3A_241 = arith.andi %parallel_loop3A_237, %parallel_loop3A_240 : i1
        %parallel_loop3A_242 = arith.constant 1 : i32
        %parallel_loop3A_243 = arith.subi %parallel_loop3A_222, %parallel_loop3A_242 : i32
        %parallel_loop3A_244 = arith.select %parallel_loop3A_241, %parallel_loop3A_243, %parallel_loop3A_222 : i32
        %parallel_loop3A_245 = arith.constant 14 : i32
        %parallel_loop3A_246 = arith.constant 0 : i32
        %parallel_loop3A_247 = arith.cmpi eq, %parallel_loop3A_245, %parallel_loop3A_246 : i32
        %parallel_loop3A_248 = arith.constant 1 : i32
        %parallel_loop3A_249 = arith.select %parallel_loop3A_247, %parallel_loop3A_248, %parallel_loop3A_245 : i32
        %parallel_loop3A_250 = arith.remsi %parallel_loop3A_220, %parallel_loop3A_249 : i32
        %parallel_loop3A_251 = arith.constant 0 : i32
        %parallel_loop3A_252 = arith.cmpi ne, %parallel_loop3A_250, %parallel_loop3A_251 : i32
        %parallel_loop3A_253 = arith.constant 0 : i32
        %parallel_loop3A_254 = arith.cmpi slt, %parallel_loop3A_250, %parallel_loop3A_253 : i32
        %parallel_loop3A_255 = arith.constant 0 : i32
        %parallel_loop3A_256 = arith.cmpi slt, %parallel_loop3A_249, %parallel_loop3A_255 : i32
        %parallel_loop3A_257 = arith.xori %parallel_loop3A_254, %parallel_loop3A_256 : i1
        %parallel_loop3A_258 = arith.andi %parallel_loop3A_257, %parallel_loop3A_252 : i1
        %parallel_loop3A_259 = arith.addi %parallel_loop3A_250, %parallel_loop3A_249 : i32
        %parallel_loop3A_260 = arith.select %parallel_loop3A_258, %parallel_loop3A_259, %parallel_loop3A_250 : i32
        %parallel_loop3A_261 = arith.constant 16 : i32
        %parallel_loop3A_262 = arith.muli %parallel_loop3A_220, %parallel_loop3A_261 : i32
        %parallel_loop3A_263 = arith.index_cast %parallel_loop3A_262 : i32 to index
        %parallel_loop3A_264 = tpu.vector_load %arg5[%parallel_loop3A_263] {strides = array<i32>} : memref<6272xi32, #tpu.memory_space<vmem>>, vector<16xi32>,
        %parallel_loop3A_265 = arith.constant 9 : i32
        %parallel_loop3A_266 = vector.broadcast %parallel_loop3A_265 : i32 to vector<16xi32>
        %parallel_loop3A_267 = arith.shrui %parallel_loop3A_264, %parallel_loop3A_266 : vector<16xi32>
        %parallel_loop3A_268 = arith.constant 511 : i32
        %parallel_loop3A_269 = vector.broadcast %parallel_loop3A_268 : i32 to vector<16xi32>
        %parallel_loop3A_270 = arith.andi %parallel_loop3A_264, %parallel_loop3A_269 : vector<16xi32>
        %parallel_loop3A_271 = arith.constant 84 : i32
        %parallel_loop3A_272 = arith.addi %parallel_loop3A_271, %parallel_loop3A_244 : i32
        %parallel_loop3A_273 = arith.constant 16 : i32
        %parallel_loop3A_274 = arith.muli %parallel_loop3A_260, %parallel_loop3A_273 : i32
        %parallel_loop3A_275 = arith.index_cast %parallel_loop3A_272 : i32 to index
        %parallel_loop3A_276 = arith.index_cast %parallel_loop3A_274 : i32 to index
        %parallel_loop3A_277 = tpu.vector_load %arg7[%parallel_loop3A_275, %parallel_loop3A_276] {strides = array<i32>} : memref<112x224xf32, #tpu.memory_space<vmem>>, vector<16xf32>,
        tpu.vector_store_idx %arg9[%parallel_loop3A_267, %parallel_loop3A_270], %parallel_loop3A_277 : memref<64x512xf32, #tpu.memory_space<vmem>>[vector<16xi32>, vector<16xi32>], vector<16xf32>,
      } {sc.loop_unroll_factor = 14 : i64, sc.parallel_access}
      %dma_start3A_205 = arith.constant 448 : i32
      %dma_start3A_206 = arith.constant 0 : i32
      %dma_start3A_207 = tpu.memref_slice %arg4[%add3A_48, %dma_start3A_205, %dma_start3A_206] : memref<384x512x512xf32, #tpu.memory_space<hbm>> -> memref<1x64x512xf32, #tpu.memory_space<hbm>>
      %dma_start3A_208 = tpu.memref_squeeze %dma_start3A_207 : memref<1x64x512xf32, #tpu.memory_space<hbm>> -> memref<64x512xf32, #tpu.memory_space<hbm>>
      %dma_start3A_209 = arith.constant 448 : i32
      %dma_start3A_210 = arith.constant 0 : i32
      %dma_start3A_211 = tpu.memref_slice %arg4[%add3A_48, %dma_start3A_209, %dma_start3A_210] : memref<384x512x512xf32, #tpu.memory_space<hbm>> -> memref<1x64x512xf32, #tpu.memory_space<hbm>>
      %dma_start3A_212 = tpu.memref_squeeze %dma_start3A_211 : memref<1x64x512xf32, #tpu.memory_space<hbm>> -> memref<64x512xf32, #tpu.memory_space<hbm>>
      tpu.enqueue_dma source(%arg9 : memref<64x512xf32, #tpu.memory_space<vmem>>) target(%dma_start3A_212 : memref<64x512xf32, #tpu.memory_space<hbm>>) target_semaphore(%arg13 : memref<!tpu.dma_semaphore, #tpu.memory_space<semaphore_mem>>)
      %add3A_213 = arith.constant 1 : i32
      %add3A_214 = arith.addi %add3A_47, %add3A_213 : i32
      %lt3A_215 = arith.constant 12 : i32
      %lt3A_216 = arith.cmpi slt, %add3A_214, %lt3A_215 : i32
      %convert_element_type3A_217 = arith.extui %lt3A_216 : i1 to i32
      %cond3A_218 = arith.constant 0 : i32
      %cond3A_219 = arith.cmpi ne, %convert_element_type3A_217, %cond3A_218 : i32
      scf.if %cond3A_219 {
        %add3A_220 = arith.constant 1 : i32
        %add3A_221 = arith.addi %add3A_48, %add3A_220 : i32
        %dma_start3A_222 = arith.constant 112 : i32
        %dma_start3A_223 = arith.constant 0 : i32
        %dma_start3A_224 = tpu.memref_slice %arg2[%add3A_221, %dma_start3A_222, %dma_start3A_223] : memref<384x224x224xf32, #tpu.memory_space<hbm>> -> memref<1x112x224xf32, #tpu.memory_space<hbm>>
        %dma_start3A_225 = tpu.memref_squeeze %dma_start3A_224 : memref<1x112x224xf32, #tpu.memory_space<hbm>> -> memref<112x224xf32, #tpu.memory_space<hbm>>
        %dma_start3A_226 = arith.constant 112 : i32
        %dma_start3A_227 = arith.constant 0 : i32
        %dma_start3A_228 = tpu.memref_slice %arg2[%add3A_221, %dma_start3A_226, %dma_start3A_227] : memref<384x224x224xf32, #tpu.memory_space<hbm>> -> memref<1x112x224xf32, #tpu.memory_space<hbm>>
        %dma_start3A_229 = tpu.memref_squeeze %dma_start3A_228 : memref<1x112x224xf32, #tpu.memory_space<hbm>> -> memref<112x224xf32, #tpu.memory_space<hbm>>
        tpu.enqueue_dma source(%dma_start3A_229 : memref<112x224xf32, #tpu.memory_space<hbm>>) target(%arg7 : memref<112x224xf32, #tpu.memory_space<vmem>>) target_semaphore(%arg11 : memref<!tpu.dma_semaphore, #tpu.memory_space<semaphore_mem>>)
      } else {
      }
    }
    %scan3A_27 = arith.constant 12 : i32
    %dma_wait3A = arith.constant 0 : i32
    %dma_wait3A_28 = arith.constant 0 : i32
    %dma_wait3A_29 = tpu.memref_slice %arg4[%mul3A_2, %dma_wait3A, %dma_wait3A_28] : memref<384x512x512xf32, #tpu.memory_space<hbm>> -> memref<1x64x512xf32, #tpu.memory_space<hbm>>
    %dma_wait3A_30 = tpu.memref_squeeze %dma_wait3A_29 : memref<1x64x512xf32, #tpu.memory_space<hbm>> -> memref<64x512xf32, #tpu.memory_space<hbm>>
    %dma_wait3A_31 = arith.constant 0 : i32
    %dma_wait3A_32 = arith.constant 0 : i32
    %dma_wait3A_33 = tpu.memref_slice %arg4[%mul3A_2, %dma_wait3A_31, %dma_wait3A_32] : memref<384x512x512xf32, #tpu.memory_space<hbm>> -> memref<1x64x512xf32, #tpu.memory_space<hbm>>
    %dma_wait3A_34 = tpu.memref_squeeze %dma_wait3A_33 : memref<1x64x512xf32, #tpu.memory_space<hbm>> -> memref<64x512xf32, #tpu.memory_space<hbm>>
    tpu.wait_dma2 semaphore(%arg12 : memref<!tpu.dma_semaphore, #tpu.memory_space<semaphore_mem>>) src(%arg8 : memref<64x512xf32, #tpu.memory_space<vmem>>) dst(%dma_wait3A_34 : memref<64x512xf32, #tpu.memory_space<hbm>>)
    %dma_wait3A_35 = arith.constant 0 : i32
    %dma_wait3A_36 = arith.constant 0 : i32
    %dma_wait3A_37 = tpu.memref_slice %arg4[%mul3A_2, %dma_wait3A_35, %dma_wait3A_36] : memref<384x512x512xf32, #tpu.memory_space<hbm>> -> memref<1x64x512xf32, #tpu.memory_space<hbm>>
    %dma_wait3A_38 = tpu.memref_squeeze %dma_wait3A_37 : memref<1x64x512xf32, #tpu.memory_space<hbm>> -> memref<64x512xf32, #tpu.memory_space<hbm>>
    %dma_wait3A_39 = arith.constant 0 : i32
    %dma_wait3A_40 = arith.constant 0 : i32
    %dma_wait3A_41 = tpu.memref_slice %arg4[%mul3A_2, %dma_wait3A_39, %dma_wait3A_40] : memref<384x512x512xf32, #tpu.memory_space<hbm>> -> memref<1x64x512xf32, #tpu.memory_space<hbm>>
    %dma_wait3A_42 = tpu.memref_squeeze %dma_wait3A_41 : memref<1x64x512xf32, #tpu.memory_space<hbm>> -> memref<64x512xf32, #tpu.memory_space<hbm>>
    tpu.wait_dma2 semaphore(%arg13 : memref<!tpu.dma_semaphore, #tpu.memory_space<semaphore_mem>>) src(%arg9 : memref<64x512xf32, #tpu.memory_space<vmem>>) dst(%dma_wait3A_42 : memref<64x512xf32, #tpu.memory_space<hbm>>)
    return
  }
}

</mosaic_0001>

<sc_bundles>
// kernel: _dilute.3.cloned.1.call-start
scs
__scs_entry_jumppad:
0x0: {  	(pc) =	sbr.rel $0x88, $3  }
0x1: {  	(tag) =	ssettag $0x0;
	lr =	simm.s32 $0x1  }
0x2: {  	[smem:$0x3FA0] =	sst lr;
	_ =	strace $0xD0000000  }
0x3: {  	_ = 	snop  }
0x4: {  	_ = 	snop  }
0x5: {  	_ = 	snop  }
0x6: {  	_ = 	snop  }
0x7: {  	_ = 	snop  }
__scs_overlays_trampoline_lowered:
0x8: {  	[smem:$0x3FAF] =	sst s0  }
0x9: {  	[smem:$0x3FB0] =	sst s1  }
0xa: {  	[smem:$0x3FB1] =	sst s2  }
0xb: {  	[smem:$0x3FB2] =	sst s3  }
0xc: {  	[smem:$0x3FB3] =	sst s4  }
0xd: {  	[smem:$0x3FB4] =	sst s5  }
0xe: {  	[smem:$0x3FB5] =	sst s6  }
0xf: {  	[smem:$0x3FB6] =	sst s7  }
0x10: {  	[smem:$0x3FB7] =	sst s8  }
0x11: {  	[smem:$0x3FB8] =	sst s9;
	s0 =	simm.s32 @!p0 $0x0  }
0x12: {  	s1 =	sld [smem:$0x3F9E];
	s0 =	simm.s32 @p0 $0x1  }
0x13: {  	[smem:$0x3FB9] =	sst s0;
	s0 =	simm.s32 @!p1 $0x0  }
0x14: {  	s2 =	sld [smem:$0x3F9D];
	s0 =	simm.s32 @p1 $0x1  }
0x15: {  	[smem:$0x3FBA] =	sst s0;
	s0 =	simm.s32 @!p2 $0x0  }
0x16: {  	s3 =	sld [smem:$0x3FDB];
	s0 =	simm.s32 @p2 $0x1  }
0x17: {  	s4 =	simm.s32 $0x1BF5;
	[smem:$0x3FBC] =	sst s0  }
0x18: {  	s0 =	sld [smem:$0x3F9F];
	_ =	swait.ge [sflag:s4], $0x0  }
0x19: {  	s7 =	sld [smem:$0x3FA0]  }
0x1a: {  	s8 =	sadd.s32 $0xFFFFE003, lr  }
0x1b: {  	s9 =	sadd.s32 $0xFFFFFEF7, lr;
	s5 =	simm.s32 $0xFFFFFFFF;
	p2 =	slt.u32 s8, $0xFFFFF086  }
0x1c: {  	p1 =	slt.u32 s9, $0xF7A;
	s5 =	simm.s32 @!p2 $0x0  }
0x1d: {  	s5 =	simm.s32 @p1 $0x1;
	p0 =	seq.s32 s7, s2  }
0x1e: {  	s7 =	smul.u32 @!p0 $0xF7A, s2;
	p2 =	seq.s32 @!p0 s5, $0x0  }
0x1f: {  	s9 =	smul.u32 $0xF7A, s1;
	s8 =	simm.s32 @!p0 $0x1BF5;
	p2 =	por !p2, p0  }
0x20: {  	[sflag:s8] =	ssyncset.s32 @!p0 $0xFFFFF086;
	s6 =	sadd.s32 @!p0 s3, s7;
	s7 =	simm.s32 @!p0 $0x108  }
0x21: {  	s3 =	sadd.s32 s3, s9;
	s6 =	sadd.s32 @!p0 $0x88, s6;
	s7 =	simm.s32 @p2 $0x1082  }
0x22: {  	[simem:s7], [sflag:s8] =	dma.local @!p0 [hbm:s6], $0xF7A  }
0x23: {  	s9 =	sor.u32 $0xD0000000, s2;
	s6 =	simm.s32 $0x108;
	_ =	swait.ge @!p0 [sflag:s8], $0x0  }
0x24: {  	s3 =	sadd.s32 $0x88, s3;
	s6 =	simm.s32 @!p1 $0x1082;
	[sflag:s4] =	ssyncset.s32 $0xFFFFF086  }
0x25: {  	[simem:s6], [sflag:s4] =	dma.local [hbm:s3], $0xF7A  }
0x26: {  	[smem:$0x3FA0] =	sst s1;
	(tag) =	ssettag s2;
	_ =	strace s9  }
0x27: {  	s1 =	sld [smem:$0x3FB0]  }
0x28: {  	s2 =	sld [smem:$0x3FB1]  }
0x29: {  	s4 =	sld [smem:$0x3FB3]  }
0x2a: {  	p0 =	seq.s32 s5, $0x0;
	s5 =	sld [smem:$0x3FB4]  }
0x2b: {  	s6 =	sld [smem:$0x3FB5]  }
0x2c: {  	s7 =	sld [smem:$0x3FB6]  }
0x2d: {  	s3 =	simm.s32 $0x108;
	s8 =	sld [smem:$0x3FB7]  }
0x2e: {  	s3 =	simm.s32 @!p0 $0x1082;
	s9 =	sld [smem:$0x3FB8]  }
0x2f: {  	lr =	sadd.s32 s0, s3;
	s0 =	sld [smem:$0x3FAF]  }
0x30: {  	s3 =	sld [smem:$0x3FB2]  }
0x31: {  	[smem:$0x3FBB] =	sst s10  }
0x32: {  	s10 =	sld [smem:$0x3FB9];
	_ =	sdelay $0x3  }
0x33: {  	p0 =	seq.s32 s10, $0x1;
	s10 =	sld [smem:$0x3FBB];
	_ =	sdelay $0x3  }
0x34: {  	[smem:$0x3FBB] =	sst s10  }
0x35: {  	s10 =	sld [smem:$0x3FBA];
	_ =	sdelay $0x3  }
0x36: {  	p1 =	seq.s32 s10, $0x1;
	s10 =	sld [smem:$0x3FBB];
	_ =	sdelay $0x3  }
0x37: {  	[smem:$0x3FBB] =	sst s10  }
0x38: {  	s10 =	sld [smem:$0x3FBC]  }
0x39: {  	_ = 	snop;
	(pc) =	sbr.ind lr, $3  }
0x3a: {  	_ = 	snop  }
0x3b: {  	_ = 	snop  }
0x3c: {  	p2 =	seq.s32 s10, $0x1;
	s10 =	sld [smem:$0x3FBB]  }
0x3d: {  	_ =	shalt  }
0x3e: {  	_ =	shalt  }
0x3f: {  	_ =	shalt  }
0x40: {  	_ =	shalt  }
0x41: {  	_ =	shalt  }
0x42: {  	_ =	shalt  }
0x43: {  	_ =	shalt  }
0x44: {  	_ =	shalt  }
0x45: {  	_ =	shalt  }
0x46: {  	_ =	shalt  }
0x47: {  	_ =	shalt  }
0x48: {  	_ =	shalt  }
0x49: {  	_ =	shalt  }
0x4a: {  	_ =	shalt  }
0x4b: {  	_ =	shalt  }
0x4c: {  	_ =	shalt  }
0x4d: {  	_ =	shalt  }
0x4e: {  	_ =	shalt  }
0x4f: {  	_ =	shalt  }
0x50: {  	_ =	shalt  }
0x51: {  	_ =	shalt  }
0x52: {  	_ =	shalt  }
0x53: {  	_ =	shalt  }
0x54: {  	_ =	shalt  }
0x55: {  	_ =	shalt  }
0x56: {  	_ =	shalt  }
0x57: {  	_ =	shalt  }
0x58: {  	_ =	shalt  }
0x59: {  	_ =	shalt  }
0x5a: {  	_ =	shalt  }
0x5b: {  	_ =	shalt  }
0x5c: {  	_ =	shalt  }
0x5d: {  	_ =	shalt  }
0x5e: {  	_ =	shalt  }
0x5f: {  	_ =	shalt  }
0x60: {  	_ =	shalt  }
0x61: {  	_ =	shalt  }
0x62: {  	_ =	shalt  }
0x63: {  	_ =	shalt  }
0x64: {  	_ =	shalt  }
0x65: {  	_ =	shalt  }
0x66: {  	_ =	shalt  }
0x67: {  	_ =	shalt  }
0x68: {  	_ =	shalt  }
0x69: {  	_ =	shalt  }
0x6a: {  	_ =	shalt  }
0x6b: {  	_ =	shalt  }
0x6c: {  	_ =	shalt  }
0x6d: {  	_ =	shalt  }
0x6e: {  	_ =	shalt  }
0x6f: {  	_ =	shalt  }
0x70: {  	_ =	shalt  }
0x71: {  	_ =	shalt  }
0x72: {  	_ =	shalt  }
0x73: {  	_ =	shalt  }
0x74: {  	_ =	shalt  }
0x75: {  	_ =	shalt  }
0x76: {  	_ =	shalt  }
0x77: {  	_ =	shalt  }
0x78: {  	_ =	shalt  }
0x79: {  	_ =	shalt  }
0x7a: {  	_ =	shalt  }
0x7b: {  	_ =	shalt  }
0x7c: {  	_ =	shalt  }
0x7d: {  	_ =	shalt  }
0x7e: {  	_ =	shalt  }
0x7f: {  	_ =	shalt  }
0x80: {  	_ =	shalt  }
0x81: {  	_ =	shalt  }
0x82: {  	_ =	shalt  }
0x83: {  	_ =	shalt  }
0x84: {  	_ =	shalt  }
0x85: {  	_ =	shalt  }
0x86: {  	_ =	shalt  }
0x87: {  	_ =	shalt  }
.Lfunc_end0:
.L_simem_size_0:
called_computation_lowered:
.L_overlay_start_0:
0x88: {  	s2 =	sld [smem:$0x3FD9]  }
0x89: {  	s3 =	sld [smem:$0x3FFE];
	_ =	sdelay $0x1  }
0x8a: {  	s1 =	srdreg.scid  }
0x8b: {  	s0 =	sand.u32 $0x1, s1  }
0x8c: {  	s17 =	sshll.u32 s0, $0xA;
	s2 =	sadd.s32 s3, s2  }
0x8d: {  	s2 =	sadd.s32 s2, s17  }
0x8e: {  	[smem:$0x3FC7] =	sst s2  }
0x8f: {  	_ = 	snop  }
0x90: {  	s2 =	sld [smem:$0x3FC9]  }
0x91: {  	s18 =	sld [smem:$0x3FD0];
	(tm) =	ssettm $0x1  }
0x92: {  	s4 =	sld [smem:$0x3FFB];
	_ =	sdelay $0x3  }
0x93: {  	_ =	strace s4  }
0x94: {  	s4 =	sld [smem:$0x3FFC];
	_ =	sdelay $0x3  }
0x95: {  	_ =	strace s4  }
0x96: {  	s4 =	sld [smem:$0x3FFD];
	_ =	sdelay $0x3  }
0x97: {  	_ =	strace s4  }
0x98: {  	_ =	strace $0x8FFFFFFF  }
0x99: {  	s19 =	sld [smem:$0x3FDB];
	_ =	sdelay $0x1  }
0x9a: {  	s5 =	simm.s32 $_scs_section_size  }
0x9b: {  	s6 =	simm.s32 $_size__tile_overlayer_lowered;
	s7 =	simm.s32 $_tile_overlayer_lowered  }
0x9c: {  	s22 =	simm.s32 $0x1BFF;
	s21 =	sshll.u32 s7, $0x1;
	s4 =	sadd.s32 s5, s19  }
0x9d: {  	s8 =	simm.s32 $0x0;
	s20 =	sshll.u32 s6, $0x1;
	s6 =	sadd.s32 s21, s4  }
0x9e: {  	[timem:s8], [sflag:s22] =	dma.local [hbm:s6], s20  }
0x9f: {  	_ =	swait.ge [sflag:s22], s20  }
0xa0: {  	s5 =	ssub.s32 $0x0, s20;
	[sflag:s22] =	ssyncset.done $0x0  }
0xa1: {  	[sflag:s22] =	ssyncadd.s32 s5;
	_ =	sdelay $0x1  }
0xa2: {  	s23 =	simm.s32 $0x1B8B  }
0xa3: {  	_ =	swait.ge [sflag:s23], $0x1  }
0xa4: {  	[sflag:s23] =	ssyncset.done $0x0  }
0xa5: {  	s25 =	simm.s32 $0x1B8E;
	s24 =	sld [smem:$0x3FFE];
	[sflag:s23] =	ssyncadd.s32 $0xFFFFFFFF  }
0xa6: {  	s26 =	simm.s32 $execute0_lowered;
	[smem:$0x3FD2] =	sst s25  }
0xa7: {  	s6 =	sshll.u32 s26, $0x1;
	_ =	strace $0x80000046;
	[dreg:$0x1] =	wrdreg $0xFFFFFFFF  }
0xa8: {  	s28 =	simm.s32 $_size_execute0_lowered;
	s4 =	sadd.s32 s4, s6;
	[dreg:$0x0] =	wrdreg $0x0  }
0xa9: {  	s6 =	sshll.u32 s28, $0x1;
	[dreg:$0x2] =	wrdreg s4  }
0xaa: {  	[dreg:$0x3] =	wrdreg s6  }
0xab: {  	[dreg:$0x4] =	wrdreg $0xC0  }
0xac: {  	_ =	task [dreg:s8], $0x5FFFF  }
0xad: {  	[dreg:$0x1] =	wrdreg $0xFFFFFFFF  }
0xae: {  	[dreg:$0x0] =	wrdreg $0x60  }
0xaf: {  	[dreg:$0x2] =	wrdreg s2  }
0xb0: {  	[dreg:$0x3] =	wrdreg s24  }
0xb1: {  	[dreg:$0x4] =	wrdreg s18  }
0xb2: {  	[dreg:$0x5] =	wrdreg $0x9  }
0xb3: {  	_ =	task.clear_ibuf [dreg:s8], $0x6FFFF;
	_ =	strace $0x90000046  }
0xb4: {  	s29 =	simm.s32 $0x9;
	_ =	strace $0x80000048  }
0xb5: {  	_ =	swait.ge [sflag:s29], $0x1  }
0xb6: {  	[sflag:s29] =	ssyncadd.s32 $0xFFFFFFFF  }
0xb7: {  	_ =	strace $0x90000048  }
0xb8: {  	_ =	sfence  }
0xb9: {  	s30 =	sld [smem:$0x0];
	_ =	sdelay $0x2  }
0xba: {  	s31 =	sshll.u32 s1, $0xD;
	s1 =	sshrl.u32 s1, $0x2  }
0xbb: {  	s3 =	sand.u32 $0x4000, s31;
	s1 =	sadd.s32 s1, s30  }
0xbc: {  	s0 =	sor.u32 s3, s0;
	s1 =	sshll.u32 s1, $0x11  }
0xbd: {  	s0 =	sor.u32 s1, s0  }
0xbe: {  	s0 =	sadd.s32 $0x8F2B, s0  }
0xbf: {  	[sflag:s0] =	ssyncadd.remote.s32 $0x1  }
0xc0: {  	_ =	sfence.sel $0xFFFF  }
0xc1: {  	[dreg:$0x0] =	wrdreg $0xFFFFFFFF;
	(pc) =	sbr.abs _section_cstart, $3  }
0xc2: {  	[dreg:$0x1] =	wrdreg $0xFFFFFFFF  }
0xc3: {  	_ =	task.clear_ibuf [dreg:s8], $0x2FFFF;
	_ =	strace $0x9FFFFFFF  }
0xc4: {  	(tm) =	ssettm $0x7FFFFFFF  }
0xc5: {  	_ =	shalt  }
tec
execute0_lowered:
.L_overlay_start_1:
0x0: {  	(tag) =	ssettag $0x1  }
0x1: {  	s4 =	rddreg [dreg:$0x0]  }
0x2: {  	s0 =	rddreg [dreg:$0x1]  }
0x3: {  	s1 =	srdreg.scid;
	s5 =	rddreg [dreg:$0x2];
	s29 =	simm.s32 $0x0  }
0x4: {  	s2 =	stileid.u32;
	[smem:$0x7FF] =	sst s29;
	s0 =	sadd.s32 $0x400, s0  }
0x5: {  	s23 =	sadd.s32 $0x1000, s5;
	_ =	strace $0x80000047;
	[dreg:$0x4] =	wrdreg s0  }
0x6: {  	s1 =	sand.u32 $0x1, s1;
	s24 =	sadd.s32 $0x2000, s5;
	[dreg:$0x8] =	wrdreg s23  }
0x7: {  	s2 =	sshll.u32 s2, $0x1;
	s25 =	sadd.s32 $0x3000, s5;
	[dreg:$0x9] =	wrdreg s24  }
0x8: {  	s26 =	sadd.s32 $0x4000, s5;
	s28 =	sadd.s32 $0x5000, s5;
	[dreg:$0xa] =	wrdreg s25  }
0x9: {  	s30 =	sadd.s32 $0x6000, s5;
	s2 =	sor.u32 s1, s2;
	[dreg:$0xb] =	wrdreg s26  }
0xa: {  	s31 =	sadd.s32 $0x7000, s5;
	[dreg:$0xc] =	wrdreg s28;
	s3 =	smul.u32 $0x15000, s2  }
0xb: {  	s1 =	ssub.s32 $0x2, s1;
	[dreg:$0xd] =	wrdreg s30;
	s21 =	smul.u32 $0xC, s2  }
0xc: {  	[dreg:$0xe] =	wrdreg s31;
	s20 =	sshrl.u32 s1, $0x1  }
0xd: {  	s0 =	ssub.s32 s1, s20;
	s3 =	sadd.s32 s4, s3;
	[dreg:$0x6] =	wrdreg s21  }
0xe: {  	s0 =	smax.u32 s0, $0x1;
	[dreg:$0x5] =	wrdreg s3  }
0xf: {  	s2 =	simm.s32 $0x0;
	s22 =	sadd.s32 $0xE00, s3;
	[dreg:$0xf] =	wrdreg s0  }
0x10: {  	v0 =	vimm.f32 $0.0e+00;
	s21 =	simm.s32 $0xF880;
	[dreg:$0x7] =	wrdreg s22;
	s22 =	simm.s32 $0x17880  }
.LBB2_1:
0x11: {  	[dreg:$0x10] =	wrdreg s2  }
0x12: {  	s0 =	rddreg [dreg:$0x4];
	s30 =	simm.s32 $0x5  }
0x13: {  	[tilespmem:s29], [sflag:$0x5] =	stream.linear.gather [hbm4b:s0+s29], $0x1880, $0x38;
	[tilespmem:$0x1F880] =	vst v63  }
0x14: {  	_ =	swait.ge [sflag:s30], $0x1880  }
0x15: {  	s31 =	sand.u32 $0x7000, s29;
	s1 =	sand.u32 $0x380, s29;
	[sflag:s30] =	ssyncset.done $0x0  }
0x16: {  	s18 =	sor.u32 s1, s31;
	[sflag:s30] =	ssyncadd.s32 $0xFFFFE780  }
0x17: {  	[tilespmem:s18+$0xF8C0] =	vst v0  }
0x18: {  	[tilespmem:s18+$0xF880] =	vst v0  }
0x19: {  	[tilespmem:s18+$0xF890] =	vst v0  }
0x1a: {  	[tilespmem:s18+$0xF8A0] =	vst v0  }
0x1b: {  	[tilespmem:s18+$0xF8B0] =	vst v0  }
0x1c: {  	[tilespmem:s18+$0xF8D0] =	vst v0  }
0x1d: {  	[tilespmem:s18+$0xF8E0] =	vst v0  }
0x1e: {  	[tilespmem:s18+$0xF8F0] =	vst v0  }
0x1f: {  	[tilespmem:s18+$0xFC80] =	vst v0  }
0x20: {  	[tilespmem:s18+$0xFC90] =	vst v0  }
0x21: {  	[tilespmem:s18+$0xFCA0] =	vst v0  }
0x22: {  	[tilespmem:s18+$0xFCB0] =	vst v0  }
0x23: {  	[tilespmem:s18+$0xFCC0] =	vst v0  }
0x24: {  	[tilespmem:s18+$0xFCD0] =	vst v0  }
0x25: {  	[tilespmem:s18+$0xFCE0] =	vst v0  }
0x26: {  	s1 =	sadd.s32 $0xF880, s18;
	[tilespmem:s18+$0xFCF0] =	vst v0  }
0x27: {  	[tilespmem:s1+$0x800] =	vst v0  }
0x28: {  	[tilespmem:s1+$0x810] =	vst v0  }
0x29: {  	[tilespmem:s1+$0x820] =	vst v0  }
0x2a: {  	[tilespmem:s1+$0x830] =	vst v0  }
0x2b: {  	[tilespmem:s1+$0x840] =	vst v0  }
0x2c: {  	[tilespmem:s1+$0x850] =	vst v0  }
0x2d: {  	[tilespmem:s1+$0x860] =	vst v0  }
0x2e: {  	[tilespmem:s1+$0x870] =	vst v0  }
0x2f: {  	[tilespmem:s1+$0xC00] =	vst v0  }
0x30: {  	[tilespmem:s1+$0xC10] =	vst v0  }
0x31: {  	[tilespmem:s1+$0xC20] =	vst v0  }
0x32: {  	[tilespmem:s1+$0xC30] =	vst v0  }
0x33: {  	[tilespmem:s1+$0xC40] =	vst v0  }
0x34: {  	s2 =	simm.s32 $0x0;
	s0 =	simm.s32 $0x200;
	[tilespmem:s1+$0xC50] =	vst v0  }
.LBB2_2:
0x35: {  	p0 =	sne.s32 s0, $0x7E00;
	[tilespmem:s1+$0xC60] =	vst v0  }
0x36: {  	[tilespmem:s1+$0xC70] =	vst v0;
	s1 =	sadd.s32 $0x17880, s18  }
0x37: {  	[tilespmem:s1+$0xC70] =	vst v0  }
0x38: {  	[tilespmem:s18+$0x17880] =	vst v0  }
0x39: {  	[tilespmem:s1+$0x10] =	vst v0  }
0x3a: {  	[tilespmem:s1+$0x20] =	vst v0  }
0x3b: {  	[tilespmem:s1+$0x30] =	vst v0  }
0x3c: {  	[tilespmem:s1+$0x40] =	vst v0  }
0x3d: {  	[tilespmem:s1+$0x50] =	vst v0  }
0x3e: {  	[tilespmem:s1+$0x60] =	vst v0  }
0x3f: {  	[tilespmem:s1+$0x70] =	vst v0  }
0x40: {  	[tilespmem:s1+$0x400] =	vst v0  }
0x41: {  	[tilespmem:s1+$0x410] =	vst v0  }
0x42: {  	[tilespmem:s1+$0x420] =	vst v0  }
0x43: {  	[tilespmem:s1+$0x430] =	vst v0  }
0x44: {  	[tilespmem:s1+$0x440] =	vst v0  }
0x45: {  	[tilespmem:s1+$0x450] =	vst v0  }
0x46: {  	[tilespmem:s1+$0x460] =	vst v0  }
0x47: {  	[tilespmem:s1+$0x470] =	vst v0  }
0x48: {  	[tilespmem:s1+$0x800] =	vst v0  }
0x49: {  	[tilespmem:s1+$0x810] =	vst v0  }
0x4a: {  	[tilespmem:s1+$0x820] =	vst v0  }
0x4b: {  	[tilespmem:s1+$0x830] =	vst v0  }
0x4c: {  	[tilespmem:s1+$0x840] =	vst v0  }
0x4d: {  	[tilespmem:s1+$0x850] =	vst v0  }
0x4e: {  	[tilespmem:s1+$0x860] =	vst v0  }
0x4f: {  	[tilespmem:s1+$0x870] =	vst v0  }
0x50: {  	[tilespmem:s1+$0xC00] =	vst v0  }
0x51: {  	[tilespmem:s1+$0xC10] =	vst v0  }
0x52: {  	[tilespmem:s1+$0xC20] =	vst v0  }
0x53: {  	[tilespmem:s1+$0xC30] =	vst v0  }
0x54: {  	s2 =	sadd.s32 $0x80, s2;
	[tilespmem:s1+$0xC40] =	vst v0  }
0x55: {  	s3 =	sand.u32 $0x7000, s0;
	s5 =	sand.u32 $0x380, s2;
	[tilespmem:s1+$0xC50] =	vst v0  }
0x56: {  	s18 =	sor.u32 s5, s3;
	[tilespmem:s1+$0xC60] =	vst v0  }
0x57: {  	[tilespmem:s18+$0xF8C0] =	vst v0  }
0x58: {  	[tilespmem:s18+$0xF880] =	vst v0  }
0x59: {  	[tilespmem:s18+$0xF890] =	vst v0  }
0x5a: {  	[tilespmem:s18+$0xF8A0] =	vst v0  }
0x5b: {  	[tilespmem:s18+$0xF8B0] =	vst v0  }
0x5c: {  	[tilespmem:s18+$0xF8D0] =	vst v0  }
0x5d: {  	[tilespmem:s18+$0xF8E0] =	vst v0  }
0x5e: {  	[tilespmem:s18+$0xF8F0] =	vst v0  }
0x5f: {  	[tilespmem:s18+$0xFC80] =	vst v0  }
0x60: {  	[tilespmem:s18+$0xFC90] =	vst v0  }
0x61: {  	[tilespmem:s18+$0xFCA0] =	vst v0  }
0x62: {  	[tilespmem:s18+$0xFCB0] =	vst v0  }
0x63: {  	[tilespmem:s18+$0xFCC0] =	vst v0  }
0x64: {  	[tilespmem:s18+$0xFCD0] =	vst v0  }
0x65: {  	[tilespmem:s18+$0xFCE0] =	vst v0  }
0x66: {  	s1 =	sadd.s32 $0xF880, s18;
	[tilespmem:s18+$0xFCF0] =	vst v0  }
0x67: {  	[tilespmem:s1+$0x800] =	vst v0  }
0x68: {  	[tilespmem:s1+$0x810] =	vst v0  }
0x69: {  	[tilespmem:s1+$0x820] =	vst v0  }
0x6a: {  	[tilespmem:s1+$0x830] =	vst v0  }
0x6b: {  	[tilespmem:s1+$0x840] =	vst v0  }
0x6c: {  	[tilespmem:s1+$0x850] =	vst v0  }
0x6d: {  	[tilespmem:s1+$0x860] =	vst v0  }
0x6e: {  	[tilespmem:s1+$0x870] =	vst v0  }
0x6f: {  	[tilespmem:s1+$0xC00] =	vst v0  }
.Ltmp0:
0x70: {  	[tilespmem:s1+$0xC10] =	vst v0;
	(pc) =	sbr.rel @p0 .LBB2_2-.Ltmp0, $4  }
0x71: {  	[tilespmem:s1+$0xC20] =	vst v0  }
0x72: {  	[tilespmem:s1+$0xC30] =	vst v0  }
0x73: {  	[tilespmem:s1+$0xC40] =	vst v0  }
0x74: {  	s0 =	sadd.s32 $0x200, s0;
	[tilespmem:s1+$0xC50] =	vst v0  }
0x75: {  	[tilespmem:s1+$0xC60] =	vst v0  }
0x76: {  	[tilespmem:s1+$0xC70] =	vst v0;
	s0 =	sadd.s32 $0x17880, s18  }
0x77: {  	[tilespmem:s0+$0xC70] =	vst v0  }
0x78: {  	[tilespmem:s18+$0x17880] =	vst v0  }
0x79: {  	[tilespmem:s0+$0x40] =	vst v0  }
0x7a: {  	[tilespmem:s0+$0x50] =	vst v0  }
0x7b: {  	[tilespmem:s0+$0x60] =	vst v0  }
0x7c: {  	[tilespmem:s0+$0x70] =	vst v0  }
0x7d: {  	[tilespmem:s0+$0x400] =	vst v0  }
0x7e: {  	[tilespmem:s0+$0x410] =	vst v0  }
0x7f: {  	[tilespmem:s0+$0x420] =	vst v0  }
0x80: {  	[tilespmem:s0+$0x430] =	vst v0  }
0x81: {  	[tilespmem:s0+$0x440] =	vst v0  }
0x82: {  	[tilespmem:s0+$0x450] =	vst v0  }
0x83: {  	[tilespmem:s0+$0x460] =	vst v0  }
0x84: {  	[tilespmem:s0+$0x470] =	vst v0  }
0x85: {  	[tilespmem:s0+$0x800] =	vst v0  }
0x86: {  	[tilespmem:s0+$0x810] =	vst v0  }
0x87: {  	[tilespmem:s0+$0x820] =	vst v0  }
0x88: {  	[tilespmem:s0+$0x830] =	vst v0  }
0x89: {  	[tilespmem:s0+$0x840] =	vst v0  }
0x8a: {  	[tilespmem:s0+$0x850] =	vst v0  }
0x8b: {  	[tilespmem:s0+$0x860] =	vst v0  }
0x8c: {  	[tilespmem:s0+$0x870] =	vst v0  }
0x8d: {  	[tilespmem:s0+$0xC00] =	vst v0  }
0x8e: {  	[tilespmem:s0+$0xC10] =	vst v0  }
0x8f: {  	[tilespmem:s0+$0xC20] =	vst v0  }
0x90: {  	[tilespmem:s0+$0xC30] =	vst v0  }
0x91: {  	[tilespmem:s0+$0xC40] =	vst v0  }
0x92: {  	[tilespmem:s0+$0xC50] =	vst v0  }
0x93: {  	[tilespmem:s0+$0xC60] =	vst v0  }
0x94: {  	[tilespmem:s0+$0x10] =	vst v0  }
0x95: {  	[tilespmem:s0+$0x20] =	vst v0  }
0x96: {  	s4 =	simm.s32 $0x0;
	s26 =	rddreg [dreg:$0x5];
	s28 =	simm.s32 $0x1880;
	[tilespmem:s0+$0x30] =	vst v0  }
0x97: {  	[tilespmem:s28], [sflag:$0x1] =	stream.linear.gather [hbm4b:s26+s4], $0x7000, $0x38;
	[tilespmem:$0x1F880] =	vst v63  }
0x98: {  	s30 =	rddreg [dreg:$0x7];
	s31 =	simm.s32 $0x8880  }
0x99: {  	[tilespmem:s31], [sflag:$0x2] =	stream.linear.gather [hbm4b:s30+s4], $0x7000, $0x38;
	[tilespmem:$0x1F880] =	vst v63  }
.LBB2_4:
0x9a: {  	s0 =	simm.s32 $0x1  }
0x9b: {  	_ =	swait.ge [sflag:s0], $0x7000  }
0x9c: {  	p0 =	seq.s32 s4, $0x0;
	[sflag:s0] =	ssyncset.done $0x0  }
0x9d: {  	[sflag:s0] =	ssyncadd.s32 $0xFFFF9000;
	s0 =	simm.s32 @!p0 $0x3  }
0x9e: {  	_ =	swait.ge @!p0 [sflag:s0], $0x8000  }
0x9f: {  	[sflag:s0] =	ssyncset.done @!p0 $0x0  }
0xa0: {  	s2 =	simm.s32 $0x70;
	[sflag:s0] =	ssyncadd.s32 @!p0 $0xFFFF8000  }
0xa1: {  	v1 =	vld [tilespmem:s2+$0x60]  }
0xa2: {  	v2 =	vld [tilespmem:s2+$0xFFFFFF90]  }
0xa3: {  	s28 =	simm.s32 $0x0;
	s25 =	simm.s32 $0x2;
	s1 =	simm.s32 $0x3;
	v3 =	vld [tilespmem:s2+$0xFFFFFFA0]  }
0xa4: {  	s6 =	simm.s32 $0x4;
	s7 =	simm.s32 $0x5;
	s3 =	simm.s32 $0xD;
	v5 =	vld [tilespmem:s2+$0xFFFFFFB0]  }
0xa5: {  	s10 =	simm.s32 $0x6;
	s11 =	simm.s32 $0x7;
	s12 =	simm.s32 $0x8;
	v6 =	vld [tilespmem:s2+$0xFFFFFFC0]  }
0xa6: {  	s5 =	simm.s32 $0x9;
	s26 =	simm.s32 $0xA;
	s8 =	simm.s32 $0xB;
	v7 =	vld [tilespmem:s2+$0xFFFFFFD0]  }
0xa7: {  	s3 =	sand.u32 $0xFFFE, s3;
	s13 =	sand.u32 $0xFFFE, s28;
	s14 =	sand.u32 $0xFFFE, s25;
	v8 =	vld [tilespmem:s2+$0xFFFFFFE0]  }
0xa8: {  	s1 =	sand.u32 $0xFFFE, s1;
	s31 =	sand.u32 $0xFFFE, s6;
	s9 =	sshrl.u32 s3, $0x1;
	v11 =	vld [tilespmem:s2+$0xFFFFFFF0]  }
0xa9: {  	s16 =	sand.u32 $0xFFFE, s7;
	s13 =	sshrl.u32 s13, $0x1;
	s9 =	smul.u32 $0x4925, s9;
	v15 =	vld [tilespmem:s2+$0x10]  }
0xaa: {  	s10 =	sand.u32 $0xFFFE, s10;
	s1 =	sshrl.u32 s1, $0x1;
	s13 =	smul.u32 $0x4925, s13;
	v18 =	vld [tilespmem:s2+$0x20];
	v4 =	vshll.u32 v1, $0x3  }
0xab: {  	s11 =	sand.u32 $0xFFFE, s11;
	s17 =	sshrl.u32 s16, $0x1;
	s6 =	smul.u32 $0x4925, s1;
	v20 =	vld [tilespmem:s2+$0x30];
	v9 =	vshrl.u32 v1, $0x2;
	v1 =	vand.u32 $0xFFFFF07F, v1;
	v10 =	vshll.u32 v2, $0x3  }
0xac: {  	s19 =	sand.u32 $0xFFFE, s12;
	s10 =	sshrl.u32 s10, $0x1;
	s1 =	smul.u32 $0x4925, s17;
	v22 =	vld [tilespmem:s2+$0x40];
	v12 =	vshll.u32 v3, $0x3;
	v13 =	vshll.u32 v5, $0x3;
	v14 =	vshll.u32 v7, $0x3  }
0xad: {  	s23 =	sand.u32 $0xFFFE, s5;
	s18 =	sshrl.u32 s11, $0x1;
	s17 =	smul.u32 $0x4925, s10;
	v25 =	vld [tilespmem:s2+$0x50];
	v16 =	vshrl.u32 v2, $0x2;
	v17 =	vshll.u32 v8, $0x3;
	v2 =	vand.u32 $0xFFFFF07F, v2  }
0xae: {  	s14 =	sshrl.u32 s14, $0x1;
	s20 =	sshrl.u32 s19, $0x1;
	s16 =	smul.u32 $0x4925, s18;
	v19 =	vshll.u32 v11, $0x3;
	v21 =	vshrl.u32 v3, $0x2;
	v3 =	vand.u32 $0xFFFFF07F, v3  }
0xaf: {  	s24 =	sshrl.u32 s23, $0x1;
	s3 =	sand.u32 $0xFFFE, s26;
	s5 =	smul.u32 $0x4925, s20;
	v23 =	vshrl.u32 v5, $0x2;
	v5 =	vand.u32 $0xFFFFF07F, v5;
	v26 =	vshrl.u32 v6, $0x2  }
0xb0: {  	s18 =	smul.u32 $0x4925, s24;
	s15 =	sshrl.u32 s9, $0x9;
	s9 =	sshrl.u32 s9, $0xA;
	v27 =	vshll.u32 v15, $0x3;
	v28 =	vshll.u32 v18, $0x3;
	v29 =	vshrl.u32 v7, $0x2  }
0xb1: {  	s25 =	sshrl.u32 s13, $0x9;
	s26 =	sshrl.u32 s13, $0xA;
	s19 =	sshrl.u32 s6, $0x9;
	v30 =	vshll.u32 v20, $0x3;
	v7 =	vand.u32 $0xFFFFF07F, v7;
	v31 =	vshll.u32 v22, $0x3  }
0xb2: {  	s20 =	sshrl.u32 s6, $0xA;
	s24 =	sshrl.u32 s1, $0x9;
	s1 =	sshrl.u32 s1, $0xA;
	v32 =	vshrl.u32 v8, $0x2;
	v33 =	vshll.u32 v25, $0x3;
	v8 =	vand.u32 $0xFFFFF07F, v8  }
0xb3: {  	s0 =	simm.s32 $0xC;
	s15 =	sand.u32 $0x7800, s15;
	s9 =	sand.u32 $0x380, s9;
	v34 =	vshrl.u32 v11, $0x2;
	v11 =	vand.u32 $0xFFFFF07F, v11;
	v36 =	vshrl.u32 v15, $0x2  }
0xb4: {  	s10 =	sand.u32 $0x3800, s25;
	s11 =	sand.u32 $0x380, s26;
	s1 =	sand.u32 $0x380, s1;
	v15 =	vand.u32 $0xFFFFF07F, v15;
	v37 =	vshrl.u32 v18, $0x2;
	v18 =	vand.u32 $0xFFFFF07F, v18  }
0xb5: {  	s25 =	sshrl.u32 s17, $0x9;
	s26 =	sshrl.u32 s17, $0xA;
	s17 =	sshrl.u32 s18, $0x9;
	v38 =	vshrl.u32 v20, $0x2;
	v20 =	vand.u32 $0xFFFFF07F, v20;
	v39 =	vshrl.u32 v22, $0x2  }
0xb6: {  	s30 =	sor.u32 s9, s15;
	s9 =	smul.u32 $0x4925, s14;
	s15 =	sshrl.u32 s31, $0x1;
	v22 =	vand.u32 $0xFFFFF07F, v22;
	v41 =	vshrl.u32 v25, $0x2;
	v4 =	vand.u32 $0xC00, v4  }
0xb7: {  	s31 =	sshrl.u32 s3, $0x1;
	s3 =	sor.u32 s11, s10;
	s14 =	sand.u32 $0xFFFE, s8;
	v9 =	vand.u32 $0x380, v9;
	v13 =	vand.u32 $0xC00, v13;
	v14 =	vand.u32 $0xC00, v14  }
0xb8: {  	s10 =	sand.u32 $0x380, s20;
	s0 =	sand.u32 $0xFFFE, s0;
	s7 =	smul.u32 $0x4925, s15;
	v17 =	vand.u32 $0xC00, v17;
	v19 =	vand.u32 $0xC00, v19;
	v27 =	vand.u32 $0xC00, v27  }
0xb9: {  	s12 =	sand.u32 $0x380, s26;
	s13 =	sshrl.u32 s9, $0x9;
	s9 =	sshrl.u32 s9, $0xA;
	v28 =	vand.u32 $0xC00, v28;
	v30 =	vand.u32 $0xC00, v30;
	v31 =	vand.u32 $0xC00, v31  }
0xba: {  	s15 =	sand.u32 $0x7800, s13;
	s9 =	sand.u32 $0x380, s9;
	s23 =	sshrl.u32 s7, $0x9;
	v33 =	vand.u32 $0xC00, v33;
	v58 =	vand.u32 $0x380, v34;
	v60 =	vand.u32 $0x380, v36  }
0xbb: {  	s7 =	sshrl.u32 s7, $0xA;
	s8 =	sor.u32 s9, s15;
	s9 =	sand.u32 $0x7800, s19;
	v61 =	vand.u32 $0x380, v37;
	v62 =	vand.u32 $0x380, v38;
	v63 =	vand.u32 $0x380, v39  }
0xbc: {  	s7 =	sand.u32 $0x380, s7;
	s9 =	sor.u32 s10, s9;
	s10 =	sand.u32 $0x7800, s23;
	v1 =	vor.u32 v4, v1;
	v13 =	vor.u32 v13, v5;
	v14 =	vor.u32 v14, v7  }
0xbd: {  	s6 =	smul.u32 $0x4925, s31;
	s7 =	sor.u32 s7, s10;
	s10 =	sand.u32 $0x7800, s24;
	v17 =	vor.u32 v17, v8;
	v19 =	vor.u32 v19, v11;
	v15 =	vor.u32 v27, v15;
	v5 =	vld [tilespmem:s9+$0x18B0]  }
0xbe: {  	s11 =	sshrl.u32 s14, $0x1;
	s31 =	sshrl.u32 s16, $0xA;
	s1 =	sor.u32 s1, s10;
	v27 =	vor.u32 v28, v18;
	v4 =	vor.u32 v9, v1;
	v9 =	vand.u32 $0xC00, v12;
	v12 =	vld [tilespmem:s2+$0x0]  }
0xbf: {  	s0 =	sshrl.u32 s0, $0x1;
	s14 =	sshrl.u32 s5, $0x9;
	s5 =	sshrl.u32 s5, $0xA;
	v56 =	vor.u32 v30, v20;
	v57 =	vor.u32 v31, v22;
	v11 =	vand.u32 $0x380, v21;
	v7 =	vld [tilespmem:s1+$0x18D0]  }
0xc0: {  	s11 =	smul.u32 $0x4925, s11;
	s5 =	sand.u32 $0x380, s5;
	s13 =	sand.u32 $0x380, s31;
	v1 =	vand.u32 $0xC00, v10;
	v42 =	vor.u32 v9, v3;
	v9 =	vand.u32 $0xFFFFF07F, v25;
	v25 =	vld [tilespmem:s30+$0x1CD0]  }
0xc1: {  	s20 =	sshrl.u32 s6, $0x9;
	s6 =	sshrl.u32 s6, $0xA;
	s15 =	smul.u32 $0x4925, s0;
	v18 =	vand.u32 $0x380, v26;
	v20 =	vand.u32 $0x380, v29;
	v40 =	vor.u32 v1, v2;
	v1 =	vld [tilespmem:s3+$0x1880]  }
0xc2: {  	s19 =	sshrl.u32 s18, $0xA;
	s6 =	sand.u32 $0x380, s6;
	s23 =	sshrl.u32 s11, $0x9;
	v26 =	vand.u32 $0x380, v32;
	v22 =	vand.u32 $0x380, v41;
	v10 =	vshll.u32 v6, $0x3;
	v2 =	vld [tilespmem:s3+$0x1890]  }
0xc3: {  	s24 =	sshrl.u32 s11, $0xA;
	s26 =	sshrl.u32 s15, $0x9;
	s10 =	sand.u32 $0x7800, s25;
	v6 =	vand.u32 $0xFFFFF07F, v6;
	v20 =	vor.u32 v20, v14;
	v10 =	vand.u32 $0xC00, v10;
	v3 =	vld [tilespmem:s8+$0x18A0]  }
0xc4: {  	s10 =	sor.u32 s12, s10;
	s1 =	sand.u32 $0x7800, s20;
	v19 =	vor.u32 v58, v19;
	v14 =	vor.u32 v62, v56;
	s30 =	sshrl.u32 s16, $0x9;
	v43 =	vor.u32 v10, v6;
	v6 =	vld [tilespmem:s7+$0x18C0]  }
0xc5: {  	s16 =	sand.u32 $0x7800, s14;
	s1 =	sor.u32 s6, s1;
	s12 =	sand.u32 $0x7800, s30;
	v10 =	vand.u32 $0x380, v16;
	v8 =	vor.u32 v33, v9;
	v16 =	vand.u32 $0x380, v23;
	v9 =	vld [tilespmem:s10+$0x18E0]  }
0xc6: {  	s25 =	sand.u32 $0x7800, s23;
	s0 =	sor.u32 s5, s16;
	s3 =	sor.u32 s13, s12;
	v21 =	vor.u32 v16, v13;
	v23 =	vor.u32 v18, v43;
	v18 =	vor.u32 v26, v17;
	v13 =	vld [tilespmem:s1+$0x1CA0]  }
0xc7: {  	s5 =	sand.u32 $0x7800, s17;
	s7 =	sand.u32 $0x380, s19;
	s30 =	sshrl.u32 s15, $0xA;
	v16 =	vor.u32 v60, v15;
	v24 =	vshll.u32 v12, $0x3;
	v35 =	vshrl.u32 v12, $0x2;
	[tilespmem:v4+s21+$0x0] =	vst.idx.msk $0xffff, v25;
	v4 =	vld [tilespmem:s3+$0x18F0]  }
0xc8: {  	s5 =	sor.u32 s7, s5;
	v12 =	vand.u32 $0xFFFFF07F, v12;
	v24 =	vand.u32 $0xC00, v24;
	v25 =	vor.u32 v10, v40;
	v10 =	vld [tilespmem:s0+$0x1C80];
	s3 =	sand.u32 $0x380, s24;
	s31 =	rddreg [dreg:$0x6]  }
0xc9: {  	v59 =	vand.u32 $0x380, v35;
	v12 =	vor.u32 v24, v12;
	v24 =	vor.u32 v11, v42;
	v11 =	vld [tilespmem:s5+$0x1C90];
	s0 =	sor.u32 s3, s25;
	[dreg:$0x12] =	wrdreg s4;
	s1 =	sadd.s32 s31, s4  }
0xca: {  	v15 =	vor.u32 v61, v27;
	s3 =	sand.u32 $0x380, s30;
	v17 =	vor.u32 v59, v12;
	v12 =	vor.u32 v63, v57;
	[dreg:$0x15] =	wrdreg s1;
	s1 =	sand.u32 $0x7800, s26  }
.LBB2_5:
0xcb: {  	v26 =	vld [tilespmem:s0+$0x1CB0];
	s0 =	sor.u32 s3, s1  }
0xcc: {  	v8 =	vor.u32 v22, v8;
	s5 =	smov.u32 s28;
	s28 =	sadd.s32 $0xE, s28;
	s2 =	sadd.s32 $0xE0, s2  }
0xcd: {  	s6 =	sadd.s32 $0x10, s5;
	s7 =	sadd.s32 $0x11, s5;
	[tilespmem:v25+s21+$0x0] =	vst.idx.msk $0xffff, v1;
	v1 =	vld [tilespmem:s0+$0x1CC0];
	s9 =	sadd.s32 $0x12, s5  }
0xce: {  	s1 =	sadd.s32 $0x13, s5;
	s0 =	sadd.s32 $0x1B, s5;
	s3 =	sadd.s32 $0x14, s5;
	v22 =	vld [tilespmem:s2+$0x60];
	[tilespmem:v24+s21+$0x0] =	vst.idx.msk $0xffff, v2  }
0xcf: {  	s26 =	sadd.s32 $0x15, s5;
	s17 =	sadd.s32 $0x16, s5;
	s0 =	sand.u32 $0xFFFE, s0;
	v2 =	vld [tilespmem:s2+$0xFFFFFF90];
	[tilespmem:v21+s21+$0x0] =	vst.idx.msk $0xffff, v3  }
0xd0: {  	s8 =	sadd.s32 $0x17, s5;
	s19 =	sadd.s32 $0x18, s5;
	s10 =	sshrl.u32 s0, $0x1;
	v21 =	vld [tilespmem:s2+$0xFFFFFFA0];
	[tilespmem:v23+s21+$0x0] =	vst.idx.msk $0xffff, v5  }
0xd1: {  	s11 =	sand.u32 $0xFFFE, s28;
	s0 =	sadd.s32 $0x19, s5;
	s10 =	smul.u32 $0x4925, s10;
	v5 =	vld [tilespmem:s2+$0xFFFFFFB0];
	[tilespmem:v20+s21+$0x0] =	vst.idx.msk $0xffff, v6  }
0xd2: {  	s18 =	sadd.s32 $0x1A, s5;
	p1 =	slt.u32 s28, $0x17A;
	s6 =	sand.u32 $0xFFFE, s6;
	v6 =	vld [tilespmem:s2+$0xFFFFFFC0];
	[tilespmem:v18+s21+$0x0] =	vst.idx.msk $0xffff, v7  }
0xd3: {  	s7 =	sand.u32 $0xFFFE, s7;
	s5 =	sshrl.u32 s10, $0x9;
	s10 =	sshrl.u32 s10, $0xA;
	v7 =	vld [tilespmem:s2+$0xFFFFFFD0];
	v3 =	vshll.u32 v22, $0x3;
	[tilespmem:v19+s21+$0x0] =	vst.idx.msk $0xffff, v9  }
0xd4: {  	s11 =	sshrl.u32 s11, $0x1;
	s12 =	sand.u32 $0x7800, s5;
	s10 =	sand.u32 $0x380, s10;
	v18 =	vshrl.u32 v22, $0x2;
	v19 =	vand.u32 $0xFFFFF07F, v22;
	v9 =	vld [tilespmem:s2+$0xFFFFFFE0];
	v3 =	vand.u32 $0xC00, v3;
	[tilespmem:v17+s21+$0x0] =	vst.idx.msk $0xffff, v4  }
0xd5: {  	s6 =	sshrl.u32 s6, $0x1;
	s5 =	smul.u32 $0x4925, s11;
	v4 =	vshll.u32 v2, $0x3;
	s10 =	sor.u32 s10, s12;
	v18 =	vand.u32 $0x380, v18;
	v17 =	vld [tilespmem:s2+$0xFFFFFFF0];
	v3 =	vor.u32 v3, v19;
	[tilespmem:v16+s21+$0x0] =	vst.idx.msk $0xffff, v10  }
0xd6: {  	s16 =	smul.u32 $0x4925, s6;
	s6 =	sshrl.u32 s7, $0x1;
	s7 =	sand.u32 $0xFFFE, s9;
	v10 =	vshll.u32 v21, $0x3;
	v16 =	vshll.u32 v5, $0x3;
	v19 =	vld [tilespmem:s10+$0x1CD0];
	v18 =	vor.u32 v18, v3;
	[tilespmem:v15+s21+$0x0] =	vst.idx.msk $0xffff, v11  }
0xd7: {  	s9 =	sand.u32 $0xFFFE, s1;
	s6 =	smul.u32 $0x4925, s6;
	s7 =	sshrl.u32 s7, $0x1;
	v4 =	vand.u32 $0xC00, v4;
	v10 =	vand.u32 $0xC00, v10;
	v3 =	vshll.u32 v6, $0x3;
	v11 =	vld [tilespmem:s2+$0x0];
	[tilespmem:v14+s21+$0x0] =	vst.idx.msk $0xffff, v13  }
0xd8: {  	s1 =	smul.u32 $0x4925, s7;
	s7 =	sshrl.u32 s9, $0x1;
	s9 =	sand.u32 $0xFFFE, s3;
	v13 =	vand.u32 $0xC00, v16;
	v14 =	vand.u32 $0xC00, v3;
	v15 =	vshll.u32 v7, $0x3;
	v16 =	vld [tilespmem:s2+$0x10];
	[tilespmem:v12+s21+$0x0] =	vst.idx.msk $0xffff, v26  }
0xd9: {  	s3 =	smul.u32 $0x4925, s7;
	s7 =	sshrl.u32 s9, $0x1;
	s9 =	sand.u32 $0xFFFE, s26;
	v3 =	vshrl.u32 v2, $0x2;
	v12 =	vand.u32 $0xC00, v15;
	v15 =	vshll.u32 v9, $0x3;
	v20 =	vld [tilespmem:s2+$0x20];
	[tilespmem:v8+s21+$0x0] =	vst.idx.msk $0xffff, v1  }
0xda: {  	s7 =	smul.u32 $0x4925, s7;
	s9 =	sshrl.u32 s9, $0x1;
	s10 =	sand.u32 $0xFFFE, s17;
	v1 =	vand.u32 $0xFFFFF07F, v2;
	v2 =	vand.u32 $0xC00, v15;
	v8 =	vshll.u32 v17, $0x3;
	v15 =	vld [tilespmem:s2+$0x30]  }
0xdb: {  	s8 =	sand.u32 $0xFFFE, s8;
	v22 =	vshrl.u32 v21, $0x2;
	v21 =	vand.u32 $0xFFFFF07F, v21;
	s14 =	smul.u32 $0x4925, s9;
	s9 =	sshrl.u32 s10, $0x1;
	v8 =	vand.u32 $0xC00, v8;
	v23 =	vld [tilespmem:s2+$0x40];
	[tilespmem:v18+s21+$0x0] =	vst.idx.msk $0xffff, v19  }
0xdc: {  	s8 =	sshrl.u32 s8, $0x1;
	s17 =	smul.u32 $0x4925, s9;
	s9 =	sand.u32 $0xFFFE, s19;
	v18 =	vshrl.u32 v5, $0x2;
	v5 =	vand.u32 $0xFFFFF07F, v5;
	v19 =	vshll.u32 v11, $0x3;
	v24 =	vld [tilespmem:s2+$0x50]  }
0xdd: {  	s8 =	smul.u32 $0x4925, s8;
	s0 =	sand.u32 $0xFFFE, s0;
	v25 =	vshrl.u32 v6, $0x2;
	s9 =	sshrl.u32 s9, $0x1;
	v19 =	vand.u32 $0xC00, v19;
	v26 =	vshll.u32 v16, $0x3  }
0xde: {  	s0 =	sshrl.u32 s0, $0x1;
	v6 =	vand.u32 $0xFFFFF07F, v6;
	s20 =	smul.u32 $0x4925, s9;
	s9 =	sand.u32 $0xFFFE, s18;
	v26 =	vand.u32 $0xC00, v26;
	v27 =	vshll.u32 v20, $0x3  }
0xdf: {  	s23 =	sshrl.u32 s16, $0x9;
	v28 =	vshrl.u32 v7, $0x2;
	s18 =	smul.u32 $0x4925, s0;
	s0 =	sshrl.u32 s9, $0x1;
	v27 =	vand.u32 $0xC00, v27;
	v29 =	vshll.u32 v15, $0x3  }
0xe0: {  	s25 =	sshrl.u32 s5, $0x9;
	s4 =	sshrl.u32 s5, $0xA;
	v7 =	vand.u32 $0xFFFFF07F, v7;
	s19 =	smul.u32 $0x4925, s0;
	v29 =	vand.u32 $0xC00, v29;
	v30 =	vshll.u32 v23, $0x3  }
0xe1: {  	s24 =	sshrl.u32 s16, $0xA;
	s15 =	sshrl.u32 s6, $0x9;
	s30 =	sshrl.u32 s6, $0xA;
	v31 =	vshrl.u32 v9, $0x2;
	v30 =	vand.u32 $0xC00, v30;
	v32 =	vshll.u32 v24, $0x3  }
0xe2: {  	s6 =	sshrl.u32 s8, $0x9;
	s12 =	sshrl.u32 s1, $0x9;
	s13 =	sshrl.u32 s1, $0xA;
	v9 =	vand.u32 $0xFFFFF07F, v9;
	v33 =	vshrl.u32 v17, $0x2;
	v32 =	vand.u32 $0xC00, v32  }
0xe3: {  	s11 =	sshrl.u32 s3, $0xA;
	s10 =	sshrl.u32 s3, $0x9;
	s3 =	sshrl.u32 s7, $0x9;
	v17 =	vand.u32 $0xFFFFF07F, v17;
	v34 =	vshrl.u32 v11, $0x2;
	v11 =	vand.u32 $0xFFFFF07F, v11  }
0xe4: {  	s31 =	sshrl.u32 s14, $0x9;
	s9 =	sshrl.u32 s7, $0xA;
	s7 =	sshrl.u32 s14, $0xA;
	v35 =	vshrl.u32 v16, $0x2;
	v16 =	vand.u32 $0xFFFFF07F, v16;
	v36 =	vshrl.u32 v20, $0x2  }
0xe5: {  	s12 =	sand.u32 $0x7800, s12;
	s1 =	sshrl.u32 s17, $0x9;
	s26 =	sshrl.u32 s17, $0xA;
	v20 =	vand.u32 $0xFFFFF07F, v20;
	v37 =	vshrl.u32 v15, $0x2;
	v15 =	vand.u32 $0xFFFFF07F, v15  }
0xe6: {  	s17 =	sshrl.u32 s8, $0xA;
	s0 =	sshrl.u32 s20, $0x9;
	s5 =	sshrl.u32 s20, $0xA;
	v38 =	vshrl.u32 v23, $0x2;
	v23 =	vand.u32 $0xFFFFF07F, v23;
	v39 =	vshrl.u32 v24, $0x2  }
0xe7: {  	s4 =	sand.u32 $0x380, s4;
	v10 =	vor.u32 v10, v21;
	v4 =	vor.u32 v4, v1;
	s14 =	sand.u32 $0x3800, s25;
	s8 =	sshrl.u32 s18, $0x9;
	v21 =	vand.u32 $0xFFFFF07F, v24  }
0xe8: {  	v14 =	vor.u32 v14, v6;
	v12 =	vor.u32 v12, v7;
	s4 =	sor.u32 s4, s14;
	v13 =	vor.u32 v13, v5;
	s18 =	sshrl.u32 s18, $0xA;
	s16 =	sshrl.u32 s19, $0x9  }
0xe9: {  	v40 =	vor.u32 v2, v9;
	s14 =	sand.u32 $0x7800, s23;
	s20 =	sand.u32 $0x380, s24;
	v17 =	vor.u32 v8, v17;
	v11 =	vor.u32 v19, v11;
	s19 =	sshrl.u32 s19, $0xA;
	v1 =	vld [tilespmem:s4+$0x1880]  }
0xea: {  	v16 =	vor.u32 v26, v16;
	v26 =	vor.u32 v27, v20;
	v27 =	vor.u32 v29, v15;
	v2 =	vld [tilespmem:s4+$0x1890];
	s4 =	sor.u32 s20, s14;
	s14 =	sand.u32 $0x7800, s15;
	s15 =	sand.u32 $0x380, s30  }
0xeb: {  	s13 =	sand.u32 $0x380, s13;
	s11 =	sand.u32 $0x380, s11;
	v15 =	vand.u32 $0x380, v3;
	v29 =	vor.u32 v30, v23;
	v8 =	vor.u32 v32, v21;
	v3 =	vld [tilespmem:s4+$0x18A0];
	s4 =	sor.u32 s15, s14  }
0xec: {  	s10 =	sand.u32 $0x7800, s10;
	s3 =	sand.u32 $0x7800, s3;
	v18 =	vand.u32 $0x380, v18;
	v19 =	vand.u32 $0x380, v22;
	v20 =	vand.u32 $0x380, v25;
	v5 =	vld [tilespmem:s4+$0x18B0];
	s4 =	sor.u32 s13, s12  }
0xed: {  	v28 =	vand.u32 $0x380, v28;
	s1 =	sand.u32 $0x7800, s1;
	s9 =	sand.u32 $0x380, s9;
	v30 =	vand.u32 $0x380, v31;
	v31 =	vand.u32 $0x380, v33;
	v6 =	vld [tilespmem:s4+$0x18C0];
	s4 =	sor.u32 s11, s10  }
0xee: {  	s7 =	sand.u32 $0x380, s7;
	s3 =	sor.u32 s9, s3;
	v33 =	vand.u32 $0x380, v35;
	v32 =	vand.u32 $0x380, v34;
	v34 =	vand.u32 $0x380, v36;
	v7 =	vld [tilespmem:s4+$0x18D0];
	s4 =	sand.u32 $0x7800, s31  }
.Ltmp1:
0xef: {  	v35 =	vand.u32 $0x380, v37;
	v22 =	vand.u32 $0x380, v39;
	v36 =	vand.u32 $0x380, v38;
	v9 =	vld [tilespmem:s3+$0x18E0];
	s3 =	sor.u32 s7, s4;
	s4 =	sand.u32 $0x380, s26;
	(pc) =	sbr.rel @p1 .LBB2_5-.Ltmp1, $4  }
0xf0: {  	v24 =	vor.u32 v19, v10;
	v25 =	vor.u32 v15, v4;
	v21 =	vor.u32 v18, v13;
	v4 =	vld [tilespmem:s3+$0x18F0];
	s1 =	sor.u32 s4, s1;
	s3 =	sand.u32 $0x7800, s6;
	s4 =	sand.u32 $0x380, s17  }
0xf1: {  	s0 =	sand.u32 $0x7800, s0;
	v23 =	vor.u32 v20, v14;
	v20 =	vor.u32 v28, v12;
	v18 =	vor.u32 v30, v40;
	v10 =	vld [tilespmem:s1+$0x1C80];
	s1 =	sor.u32 s4, s3;
	s3 =	sand.u32 $0x380, s5  }
0xf2: {  	v19 =	vor.u32 v31, v17;
	v16 =	vor.u32 v33, v16;
	v17 =	vor.u32 v32, v11;
	v11 =	vld [tilespmem:s1+$0x1C90];
	s0 =	sor.u32 s3, s0;
	s1 =	sand.u32 $0x7800, s8;
	s3 =	sand.u32 $0x380, s18  }
0xf3: {  	v14 =	vor.u32 v35, v27;
	v15 =	vor.u32 v34, v26;
	v12 =	vor.u32 v36, v29;
	v13 =	vld [tilespmem:s0+$0x1CA0];
	s0 =	sor.u32 s3, s1;
	s1 =	sand.u32 $0x7800, s16;
	s3 =	sand.u32 $0x380, s19  }
0xf4: {  	_ =	sdelay $0x3  }
0xf5: {  	[tilespmem:v25+s21+$0x0] =	vst.idx.msk $0xffff, v1  }
0xf6: {  	[tilespmem:v24+s21+$0x0] =	vst.idx.msk $0xffff, v2  }
0xf7: {  	[tilespmem:v21+s21+$0x0] =	vst.idx.msk $0xffff, v3  }
0xf8: {  	[tilespmem:v23+s21+$0x0] =	vst.idx.msk $0xffff, v5  }
0xf9: {  	[tilespmem:v20+s21+$0x0] =	vst.idx.msk $0xffff, v6  }
0xfa: {  	[tilespmem:v18+s21+$0x0] =	vst.idx.msk $0xffff, v7  }
0xfb: {  	v1 =	vld [tilespmem:s0+$0x1CB0];
	[tilespmem:v19+s21+$0x0] =	vst.idx.msk $0xffff, v9  }
0xfc: {  	[tilespmem:v17+s21+$0x0] =	vst.idx.msk $0xffff, v4  }
0xfd: {  	s18 =	sor.u32 s3, s1;
	[tilespmem:v16+s21+$0x0] =	vst.idx.msk $0xffff, v10  }
0xfe: {  	v2 =	vor.u32 v22, v8;
	v3 =	vld [tilespmem:s18+$0x1CC0];
	[tilespmem:v15+s21+$0x0] =	vst.idx.msk $0xffff, v11  }
0xff: {  	s23 =	rddreg [dreg:$0x2];
	[tilespmem:v14+s21+$0x0] =	vst.idx.msk $0xffff, v13  }
0x100: {  	s31 =	simm.s32 $0x70;
	s2 =	simm.s32 $0x0;
	s25 =	simm.s32 $0x3;
	[tilespmem:v12+s21+$0x0] =	vst.idx.msk $0xffff, v1  }
0x101: {  	s26 =	simm.s32 $0xD;
	s4 =	simm.s32 $0x4;
	s19 =	rddreg [dreg:$0x15]  }
0x102: {  	s5 =	simm.s32 $0x5;
	s6 =	simm.s32 $0x6;
	s20 =	sshll.u32 s19, $0xF  }
0x103: {  	s7 =	simm.s32 $0x7;
	s8 =	simm.s32 $0x8;
	[tilespmem:v2+s21+$0x0] =	vst.idx.msk $0xffff, v3;
	s0 =	sadd.s32 s23, s20  }
0x104: {  	[hbm4b:s0+s29] =	stream.linear.scatter [tilespmem:s21], [sflag:$0x3], $0x8000, $0x38;
	[tilespmem:$0x1F880] =	vst v63  }
0x105: {  	s9 =	simm.s32 $0x9;
	[dreg:$0x11] =	wrdreg s20;
	s0 =	simm.s32 @!p0 $0x4  }
0x106: {  	s10 =	simm.s32 $0xA;
	s12 =	simm.s32 $0xB;
	_ =	swait.ge @!p0 [sflag:s0], $0x8000  }
0x107: {  	s13 =	simm.s32 $0xC;
	s3 =	sand.u32 $0xFFFE, s26;
	[sflag:s0] =	ssyncset.done @!p0 $0x0  }
0x108: {  	s11 =	sand.u32 $0xFFFE, s2;
	s3 =	sshrl.u32 s3, $0x1;
	[sflag:s0] =	ssyncadd.s32 @!p0 $0xFFFF8000  }
0x109: {  	s1 =	sand.u32 $0xFFFE, s25;
	s11 =	sshrl.u32 s11, $0x1;
	s3 =	smul.u32 $0x4925, s3;
	v1 =	vld [tilespmem:s31+$0x60]  }
0x10a: {  	s4 =	sand.u32 $0xFFFE, s4;
	s1 =	sshrl.u32 s1, $0x1;
	s11 =	smul.u32 $0x4925, s11;
	v2 =	vld [tilespmem:s31+$0xFFFFFF90]  }
0x10b: {  	s5 =	sand.u32 $0xFFFE, s5;
	s4 =	sshrl.u32 s4, $0x1;
	s1 =	smul.u32 $0x4925, s1;
	v3 =	vld [tilespmem:s31+$0xFFFFFFA0]  }
0x10c: {  	s6 =	sand.u32 $0xFFFE, s6;
	s5 =	sshrl.u32 s5, $0x1;
	s4 =	smul.u32 $0x4925, s4;
	v4 =	vld [tilespmem:s31+$0xFFFFFFB0]  }
0x10d: {  	s7 =	sand.u32 $0xFFFE, s7;
	s6 =	sshrl.u32 s6, $0x1;
	s5 =	smul.u32 $0x4925, s5;
	v5 =	vld [tilespmem:s31+$0xFFFFFFC0]  }
0x10e: {  	s8 =	sand.u32 $0xFFFE, s8;
	s7 =	sshrl.u32 s7, $0x1;
	s6 =	smul.u32 $0x4925, s6;
	v6 =	vld [tilespmem:s31+$0xFFFFFFD0]  }
0x10f: {  	s9 =	sand.u32 $0xFFFE, s9;
	s8 =	sshrl.u32 s8, $0x1;
	s7 =	smul.u32 $0x4925, s7;
	v8 =	vld [tilespmem:s31+$0xFFFFFFE0]  }
0x110: {  	s10 =	sand.u32 $0xFFFE, s10;
	s9 =	sshrl.u32 s9, $0x1;
	s8 =	smul.u32 $0x4925, s8;
	v11 =	vld [tilespmem:s31+$0xFFFFFFF0]  }
0x111: {  	s12 =	sand.u32 $0xFFFE, s12;
	s10 =	sshrl.u32 s10, $0x1;
	s9 =	smul.u32 $0x4925, s9;
	v60 =	vld [tilespmem:s31+$0x0]  }
0x112: {  	s13 =	sand.u32 $0xFFFE, s13;
	s12 =	sshrl.u32 s12, $0x1;
	s10 =	smul.u32 $0x4925, s10;
	v61 =	vld [tilespmem:s31+$0x10]  }
0x113: {  	s28 =	sshrl.u32 s13, $0x1;
	s12 =	smul.u32 $0x4925, s12;
	v42 =	vld [tilespmem:s31+$0x20]  }
0x114: {  	s24 =	simm.s32 $0x2;
	s13 =	smul.u32 $0x4925, s28;
	v43 =	vld [tilespmem:s31+$0x30];
	v7 =	vshll.u32 v1, $0x3;
	v9 =	vshrl.u32 v1, $0x2;
	v1 =	vand.u32 $0xFFFFF07F, v1  }
0x115: {  	s3 =	sshrl.u32 s3, $0x11;
	s11 =	sshrl.u32 s11, $0x11;
	s30 =	sshrl.u32 s1, $0x11;
	v46 =	vld [tilespmem:s31+$0x40];
	v10 =	vshll.u32 v2, $0x3;
	v59 =	vshll.u32 v4, $0x3;
	v62 =	vshll.u32 v6, $0x3  }
0x116: {  	s4 =	sshrl.u32 s4, $0x11;
	s15 =	sshrl.u32 s5, $0x11;
	s16 =	sshrl.u32 s6, $0x11;
	v49 =	vld [tilespmem:s31+$0x50];
	v63 =	vshrl.u32 v2, $0x2;
	v41 =	vshll.u32 v8, $0x3;
	v2 =	vand.u32 $0xFFFFF07F, v2  }
0x117: {  	s7 =	sshrl.u32 s7, $0x11;
	s1 =	sshrl.u32 s9, $0x11;
	s5 =	sshrl.u32 s10, $0x11;
	v44 =	vshll.u32 v11, $0x3;
	v45 =	vshrl.u32 v3, $0x2;
	v47 =	vshrl.u32 v4, $0x2  }
0x118: {  	s3 =	sadd.s32 $0x1C, s3;
	s17 =	sadd.s32 $0x1C, s11;
	s4 =	sadd.s32 $0x1C, s4;
	v48 =	vshll.u32 v60, $0x3;
	v4 =	vand.u32 $0xFFFFF07F, v4;
	v26 =	vshrl.u32 v5, $0x2  }
0x119: {  	s26 =	sadd.s32 $0x1C, s15;
	s7 =	sadd.s32 $0x1C, s7;
	s1 =	sadd.s32 $0x1C, s1;
	v27 =	vshll.u32 v61, $0x3;
	v28 =	vshll.u32 v42, $0x3;
	v29 =	vshrl.u32 v6, $0x2  }
0x11a: {  	s5 =	sadd.s32 $0x1C, s5;
	s14 =	sshll.u32 s3, $0x8;
	s3 =	sshll.u32 s3, $0x7;
	v30 =	vshll.u32 v43, $0x3;
	v6 =	vand.u32 $0xFFFFF07F, v6;
	v31 =	vshll.u32 v46, $0x3  }
0x11b: {  	s19 =	sshrl.u32 s12, $0x11;
	s6 =	sshll.u32 s17, $0x7;
	s11 =	sshll.u32 s26, $0x7;
	v32 =	vshrl.u32 v8, $0x2;
	v33 =	vshll.u32 v49, $0x3;
	v8 =	vand.u32 $0xFFFFF07F, v8  }
0x11c: {  	s14 =	sand.u32 $0xF800, s14;
	s3 =	sand.u32 $0x380, s3;
	s23 =	sadd.s32 $0x1C, s30;
	v34 =	vshrl.u32 v11, $0x2;
	v11 =	vand.u32 $0xFFFFF07F, v11;
	v35 =	vshrl.u32 v60, $0x2  }
0x11d: {  	s6 =	sand.u32 $0x380, s6;
	s30 =	sadd.s32 $0x1C, s16;
	s11 =	sand.u32 $0x380, s11;
	v13 =	vand.u32 $0xFFFFF07F, v60;
	v36 =	vshrl.u32 v61, $0x2;
	v14 =	vand.u32 $0xFFFFF07F, v61  }
0x11e: {  	s16 =	sshll.u32 s7, $0x8;
	s7 =	sshll.u32 s7, $0x7;
	s19 =	sadd.s32 $0x1C, s19;
	v37 =	vshrl.u32 v42, $0x2;
	v18 =	vand.u32 $0xFFFFF07F, v42;
	v38 =	vshrl.u32 v43, $0x2  }
0x11f: {  	s18 =	sor.u32 s3, s14;
	s3 =	sshrl.u32 s8, $0x11;
	s0 =	sand.u32 $0xFFFE, s24;
	v19 =	vand.u32 $0xFFFFF07F, v43;
	v39 =	vshrl.u32 v46, $0x2;
	v22 =	vand.u32 $0xFFFFF07F, v46  }
0x120: {  	s28 =	sshll.u32 s23, $0x8;
	s9 =	sshll.u32 s23, $0x7;
	s0 =	sshrl.u32 s0, $0x1;
	v40 =	vshrl.u32 v49, $0x2;
	v7 =	vand.u32 $0xC00, v7;
	v9 =	vand.u32 $0x380, v9  }
0x121: {  	s14 =	sshll.u32 s26, $0x8;
	s15 =	sshll.u32 s30, $0x8;
	s0 =	smul.u32 $0x4925, s0;
	v12 =	vand.u32 $0xC00, v59;
	v15 =	vand.u32 $0xC00, v62;
	v17 =	vand.u32 $0xC00, v41  }
0x122: {  	s12 =	sshll.u32 s30, $0x7;
	s7 =	sand.u32 $0x380, s7;
	s24 =	sshll.u32 s17, $0x8;
	v20 =	vand.u32 $0xC00, v44;
	v24 =	vand.u32 $0xC00, v48;
	v27 =	vand.u32 $0xC00, v27  }
0x123: {  	s23 =	sshll.u32 s5, $0x8;
	s10 =	sand.u32 $0x7800, s24;
	s0 =	sshrl.u32 s0, $0x11;
	v28 =	vand.u32 $0xC00, v28;
	v30 =	vand.u32 $0xC00, v30;
	v31 =	vand.u32 $0xC00, v31  }
0x124: {  	s9 =	sand.u32 $0x380, s9;
	s6 =	sor.u32 s6, s10;
	s20 =	sadd.s32 $0x1C, s0;
	v33 =	vand.u32 $0xC00, v33;
	v51 =	vand.u32 $0x380, v47;
	v54 =	vand.u32 $0x380, v29  }
0x125: {  	s0 =	sshrl.u32 s13, $0x11;
	s25 =	sshll.u32 s20, $0x8;
	s8 =	sshll.u32 s20, $0x7;
	v1 =	vor.u32 v7, v1;
	v7 =	vshll.u32 v3, $0x3;
	v3 =	vand.u32 $0xFFFFF07F, v3  }
0x126: {  	s13 =	sshll.u32 s4, $0x8;
	s10 =	sand.u32 $0xF800, s25;
	s8 =	sand.u32 $0x380, s8;
	v4 =	vor.u32 v12, v4;
	v6 =	vor.u32 v15, v6;
	v1 =	vor.u32 v9, v1  }
0x127: {  	s4 =	sshll.u32 s4, $0x7;
	s8 =	sor.u32 s8, s10;
	s10 =	sand.u32 $0xF800, s28;
	v9 =	vand.u32 $0xC00, v10;
	v10 =	vshll.u32 v5, $0x3;
	v7 =	vand.u32 $0xC00, v7  }
0x128: {  	s4 =	sand.u32 $0x380, s4;
	s9 =	sor.u32 s9, s10;
	s10 =	sand.u32 $0xF800, s13;
	v2 =	vor.u32 v9, v2;
	v3 =	vor.u32 v7, v3;
	v7 =	vld [tilespmem:s18+$0x1CD0];
	v9 =	vand.u32 $0x380, v63  }
0x129: {  	s5 =	sshll.u32 s5, $0x7;
	s3 =	sadd.s32 $0x1C, s3;
	v50 =	vld [tilespmem:s6+$0x1880];
	v5 =	vand.u32 $0xFFFFF07F, v5;
	v10 =	vand.u32 $0xC00, v10;
	s4 =	sor.u32 s4, s10;
	v2 =	vor.u32 v9, v2  }
0x12a: {  	s12 =	sand.u32 $0x380, s12;
	s5 =	sand.u32 $0x380, s5;
	s17 =	sand.u32 $0xF800, s16;
	v6 =	vor.u32 v54, v6;
	v5 =	vor.u32 v10, v5;
	v10 =	vand.u32 $0x380, v45;
	v55 =	vld [tilespmem:s4+$0x18C0]  }
0x12b: {  	s24 =	sshll.u32 s19, $0x8;
	s20 =	sshll.u32 s1, $0x8;
	v52 =	vand.u32 $0x380, v26;
	v4 =	vor.u32 v51, v4;
	s10 =	sand.u32 $0xF800, s14;
	v3 =	vor.u32 v10, v3;
	v10 =	vld [tilespmem:s8+$0x18A0]  }
0x12c: {  	s1 =	sshll.u32 s1, $0x7;
	v58 =	vand.u32 $0x380, v34;
	v8 =	vor.u32 v17, v8;
	v53 =	vld [tilespmem:s9+$0x18B0];
	s10 =	sor.u32 s11, s10;
	s11 =	sand.u32 $0xF800, s15;
	v5 =	vor.u32 v52, v5  }
0x12d: {  	s0 =	sadd.s32 $0x1C, s0;
	s1 =	sand.u32 $0x380, s1;
	v62 =	vand.u32 $0x380, v38;
	v11 =	vor.u32 v20, v11;
	v13 =	vor.u32 v24, v13;
	v9 =	vld [tilespmem:s6+$0x1890];
	s11 =	sor.u32 s12, s11;
	[tilespmem:v1+s22+$0x0] =	vst.idx.msk $0xffff, v7  }
0x12e: {  	s25 =	sshll.u32 s19, $0x7;
	v57 =	vor.u32 v28, v18;
	v18 =	vor.u32 v58, v11;
	s18 =	sshll.u32 s3, $0x8;
	s3 =	sshll.u32 s3, $0x7;
	v60 =	vld [tilespmem:s11+$0x18E0];
	v7 =	vand.u32 $0x380, v32;
	[tilespmem:v2+s22+$0x0] =	vst.idx.msk $0xffff, v50  }
0x12f: {  	v19 =	vor.u32 v30, v19;
	s6 =	sor.u32 s7, s17;
	s7 =	sand.u32 $0xF800, s18;
	s3 =	sand.u32 $0x380, s3;
	v56 =	vld [tilespmem:s10+$0x18D0];
	v59 =	vor.u32 v7, v8;
	v2 =	vand.u32 $0xFFFFF07F, v49;
	[tilespmem:v6+s22+$0x0] =	vst.idx.msk $0xffff, v55  }
0x130: {  	s26 =	sshll.u32 s0, $0x8;
	v11 =	vand.u32 $0x380, v37;
	s4 =	sand.u32 $0xF800, s20;
	s3 =	sor.u32 s3, s7;
	v7 =	vld [tilespmem:s6+$0x18F0];
	v61 =	vor.u32 v33, v2;
	v2 =	vand.u32 $0x380, v35;
	[tilespmem:v4+s22+$0x0] =	vst.idx.msk $0xffff, v10  }
0x131: {  	s0 =	sshll.u32 s0, $0x7;
	s1 =	sor.u32 s1, s4;
	s4 =	sand.u32 $0xF800, s23;
	v1 =	vor.u32 v27, v14;
	v8 =	vld [tilespmem:s3+$0x1C80];
	v4 =	vand.u32 $0x380, v36;
	[tilespmem:v5+s22+$0x0] =	vst.idx.msk $0xffff, v53;
	v5 =	vor.u32 v2, v13  }
0x132: {  	s28 =	sand.u32 $0xF800, s24;
	v63 =	vand.u32 $0x380, v39;
	s4 =	sor.u32 s5, s4;
	s3 =	sand.u32 $0x380, s25;
	v6 =	vor.u32 v11, v57;
	[tilespmem:v3+s22+$0x0] =	vst.idx.msk $0xffff, v9;
	v9 =	vld [tilespmem:s1+$0x1C90];
	v1 =	vor.u32 v4, v1  }
0x133: {  	s30 =	sand.u32 $0xF800, s26;
	s0 =	sand.u32 $0x380, s0;
	v3 =	vor.u32 v31, v22;
	v10 =	vld [tilespmem:s4+$0x1CA0];
	s1 =	sor.u32 s3, s28;
	v4 =	vand.u32 $0x380, v40;
	v2 =	vor.u32 v62, v19;
	[tilespmem:v18+s22+$0x0] =	vst.idx.msk $0xffff, v60  }
0x134: {  	s0 =	sor.u32 s0, s30;
	v11 =	vld [tilespmem:s1+$0x1CB0];
	v3 =	vor.u32 v63, v3;
	v4 =	vor.u32 v4, v61;
	[tilespmem:v59+s22+$0x0] =	vst.idx.msk $0xffff, v56  }
.LBB2_7:
0x135: {  	s3 =	sadd.s32 $0x10, s2;
	s4 =	sadd.s32 $0x11, s2  }
0x136: {  	[tilespmem:v5+s22+$0x0] =	vst.idx.msk $0xffff, v7;
	v5 =	vld [tilespmem:s0+$0x1CC0];
	s0 =	smov.u32 s2;
	s2 =	sadd.s32 $0xE, s2;
	s31 =	sadd.s32 $0xE0, s31  }
0x137: {  	s6 =	sadd.s32 $0x12, s0;
	s9 =	sadd.s32 $0x13, s0;
	s1 =	sadd.s32 $0x1B, s0;
	[tilespmem:v1+s22+$0x0] =	vst.idx.msk $0xffff, v8  }
0x138: {  	s10 =	sadd.s32 $0x14, s0;
	s7 =	sadd.s32 $0x15, s0;
	s5 =	sand.u32 $0xFFFE, s1;
	[tilespmem:v6+s22+$0x0] =	vst.idx.msk $0xffff, v9  }
0x139: {  	s16 =	sadd.s32 $0x17, s0;
	s1 =	sadd.s32 $0x16, s0;
	s5 =	sshrl.u32 s5, $0x1;
	v1 =	vld [tilespmem:s31+$0x60];
	[tilespmem:v2+s22+$0x0] =	vst.idx.msk $0xffff, v10  }
0x13a: {  	s8 =	sadd.s32 $0x18, s0;
	s12 =	sand.u32 $0xFFFE, s2;
	v2 =	vld [tilespmem:s31+$0xFFFFFF90];
	s11 =	smul.u32 $0x4925, s5;
	[tilespmem:v3+s22+$0x0] =	vst.idx.msk $0xffff, v11  }
0x13b: {  	s3 =	sand.u32 $0xFFFE, s3;
	s5 =	sadd.s32 $0x19, s0;
	s0 =	sadd.s32 $0x1A, s0;
	v3 =	vld [tilespmem:s31+$0xFFFFFFA0];
	[tilespmem:v4+s22+$0x0] =	vst.idx.msk $0xffff, v5  }
0x13c: {  	s4 =	sand.u32 $0xFFFE, s4;
	p0 =	slt.u32 s2, $0x17A;
	v4 =	vld [tilespmem:s31+$0xFFFFFFB0];
	s11 =	sshrl.u32 s11, $0x11  }
0x13d: {  	s12 =	sshrl.u32 s12, $0x1;
	s13 =	sand.u32 $0xFFFE, s6;
	v5 =	vld [tilespmem:s31+$0xFFFFFFC0];
	s6 =	sadd.s32 $0x1C, s11  }
0x13e: {  	s3 =	sshrl.u32 s3, $0x1;
	v6 =	vld [tilespmem:s31+$0xFFFFFFD0];
	s11 =	sshll.u32 s6, $0x8;
	s14 =	sshll.u32 s6, $0x7;
	v7 =	vshll.u32 v1, $0x3  }
0x13f: {  	s6 =	smul.u32 $0x4925, s12;
	v9 =	vshrl.u32 v1, $0x2;
	v1 =	vand.u32 $0xFFFFF07F, v1;
	v8 =	vld [tilespmem:s31+$0xFFFFFFE0];
	s11 =	sand.u32 $0xF800, s11;
	s12 =	sand.u32 $0x380, s14;
	v7 =	vand.u32 $0xC00, v7  }
0x140: {  	s17 =	smul.u32 $0x4925, s3;
	s3 =	sshrl.u32 s4, $0x1;
	v10 =	vshll.u32 v2, $0x3;
	v9 =	vand.u32 $0x380, v9;
	v11 =	vld [tilespmem:s31+$0xFFFFFFF0];
	s4 =	sor.u32 s12, s11;
	v1 =	vor.u32 v7, v1  }
0x141: {  	s3 =	smul.u32 $0x4925, s3;
	v7 =	vshll.u32 v3, $0x3;
	s11 =	sshrl.u32 s13, $0x1;
	s12 =	sand.u32 $0xFFFE, s9;
	v12 =	vshll.u32 v4, $0x3;
	v13 =	vld [tilespmem:s4+$0x1CD0];
	v9 =	vor.u32 v9, v1  }
0x142: {  	s10 =	sand.u32 $0xFFFE, s10;
	v10 =	vand.u32 $0xC00, v10;
	v7 =	vand.u32 $0xC00, v7;
	s9 =	smul.u32 $0x4925, s11;
	s4 =	sshrl.u32 s12, $0x1;
	v1 =	vshll.u32 v5, $0x3;
	v14 =	vld [tilespmem:s31+$0x0]  }
0x143: {  	s7 =	sand.u32 $0xFFFE, s7;
	s10 =	sshrl.u32 s10, $0x1;
	v12 =	vand.u32 $0xC00, v12;
	s4 =	smul.u32 $0x4925, s4;
	v15 =	vand.u32 $0xC00, v1;
	v16 =	vshll.u32 v6, $0x3;
	v17 =	vld [tilespmem:s31+$0x10]  }
0x144: {  	s7 =	sshrl.u32 s7, $0x1;
	s1 =	sand.u32 $0xFFFE, s1;
	s10 =	smul.u32 $0x4925, s10;
	v1 =	vshrl.u32 v2, $0x2;
	v16 =	vand.u32 $0xC00, v16;
	v18 =	vshll.u32 v8, $0x3;
	v19 =	vld [tilespmem:s31+$0x20]  }
0x145: {  	s7 =	smul.u32 $0x4925, s7;
	s1 =	sshrl.u32 s1, $0x1;
	s11 =	sand.u32 $0xFFFE, s16;
	v2 =	vand.u32 $0xFFFFF07F, v2;
	v18 =	vand.u32 $0xC00, v18;
	v20 =	vshll.u32 v11, $0x3;
	v21 =	vld [tilespmem:s31+$0x30]  }
0x146: {  	s8 =	sand.u32 $0xFFFE, s8;
	s1 =	smul.u32 $0x4925, s1;
	v22 =	vshrl.u32 v3, $0x2;
	v3 =	vand.u32 $0xFFFFF07F, v3;
	s11 =	sshrl.u32 s11, $0x1;
	v20 =	vand.u32 $0xC00, v20;
	v23 =	vld [tilespmem:s31+$0x40];
	[tilespmem:v9+s22+$0x0] =	vst.idx.msk $0xffff, v13  }
0x147: {  	s8 =	sshrl.u32 s8, $0x1;
	s5 =	sand.u32 $0xFFFE, s5;
	s11 =	smul.u32 $0x4925, s11;
	v9 =	vshrl.u32 v4, $0x2;
	v4 =	vand.u32 $0xFFFFF07F, v4;
	v13 =	vshll.u32 v14, $0x3;
	v24 =	vld [tilespmem:s31+$0x50]  }
0x148: {  	s8 =	smul.u32 $0x4925, s8;
	s0 =	sand.u32 $0xFFFE, s0;
	s5 =	sshrl.u32 s5, $0x1;
	v25 =	vshrl.u32 v5, $0x2;
	v13 =	vand.u32 $0xC00, v13;
	v26 =	vshll.u32 v17, $0x3  }
0x149: {  	s0 =	sshrl.u32 s0, $0x1;
	s3 =	sshrl.u32 s3, $0x11;
	s5 =	smul.u32 $0x4925, s5;
	v5 =	vand.u32 $0xFFFFF07F, v5;
	v26 =	vand.u32 $0xC00, v26;
	v27 =	vshll.u32 v19, $0x3  }
0x14a: {  	s0 =	smul.u32 $0x4925, s0;
	s6 =	sshrl.u32 s6, $0x11;
	s12 =	sshrl.u32 s17, $0x11;
	v28 =	vshrl.u32 v6, $0x2;
	v27 =	vand.u32 $0xC00, v27;
	v29 =	vshll.u32 v21, $0x3  }
0x14b: {  	s10 =	sshrl.u32 s10, $0x11;
	s9 =	sshrl.u32 s9, $0x11;
	v6 =	vand.u32 $0xFFFFF07F, v6;
	s4 =	sshrl.u32 s4, $0x11;
	v29 =	vand.u32 $0xC00, v29;
	v30 =	vshll.u32 v23, $0x3  }
0x14c: {  	s7 =	sshrl.u32 s7, $0x11;
	s8 =	sshrl.u32 s8, $0x11;
	s1 =	sshrl.u32 s1, $0x11;
	v31 =	vshrl.u32 v8, $0x2;
	v30 =	vand.u32 $0xC00, v30;
	v32 =	vshll.u32 v24, $0x3  }
0x14d: {  	s3 =	sadd.s32 $0x1C, s3;
	s5 =	sshrl.u32 s5, $0x11;
	v8 =	vand.u32 $0xFFFFF07F, v8;
	v33 =	vshrl.u32 v11, $0x2;
	s11 =	sshrl.u32 s11, $0x11;
	v32 =	vand.u32 $0xC00, v32  }
0x14e: {  	s0 =	sshrl.u32 s0, $0x11;
	s6 =	sadd.s32 $0x1C, s6;
	s12 =	sadd.s32 $0x1C, s12;
	v11 =	vand.u32 $0xFFFFF07F, v11;
	v34 =	vshrl.u32 v14, $0x2;
	v14 =	vand.u32 $0xFFFFF07F, v14  }
0x14f: {  	s10 =	sadd.s32 $0x1C, s10;
	s13 =	sadd.s32 $0x1C, s9;
	s4 =	sadd.s32 $0x1C, s4;
	v35 =	vshrl.u32 v17, $0x2;
	v17 =	vand.u32 $0xFFFFF07F, v17;
	v36 =	vshrl.u32 v19, $0x2  }
0x150: {  	s7 =	sadd.s32 $0x1C, s7;
	s8 =	sadd.s32 $0x1C, s8;
	s1 =	sadd.s32 $0x1C, s1;
	v19 =	vand.u32 $0xFFFFF07F, v19;
	v37 =	vshrl.u32 v21, $0x2;
	v21 =	vand.u32 $0xFFFFF07F, v21  }
0x151: {  	s20 =	sshll.u32 s3, $0x8;
	s9 =	sadd.s32 $0x1C, s5;
	s11 =	sadd.s32 $0x1C, s11;
	v38 =	vshrl.u32 v23, $0x2;
	v23 =	vand.u32 $0xFFFFF07F, v23;
	v39 =	vshrl.u32 v24, $0x2  }
0x152: {  	s19 =	sadd.s32 $0x1C, s0;
	s23 =	sshll.u32 s6, $0x8;
	s24 =	sshll.u32 s6, $0x7;
	v3 =	vor.u32 v7, v3;
	v2 =	vor.u32 v10, v2;
	v7 =	vand.u32 $0xFFFFF07F, v24  }
0x153: {  	s30 =	sshll.u32 s3, $0x7;
	s25 =	sshll.u32 s12, $0x8;
	s26 =	sshll.u32 s12, $0x7;
	v5 =	vor.u32 v15, v5;
	v6 =	vor.u32 v16, v6;
	v4 =	vor.u32 v12, v4  }
0x154: {  	s3 =	sshll.u32 s8, $0x7;
	s14 =	sshll.u32 s13, $0x8;
	s15 =	sshll.u32 s13, $0x7;
	v8 =	vor.u32 v18, v8;
	v10 =	vor.u32 v20, v11;
	v11 =	vor.u32 v13, v14  }
0x155: {  	s5 =	sshll.u32 s10, $0x8;
	s13 =	sshll.u32 s4, $0x8;
	s18 =	sshll.u32 s4, $0x7;
	v12 =	vor.u32 v26, v17;
	v13 =	vor.u32 v27, v19;
	v14 =	vor.u32 v29, v21  }
0x156: {  	s6 =	sshll.u32 s7, $0x8;
	s7 =	sshll.u32 s7, $0x7;
	s12 =	sshll.u32 s10, $0x7;
	v1 =	vand.u32 $0x380, v1;
	v15 =	vor.u32 v30, v23;
	v7 =	vor.u32 v32, v7  }
0x157: {  	s16 =	sshll.u32 s1, $0x7;
	s10 =	sshll.u32 s1, $0x8;
	v16 =	vand.u32 $0x380, v22;
	v9 =	vand.u32 $0x380, v9;
	s0 =	sshll.u32 s11, $0x8;
	v17 =	vand.u32 $0x380, v25  }
0x158: {  	s20 =	sand.u32 $0xF800, s20;
	s1 =	sshll.u32 s8, $0x8;
	v18 =	vand.u32 $0x380, v28;
	v20 =	vand.u32 $0x380, v33;
	s17 =	sshll.u32 s11, $0x7;
	v19 =	vand.u32 $0x380, v31  }
0x159: {  	s8 =	sshll.u32 s9, $0x8;
	s4 =	sand.u32 $0x7800, s23;
	s11 =	sand.u32 $0x380, s24;
	v22 =	vand.u32 $0x380, v35;
	v21 =	vand.u32 $0x380, v34;
	v23 =	vand.u32 $0x380, v36  }
0x15a: {  	s4 =	sor.u32 s11, s4;
	s11 =	sshll.u32 s9, $0x7;
	s9 =	sshll.u32 s19, $0x8;
	v24 =	vand.u32 $0x380, v37;
	v25 =	vand.u32 $0x380, v38;
	v26 =	vand.u32 $0x380, v39  }
0x15b: {  	v28 =	vor.u32 v1, v2;
	v16 =	vor.u32 v16, v3;
	s23 =	sand.u32 $0xF800, s25;
	s24 =	sand.u32 $0x380, s26;
	v9 =	vor.u32 v9, v4;
	s19 =	sshll.u32 s19, $0x7;
	v27 =	vld [tilespmem:s4+$0x1880]  }
0x15c: {  	s12 =	sand.u32 $0x380, s12;
	v18 =	vor.u32 v18, v6;
	v17 =	vor.u32 v17, v5;
	v19 =	vor.u32 v19, v8;
	v29 =	vld [tilespmem:s4+$0x1890];
	s4 =	sor.u32 s24, s23;
	s23 =	sand.u32 $0x380, s30  }
0x15d: {  	s14 =	sand.u32 $0xF800, s14;
	s15 =	sand.u32 $0x380, s15;
	v20 =	vor.u32 v20, v10;
	v1 =	vor.u32 v22, v12;
	v5 =	vor.u32 v21, v11;
	v8 =	vld [tilespmem:s4+$0x18A0];
	s4 =	sor.u32 s23, s20  }
0x15e: {  	s13 =	sand.u32 $0xF800, s13;
	v2 =	vor.u32 v24, v14;
	v6 =	vor.u32 v23, v13;
	v3 =	vor.u32 v25, v15;
	v10 =	vld [tilespmem:s4+$0x18B0];
	s4 =	sor.u32 s15, s14;
	s14 =	sand.u32 $0x380, s18  }
0x15f: {  	s5 =	sand.u32 $0xF800, s5;
	s0 =	sand.u32 $0xF800, s0;
	v4 =	vor.u32 v26, v7;
	v11 =	vld [tilespmem:s4+$0x18C0];
	s4 =	sor.u32 s14, s13  }
0x160: {  	[tilespmem:v28+s22+$0x0] =	vst.idx.msk $0xffff, v27;
	v12 =	vld [tilespmem:s4+$0x18D0];
	s4 =	sor.u32 s12, s5;
	s5 =	sand.u32 $0xF800, s6;
	s6 =	sand.u32 $0x380, s7  }
0x161: {  	[tilespmem:v16+s22+$0x0] =	vst.idx.msk $0xffff, v29;
	v13 =	vld [tilespmem:s4+$0x18E0];
	s4 =	sor.u32 s6, s5;
	s5 =	sand.u32 $0xF800, s10;
	s6 =	sand.u32 $0x380, s16  }
.Ltmp2:
0x162: {  	[tilespmem:v9+s22+$0x0] =	vst.idx.msk $0xffff, v8;
	v7 =	vld [tilespmem:s4+$0x18F0];
	s4 =	sor.u32 s6, s5;
	s5 =	sand.u32 $0x380, s17;
	(pc) =	sbr.rel @p0 .LBB2_7-.Ltmp2, $4  }
0x163: {  	s3 =	sand.u32 $0x380, s3;
	s1 =	sand.u32 $0xF800, s1;
	[tilespmem:v17+s22+$0x0] =	vst.idx.msk $0xffff, v10;
	v8 =	vld [tilespmem:s4+$0x1C80];
	s0 =	sor.u32 s5, s0  }
0x164: {  	[tilespmem:v18+s22+$0x0] =	vst.idx.msk $0xffff, v11;
	v9 =	vld [tilespmem:s0+$0x1C90];
	s0 =	sor.u32 s3, s1;
	s1 =	sand.u32 $0xF800, s8;
	s3 =	sand.u32 $0x380, s11  }
0x165: {  	[tilespmem:v19+s22+$0x0] =	vst.idx.msk $0xffff, v12;
	v10 =	vld [tilespmem:s0+$0x1CA0];
	s0 =	sor.u32 s3, s1;
	s1 =	sand.u32 $0xF800, s9;
	s3 =	sand.u32 $0x380, s19  }
0x166: {  	[tilespmem:v20+s22+$0x0] =	vst.idx.msk $0xffff, v13;
	v11 =	vld [tilespmem:s0+$0x1CB0];
	s0 =	sor.u32 s3, s1  }
0x167: {  	_ =	sdelay $0x3  }
0x168: {  	[tilespmem:v5+s22+$0x0] =	vst.idx.msk $0xffff, v7;
	v5 =	vld [tilespmem:s0+$0x1CC0]  }
0x169: {  	[tilespmem:v1+s22+$0x0] =	vst.idx.msk $0xffff, v8  }
0x16a: {  	[tilespmem:v6+s22+$0x0] =	vst.idx.msk $0xffff, v9  }
0x16b: {  	[tilespmem:v2+s22+$0x0] =	vst.idx.msk $0xffff, v10  }
0x16c: {  	[tilespmem:v3+s22+$0x0] =	vst.idx.msk $0xffff, v11  }
0x16d: {  	[tilespmem:v4+s22+$0x0] =	vst.idx.msk $0xffff, v5  }
0x16e: {  	s17 =	rddreg [dreg:$0x8]  }
0x16f: {  	s20 =	rddreg [dreg:$0x11]  }
0x170: {  	s18 =	simm.s32 $0x3;
	s0 =	sadd.s32 s20, s17  }
0x171: {  	[hbm4b:s0+s29] =	stream.linear.scatter [tilespmem:s22], [sflag:$0x4], $0x8000, $0x38;
	[tilespmem:$0x1F880] =	vst v63  }
0x172: {  	_ =	swait.ge [sflag:s18], $0x8000  }
0x173: {  	[sflag:s18] =	ssyncset.done $0x0  }
0x174: {  	s2 =	simm.s32 $0x70;
	[sflag:s18] =	ssyncadd.s32 $0xFFFF8000  }
0x175: {  	v1 =	vld [tilespmem:s2+$0x60]  }
0x176: {  	v2 =	vld [tilespmem:s2+$0xFFFFFF90]  }
0x177: {  	s31 =	simm.s32 $0x0;
	v3 =	vld [tilespmem:s2+$0xFFFFFFA0]  }
0x178: {  	s19 =	simm.s32 $0x2;
	s1 =	simm.s32 $0x3;
	s4 =	simm.s32 $0x4;
	v5 =	vld [tilespmem:s2+$0xFFFFFFB0]  }
0x179: {  	s7 =	simm.s32 $0x5;
	s3 =	simm.s32 $0xD;
	s10 =	simm.s32 $0x6;
	v6 =	vld [tilespmem:s2+$0xFFFFFFC0]  }
0x17a: {  	s11 =	simm.s32 $0x7;
	s12 =	simm.s32 $0x8;
	s5 =	simm.s32 $0x9;
	v7 =	vld [tilespmem:s2+$0xFFFFFFD0]  }
0x17b: {  	s8 =	simm.s32 $0xB;
	s3 =	sand.u32 $0xFFFE, s3;
	s9 =	sand.u32 $0xFFFE, s31;
	v8 =	vld [tilespmem:s2+$0xFFFFFFE0]  }
0x17c: {  	s13 =	sand.u32 $0xFFFE, s19;
	s1 =	sand.u32 $0xFFFE, s1;
	s4 =	sand.u32 $0xFFFE, s4;
	v11 =	vld [tilespmem:s2+$0xFFFFFFF0]  }
0x17d: {  	s25 =	sand.u32 $0xFFFE, s7;
	s28 =	sand.u32 $0xFFFE, s10;
	s30 =	sand.u32 $0xFFFE, s11;
	v15 =	vld [tilespmem:s2+$0x10]  }
0x17e: {  	s19 =	sand.u32 $0xFFFE, s5;
	s6 =	sshrl.u32 s3, $0x1;
	s3 =	simm.s32 $0xA;
	v18 =	vld [tilespmem:s2+$0x20];
	v4 =	vshll.u32 v1, $0x3  }
0x17f: {  	s9 =	sshrl.u32 s9, $0x1;
	s23 =	sshrl.u32 s13, $0x1;
	s6 =	smul.u32 $0x4925, s6;
	v20 =	vld [tilespmem:s2+$0x30];
	v9 =	vshrl.u32 v1, $0x2;
	v1 =	vand.u32 $0xFFFFF07F, v1;
	v10 =	vshll.u32 v2, $0x3  }
0x180: {  	s1 =	sshrl.u32 s1, $0x1;
	s24 =	sshrl.u32 s4, $0x1;
	s15 =	smul.u32 $0x4925, s9;
	v22 =	vld [tilespmem:s2+$0x40];
	v12 =	vshll.u32 v3, $0x3;
	v13 =	vshll.u32 v5, $0x3;
	v14 =	vshll.u32 v7, $0x3  }
0x181: {  	s26 =	sshrl.u32 s25, $0x1;
	s4 =	sshrl.u32 s28, $0x1;
	s9 =	smul.u32 $0x4925, s23;
	v25 =	vld [tilespmem:s2+$0x50];
	v16 =	vshrl.u32 v2, $0x2;
	v17 =	vshll.u32 v8, $0x3;
	v2 =	vand.u32 $0xFFFFF07F, v2  }
0x182: {  	s11 =	sshrl.u32 s30, $0x1;
	s13 =	sand.u32 $0xFFFE, s12;
	s7 =	smul.u32 $0x4925, s24;
	v19 =	vshll.u32 v11, $0x3;
	v21 =	vshrl.u32 v3, $0x2;
	v3 =	vand.u32 $0xFFFFF07F, v3  }
0x183: {  	s12 =	sand.u32 $0xFFFE, s8;
	s16 =	smul.u32 $0x4925, s11;
	s23 =	sshrl.u32 s19, $0x1;
	v23 =	vshrl.u32 v5, $0x2;
	v5 =	vand.u32 $0xFFFFF07F, v5;
	v26 =	vshrl.u32 v6, $0x2  }
0x184: {  	s3 =	sand.u32 $0xFFFE, s3;
	s19 =	smul.u32 $0x4925, s23;
	s14 =	sshrl.u32 s6, $0x9;
	v27 =	vshll.u32 v15, $0x3;
	v28 =	vshll.u32 v18, $0x3;
	v29 =	vshrl.u32 v7, $0x2  }
0x185: {  	s6 =	sshrl.u32 s6, $0xA;
	s24 =	sshrl.u32 s15, $0x9;
	s25 =	sshrl.u32 s15, $0xA;
	v30 =	vshll.u32 v20, $0x3;
	v7 =	vand.u32 $0xFFFFF07F, v7;
	v31 =	vshll.u32 v22, $0x3  }
0x186: {  	s10 =	sshrl.u32 s9, $0x9;
	s9 =	sshrl.u32 s9, $0xA;
	s23 =	sshrl.u32 s7, $0x9;
	v32 =	vshrl.u32 v8, $0x2;
	v33 =	vshll.u32 v25, $0x3;
	v8 =	vand.u32 $0xFFFFF07F, v8  }
0x187: {  	s7 =	sshrl.u32 s7, $0xA;
	s14 =	sand.u32 $0x7800, s14;
	s6 =	sand.u32 $0x380, s6;
	v34 =	vshrl.u32 v11, $0x2;
	v11 =	vand.u32 $0xFFFFF07F, v11;
	v36 =	vshrl.u32 v15, $0x2  }
0x188: {  	s28 =	sand.u32 $0x3800, s24;
	s30 =	sand.u32 $0x380, s25;
	s17 =	smul.u32 $0x4925, s4;
	v15 =	vand.u32 $0xFFFFF07F, v15;
	v37 =	vshrl.u32 v18, $0x2;
	v18 =	vand.u32 $0xFFFFF07F, v18  }
0x189: {  	s4 =	sand.u32 $0x7800, s10;
	s10 =	sshrl.u32 s12, $0x1;
	s0 =	simm.s32 $0xC;
	v38 =	vshrl.u32 v20, $0x2;
	v20 =	vand.u32 $0xFFFFF07F, v20;
	v39 =	vshrl.u32 v22, $0x2  }
0x18a: {  	s7 =	sand.u32 $0x380, s7;
	s10 =	smul.u32 $0x4925, s10;
	s0 =	sand.u32 $0xFFFE, s0;
	v22 =	vand.u32 $0xFFFFF07F, v22;
	v41 =	vshrl.u32 v25, $0x2;
	v4 =	vand.u32 $0xC00, v4  }
0x18b: {  	s25 =	sshrl.u32 s17, $0x9;
	s18 =	sor.u32 s6, s14;
	s6 =	smul.u32 $0x4925, s1;
	v9 =	vand.u32 $0x380, v9;
	v13 =	vand.u32 $0xC00, v13;
	v14 =	vand.u32 $0xC00, v14  }
0x18c: {  	s0 =	sshrl.u32 s0, $0x1;
	s1 =	smul.u32 $0x4925, s26;
	s14 =	sshrl.u32 s13, $0x1;
	v17 =	vand.u32 $0xC00, v17;
	v19 =	vand.u32 $0xC00, v19;
	v27 =	vand.u32 $0xC00, v27  }
0x18d: {  	s26 =	sshrl.u32 s3, $0x1;
	s13 =	sand.u32 $0x380, s9;
	s5 =	smul.u32 $0x4925, s14;
	v28 =	vand.u32 $0xC00, v28;
	v30 =	vand.u32 $0xC00, v30;
	v31 =	vand.u32 $0xC00, v31  }
0x18e: {  	s8 =	sor.u32 s13, s4;
	s14 =	sshrl.u32 s6, $0x9;
	s15 =	sshrl.u32 s6, $0xA;
	v33 =	vand.u32 $0xC00, v33;
	v58 =	vand.u32 $0x380, v34;
	v60 =	vand.u32 $0x380, v36  }
0x18f: {  	s24 =	sshrl.u32 s1, $0x9;
	s4 =	sand.u32 $0x7800, s14;
	s9 =	sand.u32 $0x380, s15;
	v61 =	vand.u32 $0x380, v37;
	v62 =	vand.u32 $0x380, v38;
	v63 =	vand.u32 $0x380, v39  }
0x190: {  	s1 =	sshrl.u32 s1, $0xA;
	s4 =	sor.u32 s9, s4;
	s9 =	sand.u32 $0x7800, s23;
	v1 =	vor.u32 v4, v1;
	v13 =	vor.u32 v13, v5;
	v14 =	vor.u32 v14, v7  }
0x191: {  	s1 =	sand.u32 $0x380, s1;
	s7 =	sor.u32 s7, s9;
	s9 =	sand.u32 $0x7800, s24;
	v17 =	vor.u32 v17, v8;
	v19 =	vor.u32 v19, v11;
	v15 =	vor.u32 v27, v15  }
0x192: {  	s3 =	sor.u32 s30, s28;
	s28 =	sshrl.u32 s16, $0x9;
	s1 =	sor.u32 s1, s9;
	v27 =	vor.u32 v28, v18;
	v56 =	vor.u32 v30, v20;
	v57 =	vor.u32 v31, v22;
	v5 =	vld [tilespmem:s4+$0x50B0]  }
0x193: {  	s30 =	sshrl.u32 s16, $0xA;
	s0 =	smul.u32 $0x4925, s0;
	s16 =	sshrl.u32 s19, $0x9;
	v11 =	vand.u32 $0x380, v21;
	v18 =	vand.u32 $0x380, v26;
	v20 =	vand.u32 $0x380, v29;
	v7 =	vld [tilespmem:s1+$0x50D0]  }
0x194: {  	s13 =	sand.u32 $0x380, s30;
	s6 =	smul.u32 $0x4925, s26;
	s26 =	sshrl.u32 s17, $0xA;
	v26 =	vand.u32 $0x380, v32;
	v4 =	vor.u32 v9, v1;
	v9 =	vand.u32 $0xC00, v12;
	v12 =	vld [tilespmem:s2+$0x0]  }
0x195: {  	s17 =	sshrl.u32 s19, $0xA;
	s19 =	sshrl.u32 s10, $0x9;
	s11 =	sand.u32 $0x380, s26;
	v1 =	vand.u32 $0xC00, v10;
	v42 =	vor.u32 v9, v3;
	v9 =	vand.u32 $0xFFFFF07F, v25;
	v25 =	vld [tilespmem:s18+$0x54D0]  }
0x196: {  	s14 =	sshrl.u32 s5, $0x9;
	s5 =	sshrl.u32 s5, $0xA;
	s26 =	sshrl.u32 s0, $0x9;
	v22 =	vand.u32 $0x380, v41;
	v10 =	vshll.u32 v6, $0x3;
	v40 =	vor.u32 v1, v2;
	v1 =	vld [tilespmem:s3+$0x5080]  }
0x197: {  	s15 =	sand.u32 $0x7800, s14;
	s5 =	sand.u32 $0x380, s5;
	s23 =	sshrl.u32 s10, $0xA;
	v6 =	vand.u32 $0xFFFFF07F, v6;
	v20 =	vor.u32 v20, v14;
	v10 =	vand.u32 $0xC00, v10;
	v2 =	vld [tilespmem:s3+$0x5090]  }
0x198: {  	s9 =	sand.u32 $0x7800, s25;
	v19 =	vor.u32 v58, v19;
	v14 =	vor.u32 v62, v56;
	v3 =	vld [tilespmem:s8+$0x50A0];
	s18 =	sshrl.u32 s6, $0x9;
	s6 =	sshrl.u32 s6, $0xA;
	v43 =	vor.u32 v10, v6  }
0x199: {  	s9 =	sor.u32 s11, s9;
	v10 =	vand.u32 $0x380, v16;
	v8 =	vor.u32 v33, v9;
	v16 =	vand.u32 $0x380, v23;
	v6 =	vld [tilespmem:s7+$0x50C0];
	s1 =	sand.u32 $0x7800, s18;
	s6 =	sand.u32 $0x380, s6  }
0x19a: {  	s25 =	sand.u32 $0x7800, s19;
	s11 =	sand.u32 $0x7800, s28;
	v9 =	vld [tilespmem:s9+$0x50E0];
	v21 =	vor.u32 v16, v13;
	s24 =	sor.u32 s6, s1;
	v23 =	vor.u32 v18, v43;
	v18 =	vor.u32 v26, v17  }
0x19b: {  	s28 =	sshrl.u32 s0, $0xA;
	s4 =	sor.u32 s5, s15;
	s3 =	sor.u32 s13, s11;
	v16 =	vor.u32 v60, v15;
	v13 =	vld [tilespmem:s24+$0x54A0];
	v24 =	vshll.u32 v12, $0x3;
	v35 =	vshrl.u32 v12, $0x2  }
0x19c: {  	s5 =	sand.u32 $0x7800, s16;
	s7 =	sand.u32 $0x380, s17;
	v12 =	vand.u32 $0xFFFFF07F, v12;
	v24 =	vand.u32 $0xC00, v24;
	[tilespmem:v4+s21+$0x0] =	vst.idx.msk $0xffff, v25;
	v4 =	vld [tilespmem:s3+$0x50F0];
	v25 =	vor.u32 v10, v40;
	s3 =	sand.u32 $0x380, s23  }
0x19d: {  	s5 =	sor.u32 s7, s5;
	v59 =	vand.u32 $0x380, v35;
	v10 =	vld [tilespmem:s4+$0x5480];
	v12 =	vor.u32 v24, v12;
	v24 =	vor.u32 v11, v42;
	s1 =	sor.u32 s3, s25;
	s30 =	rddreg [dreg:$0x9]  }
0x19e: {  	v15 =	vor.u32 v61, v27;
	v11 =	vld [tilespmem:s5+$0x5490];
	s3 =	sand.u32 $0x7800, s26;
	s5 =	sand.u32 $0x380, s28;
	v17 =	vor.u32 v59, v12;
	s0 =	sadd.s32 s20, s30;
	v12 =	vor.u32 v63, v57  }
.LBB2_9:
0x19f: {  	v26 =	vld [tilespmem:s1+$0x54B0];
	s1 =	sor.u32 s5, s3  }
0x1a0: {  	v8 =	vor.u32 v22, v8;
	s4 =	smov.u32 s31;
	s31 =	sadd.s32 $0xE, s31;
	s2 =	sadd.s32 $0xE0, s2  }
0x1a1: {  	s6 =	sadd.s32 $0x10, s4;
	s8 =	sadd.s32 $0x11, s4;
	[tilespmem:v25+s21+$0x0] =	vst.idx.msk $0xffff, v1;
	v1 =	vld [tilespmem:s1+$0x54C0];
	s9 =	sadd.s32 $0x12, s4  }
0x1a2: {  	s3 =	sadd.s32 $0x13, s4;
	s5 =	sadd.s32 $0x1B, s4;
	s7 =	sadd.s32 $0x14, s4;
	v22 =	vld [tilespmem:s2+$0x60];
	[tilespmem:v24+s21+$0x0] =	vst.idx.msk $0xffff, v2  }
0x1a3: {  	s1 =	sadd.s32 $0x15, s4;
	s26 =	sadd.s32 $0x16, s4;
	s5 =	sand.u32 $0xFFFE, s5;
	v2 =	vld [tilespmem:s2+$0xFFFFFF90];
	[tilespmem:v21+s21+$0x0] =	vst.idx.msk $0xffff, v3  }
0x1a4: {  	s16 =	sadd.s32 $0x17, s4;
	s18 =	sadd.s32 $0x19, s4;
	s10 =	sshrl.u32 s5, $0x1;
	v21 =	vld [tilespmem:s2+$0xFFFFFFA0];
	[tilespmem:v23+s21+$0x0] =	vst.idx.msk $0xffff, v5  }
0x1a5: {  	s11 =	sand.u32 $0xFFFE, s31;
	s5 =	sadd.s32 $0x18, s4;
	s10 =	smul.u32 $0x4925, s10;
	v5 =	vld [tilespmem:s2+$0xFFFFFFB0];
	[tilespmem:v20+s21+$0x0] =	vst.idx.msk $0xffff, v6  }
0x1a6: {  	s19 =	sadd.s32 $0x1A, s4;
	p0 =	slt.u32 s31, $0x17A;
	s6 =	sand.u32 $0xFFFE, s6;
	v6 =	vld [tilespmem:s2+$0xFFFFFFC0];
	[tilespmem:v18+s21+$0x0] =	vst.idx.msk $0xffff, v7  }
0x1a7: {  	s4 =	sand.u32 $0xFFFE, s8;
	s8 =	sshrl.u32 s10, $0x9;
	s10 =	sshrl.u32 s10, $0xA;
	v7 =	vld [tilespmem:s2+$0xFFFFFFD0];
	v3 =	vshll.u32 v22, $0x3;
	[tilespmem:v19+s21+$0x0] =	vst.idx.msk $0xffff, v9  }
0x1a8: {  	s11 =	sshrl.u32 s11, $0x1;
	s12 =	sand.u32 $0x7800, s8;
	s10 =	sand.u32 $0x380, s10;
	v18 =	vshrl.u32 v22, $0x2;
	v19 =	vand.u32 $0xFFFFF07F, v22;
	v9 =	vld [tilespmem:s2+$0xFFFFFFE0];
	v3 =	vand.u32 $0xC00, v3;
	[tilespmem:v17+s21+$0x0] =	vst.idx.msk $0xffff, v4  }
0x1a9: {  	s6 =	sshrl.u32 s6, $0x1;
	s8 =	smul.u32 $0x4925, s11;
	v4 =	vshll.u32 v2, $0x3;
	s10 =	sor.u32 s10, s12;
	v18 =	vand.u32 $0x380, v18;
	v17 =	vld [tilespmem:s2+$0xFFFFFFF0];
	v3 =	vor.u32 v3, v19;
	[tilespmem:v16+s21+$0x0] =	vst.idx.msk $0xffff, v10  }
0x1aa: {  	s9 =	sand.u32 $0xFFFE, s9;
	s6 =	smul.u32 $0x4925, s6;
	s4 =	sshrl.u32 s4, $0x1;
	v10 =	vshll.u32 v21, $0x3;
	v16 =	vshll.u32 v5, $0x3;
	v19 =	vld [tilespmem:s10+$0x54D0];
	v18 =	vor.u32 v18, v3;
	[tilespmem:v15+s21+$0x0] =	vst.idx.msk $0xffff, v11  }
0x1ab: {  	s17 =	smul.u32 $0x4925, s4;
	s4 =	sshrl.u32 s9, $0x1;
	s9 =	sand.u32 $0xFFFE, s3;
	v4 =	vand.u32 $0xC00, v4;
	v10 =	vand.u32 $0xC00, v10;
	v3 =	vshll.u32 v6, $0x3;
	v11 =	vld [tilespmem:s2+$0x0];
	[tilespmem:v14+s21+$0x0] =	vst.idx.msk $0xffff, v13  }
0x1ac: {  	s3 =	smul.u32 $0x4925, s4;
	s4 =	sshrl.u32 s9, $0x1;
	s9 =	sand.u32 $0xFFFE, s7;
	v13 =	vand.u32 $0xC00, v16;
	v14 =	vand.u32 $0xC00, v3;
	v15 =	vshll.u32 v7, $0x3;
	v16 =	vld [tilespmem:s2+$0x10];
	[tilespmem:v12+s21+$0x0] =	vst.idx.msk $0xffff, v26  }
0x1ad: {  	s7 =	smul.u32 $0x4925, s4;
	s4 =	sshrl.u32 s9, $0x1;
	s9 =	sand.u32 $0xFFFE, s1;
	v3 =	vshrl.u32 v2, $0x2;
	v12 =	vand.u32 $0xC00, v15;
	v15 =	vshll.u32 v9, $0x3;
	v20 =	vld [tilespmem:s2+$0x20];
	[tilespmem:v8+s21+$0x0] =	vst.idx.msk $0xffff, v1  }
0x1ae: {  	s1 =	smul.u32 $0x4925, s4;
	s4 =	sshrl.u32 s9, $0x1;
	s9 =	sand.u32 $0xFFFE, s26;
	v1 =	vand.u32 $0xFFFFF07F, v2;
	v2 =	vand.u32 $0xC00, v15;
	v8 =	vshll.u32 v17, $0x3;
	v15 =	vld [tilespmem:s2+$0x30]  }
0x1af: {  	v22 =	vshrl.u32 v21, $0x2;
	v21 =	vand.u32 $0xFFFFF07F, v21;
	s10 =	smul.u32 $0x4925, s4;
	s4 =	sshrl.u32 s9, $0x1;
	s9 =	sand.u32 $0xFFFE, s16;
	v8 =	vand.u32 $0xC00, v8;
	v23 =	vld [tilespmem:s2+$0x40];
	[tilespmem:v18+s21+$0x0] =	vst.idx.msk $0xffff, v19  }
0x1b0: {  	s5 =	sand.u32 $0xFFFE, s5;
	s4 =	smul.u32 $0x4925, s4;
	s9 =	sshrl.u32 s9, $0x1;
	v18 =	vshrl.u32 v5, $0x2;
	v5 =	vand.u32 $0xFFFFF07F, v5;
	v19 =	vshll.u32 v11, $0x3;
	v24 =	vld [tilespmem:s2+$0x50]  }
0x1b1: {  	s5 =	sshrl.u32 s5, $0x1;
	v25 =	vshrl.u32 v6, $0x2;
	s16 =	smul.u32 $0x4925, s9;
	s9 =	sand.u32 $0xFFFE, s18;
	v19 =	vand.u32 $0xC00, v19;
	v26 =	vshll.u32 v16, $0x3  }
0x1b2: {  	s23 =	smul.u32 $0x4925, s5;
	v6 =	vand.u32 $0xFFFFF07F, v6;
	s5 =	sshrl.u32 s9, $0x1;
	s9 =	sand.u32 $0xFFFE, s19;
	v26 =	vand.u32 $0xC00, v26;
	v27 =	vshll.u32 v20, $0x3  }
0x1b3: {  	s25 =	sshrl.u32 s6, $0x9;
	v28 =	vshrl.u32 v7, $0x2;
	s18 =	smul.u32 $0x4925, s5;
	s5 =	sshrl.u32 s9, $0x1;
	v27 =	vand.u32 $0xC00, v27;
	v29 =	vshll.u32 v15, $0x3  }
0x1b4: {  	s24 =	sshrl.u32 s8, $0xA;
	v7 =	vand.u32 $0xFFFFF07F, v7;
	s19 =	sshrl.u32 s8, $0x9;
	s26 =	smul.u32 $0x4925, s5;
	v29 =	vand.u32 $0xC00, v29;
	v30 =	vshll.u32 v23, $0x3  }
0x1b5: {  	s30 =	sshrl.u32 s6, $0xA;
	s20 =	sshrl.u32 s17, $0x9;
	s28 =	sshrl.u32 s17, $0xA;
	v31 =	vshrl.u32 v9, $0x2;
	v30 =	vand.u32 $0xC00, v30;
	v32 =	vshll.u32 v24, $0x3  }
0x1b6: {  	s14 =	sshrl.u32 s3, $0x9;
	s15 =	sshrl.u32 s3, $0xA;
	s6 =	sshrl.u32 s23, $0xA;
	v9 =	vand.u32 $0xFFFFF07F, v9;
	v33 =	vshrl.u32 v17, $0x2;
	v32 =	vand.u32 $0xC00, v32  }
0x1b7: {  	s12 =	sshrl.u32 s7, $0x9;
	s13 =	sshrl.u32 s7, $0xA;
	s7 =	sshrl.u32 s1, $0x9;
	v17 =	vand.u32 $0xFFFFF07F, v17;
	v34 =	vshrl.u32 v11, $0x2;
	v11 =	vand.u32 $0xFFFFF07F, v11  }
0x1b8: {  	s11 =	sshrl.u32 s1, $0xA;
	s9 =	sshrl.u32 s10, $0x9;
	s10 =	sshrl.u32 s10, $0xA;
	v35 =	vshrl.u32 v16, $0x2;
	v16 =	vand.u32 $0xFFFFF07F, v16;
	v36 =	vshrl.u32 v20, $0x2  }
0x1b9: {  	s1 =	sshrl.u32 s4, $0x9;
	s3 =	sshrl.u32 s4, $0xA;
	s8 =	sshrl.u32 s16, $0x9;
	v20 =	vand.u32 $0xFFFFF07F, v20;
	v37 =	vshrl.u32 v15, $0x2;
	v15 =	vand.u32 $0xFFFFF07F, v15  }
0x1ba: {  	s20 =	sand.u32 $0x7800, s20;
	s17 =	sshrl.u32 s16, $0xA;
	s5 =	sshrl.u32 s23, $0x9;
	v38 =	vshrl.u32 v23, $0x2;
	v23 =	vand.u32 $0xFFFFF07F, v23;
	v39 =	vshrl.u32 v24, $0x2  }
0x1bb: {  	v10 =	vor.u32 v10, v21;
	s4 =	sand.u32 $0x3800, s19;
	s19 =	sand.u32 $0x380, s24;
	v4 =	vor.u32 v4, v1;
	s16 =	sshrl.u32 s18, $0x9;
	v21 =	vand.u32 $0xFFFFF07F, v24  }
0x1bc: {  	v14 =	vor.u32 v14, v6;
	v12 =	vor.u32 v12, v7;
	s4 =	sor.u32 s19, s4;
	v13 =	vor.u32 v13, v5;
	s19 =	sshrl.u32 s18, $0xA;
	s18 =	sshrl.u32 s26, $0x9  }
0x1bd: {  	s24 =	sand.u32 $0x380, s30;
	s23 =	sand.u32 $0x7800, s25;
	v40 =	vor.u32 v2, v9;
	v17 =	vor.u32 v8, v17;
	s26 =	sshrl.u32 s26, $0xA;
	v11 =	vor.u32 v19, v11;
	v1 =	vld [tilespmem:s4+$0x5080]  }
0x1be: {  	s14 =	sand.u32 $0x7800, s14;
	v16 =	vor.u32 v26, v16;
	v26 =	vor.u32 v27, v20;
	v27 =	vor.u32 v29, v15;
	v2 =	vld [tilespmem:s4+$0x5090];
	s4 =	sor.u32 s24, s23;
	s23 =	sand.u32 $0x380, s28  }
0x1bf: {  	s15 =	sand.u32 $0x380, s15;
	s12 =	sand.u32 $0x7800, s12;
	v15 =	vand.u32 $0x380, v3;
	v29 =	vor.u32 v30, v23;
	v8 =	vor.u32 v32, v21;
	v3 =	vld [tilespmem:s4+$0x50A0];
	s4 =	sor.u32 s23, s20  }
0x1c0: {  	s13 =	sand.u32 $0x380, s13;
	s7 =	sand.u32 $0x7800, s7;
	v18 =	vand.u32 $0x380, v18;
	v19 =	vand.u32 $0x380, v22;
	v20 =	vand.u32 $0x380, v25;
	v5 =	vld [tilespmem:s4+$0x50B0];
	s4 =	sor.u32 s15, s14  }
0x1c1: {  	s11 =	sand.u32 $0x380, s11;
	v28 =	vand.u32 $0x380, v28;
	s1 =	sand.u32 $0x7800, s1;
	v30 =	vand.u32 $0x380, v31;
	v31 =	vand.u32 $0x380, v33;
	v6 =	vld [tilespmem:s4+$0x50C0];
	s4 =	sor.u32 s13, s12  }
0x1c2: {  	v33 =	vand.u32 $0x380, v35;
	v32 =	vand.u32 $0x380, v34;
	v34 =	vand.u32 $0x380, v36;
	v7 =	vld [tilespmem:s4+$0x50D0];
	s4 =	sor.u32 s11, s7;
	s7 =	sand.u32 $0x7800, s9;
	s9 =	sand.u32 $0x380, s10  }
.Ltmp3:
0x1c3: {  	s3 =	sand.u32 $0x380, s3;
	v35 =	vand.u32 $0x380, v37;
	v22 =	vand.u32 $0x380, v39;
	v36 =	vand.u32 $0x380, v38;
	v9 =	vld [tilespmem:s4+$0x50E0];
	s4 =	sor.u32 s9, s7;
	(pc) =	sbr.rel @p0 .LBB2_9-.Ltmp3, $4  }
0x1c4: {  	s1 =	sor.u32 s3, s1;
	s3 =	sand.u32 $0x7800, s8;
	v24 =	vor.u32 v19, v10;
	v25 =	vor.u32 v15, v4;
	v21 =	vor.u32 v18, v13;
	v4 =	vld [tilespmem:s4+$0x50F0];
	s4 =	sand.u32 $0x380, s17  }
0x1c5: {  	v23 =	vor.u32 v20, v14;
	v20 =	vor.u32 v28, v12;
	v18 =	vor.u32 v30, v40;
	v10 =	vld [tilespmem:s1+$0x5480];
	s1 =	sor.u32 s4, s3;
	s3 =	sand.u32 $0x7800, s5;
	s4 =	sand.u32 $0x380, s6  }
0x1c6: {  	v19 =	vor.u32 v31, v17;
	v16 =	vor.u32 v33, v16;
	v17 =	vor.u32 v32, v11;
	v11 =	vld [tilespmem:s1+$0x5490];
	s1 =	sor.u32 s4, s3;
	s3 =	sand.u32 $0x7800, s16;
	s4 =	sand.u32 $0x380, s19  }
0x1c7: {  	v14 =	vor.u32 v35, v27;
	v15 =	vor.u32 v34, v26;
	v12 =	vor.u32 v36, v29;
	s5 =	sand.u32 $0x380, s26;
	v13 =	vld [tilespmem:s1+$0x54A0];
	s1 =	sor.u32 s4, s3;
	s3 =	sand.u32 $0x7800, s18  }
0x1c8: {  	_ =	sdelay $0x3  }
0x1c9: {  	[tilespmem:v25+s21+$0x0] =	vst.idx.msk $0xffff, v1  }
0x1ca: {  	[tilespmem:v24+s21+$0x0] =	vst.idx.msk $0xffff, v2  }
0x1cb: {  	[tilespmem:v21+s21+$0x0] =	vst.idx.msk $0xffff, v3  }
0x1cc: {  	[tilespmem:v23+s21+$0x0] =	vst.idx.msk $0xffff, v5  }
0x1cd: {  	[tilespmem:v20+s21+$0x0] =	vst.idx.msk $0xffff, v6  }
0x1ce: {  	[tilespmem:v18+s21+$0x0] =	vst.idx.msk $0xffff, v7  }
0x1cf: {  	v1 =	vld [tilespmem:s1+$0x54B0];
	s19 =	sor.u32 s5, s3;
	[tilespmem:v19+s21+$0x0] =	vst.idx.msk $0xffff, v9  }
0x1d0: {  	v2 =	vor.u32 v22, v8;
	v3 =	vld [tilespmem:s19+$0x54C0];
	[tilespmem:v17+s21+$0x0] =	vst.idx.msk $0xffff, v4  }
0x1d1: {  	[tilespmem:v16+s21+$0x0] =	vst.idx.msk $0xffff, v10  }
0x1d2: {  	s20 =	simm.s32 $0x4;
	s31 =	simm.s32 $0x70;
	[tilespmem:v15+s21+$0x0] =	vst.idx.msk $0xffff, v11  }
0x1d3: {  	s2 =	simm.s32 $0x0;
	s24 =	simm.s32 $0x3;
	s25 =	simm.s32 $0xD;
	[tilespmem:v14+s21+$0x0] =	vst.idx.msk $0xffff, v13  }
0x1d4: {  	s4 =	simm.s32 $0x4;
	s26 =	simm.s32 $0x5;
	s6 =	simm.s32 $0x6;
	[tilespmem:v12+s21+$0x0] =	vst.idx.msk $0xffff, v1  }
0x1d5: {  	s7 =	simm.s32 $0x7;
	s8 =	simm.s32 $0x8;
	s9 =	simm.s32 $0x9;
	[tilespmem:v2+s21+$0x0] =	vst.idx.msk $0xffff, v3  }
0x1d6: {  	[hbm4b:s0+s29] =	stream.linear.scatter [tilespmem:s21], [sflag:$0x3], $0x8000, $0x38;
	[tilespmem:$0x1F880] =	vst v63  }
0x1d7: {  	s10 =	simm.s32 $0xA;
	s12 =	simm.s32 $0xB;
	_ =	swait.ge [sflag:s20], $0x8000  }
0x1d8: {  	s13 =	simm.s32 $0xC;
	s3 =	sand.u32 $0xFFFE, s25;
	[sflag:s20] =	ssyncset.done $0x0  }
0x1d9: {  	s11 =	sand.u32 $0xFFFE, s2;
	s3 =	sshrl.u32 s3, $0x1;
	[sflag:s20] =	ssyncadd.s32 $0xFFFF8000  }
0x1da: {  	s1 =	sand.u32 $0xFFFE, s24;
	s11 =	sshrl.u32 s11, $0x1;
	s3 =	smul.u32 $0x4925, s3;
	v1 =	vld [tilespmem:s31+$0x60]  }
0x1db: {  	s4 =	sand.u32 $0xFFFE, s4;
	s1 =	sshrl.u32 s1, $0x1;
	s11 =	smul.u32 $0x4925, s11;
	v2 =	vld [tilespmem:s31+$0xFFFFFF90]  }
0x1dc: {  	s5 =	sand.u32 $0xFFFE, s26;
	s4 =	sshrl.u32 s4, $0x1;
	s1 =	smul.u32 $0x4925, s1;
	v3 =	vld [tilespmem:s31+$0xFFFFFFA0]  }
0x1dd: {  	s6 =	sand.u32 $0xFFFE, s6;
	s5 =	sshrl.u32 s5, $0x1;
	s4 =	smul.u32 $0x4925, s4;
	v4 =	vld [tilespmem:s31+$0xFFFFFFB0]  }
0x1de: {  	s7 =	sand.u32 $0xFFFE, s7;
	s6 =	sshrl.u32 s6, $0x1;
	s5 =	smul.u32 $0x4925, s5;
	v5 =	vld [tilespmem:s31+$0xFFFFFFC0]  }
0x1df: {  	s8 =	sand.u32 $0xFFFE, s8;
	s7 =	sshrl.u32 s7, $0x1;
	s6 =	smul.u32 $0x4925, s6;
	v6 =	vld [tilespmem:s31+$0xFFFFFFD0]  }
0x1e0: {  	s9 =	sand.u32 $0xFFFE, s9;
	s8 =	sshrl.u32 s8, $0x1;
	s7 =	smul.u32 $0x4925, s7;
	v8 =	vld [tilespmem:s31+$0xFFFFFFE0]  }
0x1e1: {  	s10 =	sand.u32 $0xFFFE, s10;
	s9 =	sshrl.u32 s9, $0x1;
	s8 =	smul.u32 $0x4925, s8;
	v11 =	vld [tilespmem:s31+$0xFFFFFFF0]  }
0x1e2: {  	s12 =	sand.u32 $0xFFFE, s12;
	s10 =	sshrl.u32 s10, $0x1;
	s9 =	smul.u32 $0x4925, s9;
	v60 =	vld [tilespmem:s31+$0x0]  }
0x1e3: {  	s13 =	sand.u32 $0xFFFE, s13;
	s12 =	sshrl.u32 s12, $0x1;
	s10 =	smul.u32 $0x4925, s10;
	v61 =	vld [tilespmem:s31+$0x10]  }
0x1e4: {  	s23 =	simm.s32 $0x2;
	s28 =	sshrl.u32 s13, $0x1;
	s12 =	smul.u32 $0x4925, s12;
	v41 =	vld [tilespmem:s31+$0x20]  }
0x1e5: {  	s13 =	smul.u32 $0x4925, s28;
	s3 =	sshrl.u32 s3, $0x11;
	s11 =	sshrl.u32 s11, $0x11;
	v42 =	vld [tilespmem:s31+$0x30];
	v7 =	vshll.u32 v1, $0x3;
	v9 =	vshrl.u32 v1, $0x2;
	v1 =	vand.u32 $0xFFFFF07F, v1  }
0x1e6: {  	s30 =	sshrl.u32 s1, $0x11;
	s4 =	sshrl.u32 s4, $0x11;
	s15 =	sshrl.u32 s5, $0x11;
	v45 =	vld [tilespmem:s31+$0x40];
	v10 =	vshll.u32 v2, $0x3;
	v59 =	vshll.u32 v4, $0x3;
	v62 =	vshll.u32 v6, $0x3  }
0x1e7: {  	s16 =	sshrl.u32 s6, $0x11;
	s7 =	sshrl.u32 s7, $0x11;
	s1 =	sshrl.u32 s9, $0x11;
	v48 =	vld [tilespmem:s31+$0x50];
	v63 =	vshrl.u32 v2, $0x2;
	v40 =	vshll.u32 v8, $0x3;
	v2 =	vand.u32 $0xFFFFF07F, v2  }
0x1e8: {  	s5 =	sshrl.u32 s10, $0x11;
	s19 =	sshrl.u32 s12, $0x11;
	s3 =	sadd.s32 $0x54, s3;
	v43 =	vshll.u32 v11, $0x3;
	v44 =	vshrl.u32 v3, $0x2;
	v46 =	vshrl.u32 v4, $0x2  }
0x1e9: {  	s11 =	sadd.s32 $0x54, s11;
	s17 =	sadd.s32 $0x54, s30;
	s4 =	sadd.s32 $0x54, s4;
	v47 =	vshll.u32 v60, $0x3;
	v4 =	vand.u32 $0xFFFFF07F, v4;
	v26 =	vshrl.u32 v5, $0x2  }
0x1ea: {  	s24 =	sadd.s32 $0x54, s15;
	s26 =	sadd.s32 $0x54, s16;
	s7 =	sadd.s32 $0x54, s7;
	v27 =	vshll.u32 v61, $0x3;
	v28 =	vshll.u32 v41, $0x3;
	v29 =	vshrl.u32 v6, $0x2  }
0x1eb: {  	s1 =	sadd.s32 $0x54, s1;
	s5 =	sadd.s32 $0x54, s5;
	s0 =	sand.u32 $0xFFFE, s23;
	v30 =	vshll.u32 v42, $0x3;
	v6 =	vand.u32 $0xFFFFF07F, v6;
	v31 =	vshll.u32 v45, $0x3  }
0x1ec: {  	s14 =	sshll.u32 s3, $0x8;
	s3 =	sshll.u32 s3, $0x7;
	s6 =	sshll.u32 s11, $0x7;
	v32 =	vshrl.u32 v8, $0x2;
	v33 =	vshll.u32 v48, $0x3;
	v8 =	vand.u32 $0xFFFFF07F, v8  }
0x1ed: {  	s25 =	sshll.u32 s17, $0x8;
	s9 =	sshll.u32 s17, $0x7;
	s28 =	sshll.u32 s4, $0x8;
	v34 =	vshrl.u32 v11, $0x2;
	v11 =	vand.u32 $0xFFFFF07F, v11;
	v35 =	vshrl.u32 v60, $0x2  }
0x1ee: {  	s4 =	sshll.u32 s4, $0x7;
	s30 =	sshll.u32 s24, $0x8;
	s0 =	sshrl.u32 s0, $0x1;
	v13 =	vand.u32 $0xFFFFF07F, v60;
	v36 =	vshrl.u32 v61, $0x2;
	v14 =	vand.u32 $0xFFFFF07F, v61  }
0x1ef: {  	s17 =	sadd.s32 $0x54, s19;
	s19 =	sshll.u32 s5, $0x8;
	s0 =	smul.u32 $0x4925, s0;
	v37 =	vshrl.u32 v41, $0x2;
	v18 =	vand.u32 $0xFFFFF07F, v41;
	v38 =	vshrl.u32 v42, $0x2  }
0x1f0: {  	s5 =	sshll.u32 s5, $0x7;
	s14 =	sand.u32 $0xF800, s14;
	s3 =	sand.u32 $0x380, s3;
	v19 =	vand.u32 $0xFFFFF07F, v42;
	v39 =	vshrl.u32 v45, $0x2;
	v22 =	vand.u32 $0xFFFFF07F, v45  }
0x1f1: {  	s6 =	sand.u32 $0x380, s6;
	s18 =	sor.u32 s3, s14;
	s0 =	sshrl.u32 s0, $0x11;
	v7 =	vand.u32 $0xC00, v7;
	v9 =	vand.u32 $0x380, v9;
	v12 =	vand.u32 $0xC00, v59  }
0x1f2: {  	s3 =	sshrl.u32 s8, $0x11;
	s20 =	sshll.u32 s11, $0x8;
	s12 =	sadd.s32 $0x54, s0;
	v15 =	vand.u32 $0xC00, v62;
	v17 =	vand.u32 $0xC00, v40;
	v20 =	vand.u32 $0xC00, v43  }
0x1f3: {  	s10 =	sand.u32 $0xF800, s20;
	s23 =	sshll.u32 s12, $0x8;
	s8 =	sshll.u32 s12, $0x7;
	v24 =	vand.u32 $0xC00, v47;
	v27 =	vand.u32 $0xC00, v27;
	v28 =	vand.u32 $0xC00, v28  }
0x1f4: {  	s6 =	sor.u32 s6, s10;
	s10 =	sand.u32 $0xF800, s23;
	s8 =	sand.u32 $0x380, s8;
	v53 =	vand.u32 $0x380, v29;
	v1 =	vor.u32 v7, v1;
	v7 =	vshll.u32 v3, $0x3  }
0x1f5: {  	s9 =	sand.u32 $0x380, s9;
	s8 =	sor.u32 s8, s10;
	s10 =	sand.u32 $0xF800, s25;
	v3 =	vand.u32 $0xFFFFF07F, v3;
	v6 =	vor.u32 v15, v6;
	v1 =	vor.u32 v9, v1  }
0x1f6: {  	s4 =	sand.u32 $0x380, s4;
	s9 =	sor.u32 s9, s10;
	s10 =	sand.u32 $0xF800, s28;
	v9 =	vand.u32 $0xC00, v10;
	v10 =	vshll.u32 v5, $0x3;
	v7 =	vand.u32 $0xC00, v7  }
0x1f7: {  	s5 =	sand.u32 $0x380, s5;
	s14 =	sshll.u32 s7, $0x8;
	s4 =	sor.u32 s4, s10;
	v5 =	vand.u32 $0xFFFFF07F, v5;
	v6 =	vor.u32 v53, v6;
	v3 =	vor.u32 v7, v3;
	v7 =	vld [tilespmem:s18+$0x1CD0]  }
0x1f8: {  	s7 =	sshll.u32 s7, $0x7;
	s11 =	sshll.u32 s24, $0x7;
	s3 =	sadd.s32 $0x54, s3;
	v54 =	vld [tilespmem:s4+$0x18C0];
	v10 =	vand.u32 $0xC00, v10;
	v2 =	vor.u32 v9, v2;
	v9 =	vand.u32 $0x380, v63  }
0x1f9: {  	s15 =	sand.u32 $0xF800, s14;
	s7 =	sand.u32 $0x380, s7;
	s11 =	sand.u32 $0x380, s11;
	v49 =	vld [tilespmem:s6+$0x1880];
	v5 =	vor.u32 v10, v5;
	v10 =	vand.u32 $0x380, v44;
	v2 =	vor.u32 v9, v2  }
0x1fa: {  	s16 =	sshll.u32 s3, $0x8;
	s3 =	sshll.u32 s3, $0x7;
	s20 =	sshll.u32 s17, $0x8;
	v50 =	vand.u32 $0x380, v46;
	v4 =	vor.u32 v12, v4;
	v9 =	vld [tilespmem:s6+$0x1890];
	v3 =	vor.u32 v10, v3  }
0x1fb: {  	s0 =	sshrl.u32 s13, $0x11;
	s13 =	sshll.u32 s26, $0x8;
	v30 =	vand.u32 $0xC00, v30;
	s10 =	sand.u32 $0xF800, s30;
	v51 =	vand.u32 $0x380, v26;
	v4 =	vor.u32 v50, v4;
	v10 =	vld [tilespmem:s8+$0x18A0]  }
0x1fc: {  	s3 =	sand.u32 $0x380, s3;
	s12 =	sshll.u32 s26, $0x7;
	v52 =	vld [tilespmem:s9+$0x18B0];
	s10 =	sor.u32 s11, s10;
	v8 =	vor.u32 v17, v8;
	v5 =	vor.u32 v51, v5;
	[tilespmem:v1+s22+$0x0] =	vst.idx.msk $0xffff, v7;
	v7 =	vand.u32 $0x380, v32  }
0x1fd: {  	s0 =	sadd.s32 $0x54, s0;
	s12 =	sand.u32 $0x380, s12;
	s23 =	sshll.u32 s17, $0x7;
	v31 =	vand.u32 $0xC00, v31;
	v33 =	vand.u32 $0xC00, v33;
	v55 =	vld [tilespmem:s10+$0x18D0];
	[tilespmem:v6+s22+$0x0] =	vst.idx.msk $0xffff, v54;
	v58 =	vor.u32 v7, v8  }
0x1fe: {  	s24 =	sshll.u32 s0, $0x8;
	s0 =	sshll.u32 s0, $0x7;
	v40 =	vshrl.u32 v48, $0x2;
	v57 =	vand.u32 $0x380, v34;
	v61 =	vand.u32 $0x380, v38;
	s11 =	sand.u32 $0xF800, s13;
	[tilespmem:v2+s22+$0x0] =	vst.idx.msk $0xffff, v49  }
0x1ff: {  	s25 =	sand.u32 $0xF800, s20;
	v62 =	vand.u32 $0x380, v39;
	v11 =	vor.u32 v20, v11;
	v13 =	vor.u32 v24, v13;
	s11 =	sor.u32 s12, s11;
	s18 =	sshll.u32 s1, $0x8;
	[tilespmem:v3+s22+$0x0] =	vst.idx.msk $0xffff, v9  }
0x200: {  	v56 =	vor.u32 v28, v18;
	v18 =	vor.u32 v57, v11;
	s1 =	sshll.u32 s1, $0x7;
	v59 =	vld [tilespmem:s11+$0x18E0];
	s6 =	sor.u32 s7, s15;
	s7 =	sand.u32 $0xF800, s16;
	v2 =	vand.u32 $0xFFFFF07F, v48;
	[tilespmem:v4+s22+$0x0] =	vst.idx.msk $0xffff, v10  }
0x201: {  	v19 =	vor.u32 v30, v19;
	s4 =	sand.u32 $0xF800, s18;
	s1 =	sand.u32 $0x380, s1;
	s3 =	sor.u32 s3, s7;
	v7 =	vld [tilespmem:s6+$0x18F0];
	v60 =	vor.u32 v33, v2;
	v2 =	vand.u32 $0x380, v35;
	[tilespmem:v5+s22+$0x0] =	vst.idx.msk $0xffff, v52  }
0x202: {  	s26 =	sand.u32 $0xF800, s24;
	v11 =	vand.u32 $0x380, v37;
	v63 =	vand.u32 $0x380, v40;
	s1 =	sor.u32 s1, s4;
	s4 =	sand.u32 $0xF800, s19;
	v8 =	vld [tilespmem:s3+$0x1C80];
	v5 =	vor.u32 v2, v13;
	[tilespmem:v58+s22+$0x0] =	vst.idx.msk $0xffff, v55  }
0x203: {  	s4 =	sor.u32 s5, s4;
	v6 =	vor.u32 v11, v56;
	v1 =	vor.u32 v27, v14;
	s3 =	sand.u32 $0x380, s23;
	v4 =	vand.u32 $0x380, v36;
	v9 =	vld [tilespmem:s1+$0x1C90];
	s28 =	rddreg [dreg:$0xa]  }
0x204: {  	s0 =	sand.u32 $0x380, s0;
	v3 =	vor.u32 v31, v22;
	v10 =	vld [tilespmem:s4+$0x1CA0];
	s1 =	sor.u32 s3, s25;
	v1 =	vor.u32 v4, v1;
	v2 =	vor.u32 v61, v19;
	s30 =	rddreg [dreg:$0x11]  }
0x205: {  	v11 =	vld [tilespmem:s1+$0x1CB0];
	s1 =	sor.u32 s0, s26;
	v4 =	vor.u32 v62, v3;
	v3 =	vor.u32 v63, v60;
	[tilespmem:v18+s22+$0x0] =	vst.idx.msk $0xffff, v59;
	s29 =	sadd.s32 s30, s28  }
.LBB2_11:
0x206: {  	s4 =	sadd.s32 $0x10, s2  }
0x207: {  	s6 =	sadd.s32 $0x11, s2;
	[tilespmem:v5+s22+$0x0] =	vst.idx.msk $0xffff, v7;
	v5 =	vld [tilespmem:s1+$0x1CC0];
	s1 =	smov.u32 s2;
	s2 =	sadd.s32 $0xE, s2  }
0x208: {  	s31 =	sadd.s32 $0xE0, s31;
	s7 =	sadd.s32 $0x12, s1;
	s10 =	sadd.s32 $0x13, s1  }
0x209: {  	s3 =	sadd.s32 $0x1B, s1;
	[tilespmem:v1+s22+$0x0] =	vst.idx.msk $0xffff, v8;
	s11 =	sadd.s32 $0x14, s1;
	s9 =	sadd.s32 $0x15, s1  }
0x20a: {  	s16 =	sadd.s32 $0x17, s1;
	s8 =	sadd.s32 $0x18, s1;
	s5 =	sand.u32 $0xFFFE, s3;
	[tilespmem:v6+s22+$0x0] =	vst.idx.msk $0xffff, v9  }
0x20b: {  	s13 =	sand.u32 $0xFFFE, s2;
	s3 =	sadd.s32 $0x16, s1;
	s5 =	sshrl.u32 s5, $0x1;
	v1 =	vld [tilespmem:s31+$0x60];
	[tilespmem:v2+s22+$0x0] =	vst.idx.msk $0xffff, v10  }
0x20c: {  	s18 =	sadd.s32 $0x1A, s1;
	s11 =	sand.u32 $0xFFFE, s11;
	v2 =	vld [tilespmem:s31+$0xFFFFFF90];
	s12 =	smul.u32 $0x4925, s5;
	[tilespmem:v4+s22+$0x0] =	vst.idx.msk $0xffff, v11  }
0x20d: {  	s11 =	sshrl.u32 s11, $0x1;
	s5 =	sadd.s32 $0x19, s1;
	s1 =	sand.u32 $0xFFFE, s4;
	v4 =	vld [tilespmem:s31+$0xFFFFFFA0];
	[tilespmem:v3+s22+$0x0] =	vst.idx.msk $0xffff, v5  }
0x20e: {  	s4 =	sand.u32 $0xFFFE, s6;
	s11 =	smul.u32 $0x4925, s11;
	v3 =	vld [tilespmem:s31+$0xFFFFFFB0];
	s6 =	sshrl.u32 s12, $0x11  }
0x20f: {  	s12 =	sshrl.u32 s13, $0x1;
	s13 =	sand.u32 $0xFFFE, s7;
	v5 =	vld [tilespmem:s31+$0xFFFFFFC0];
	s6 =	sadd.s32 $0x54, s6  }
0x210: {  	s1 =	sshrl.u32 s1, $0x1;
	v6 =	vld [tilespmem:s31+$0xFFFFFFD0];
	s7 =	sshll.u32 s6, $0x8;
	s14 =	sshll.u32 s6, $0x7;
	v7 =	vshll.u32 v1, $0x3  }
0x211: {  	s6 =	smul.u32 $0x4925, s12;
	v9 =	vshrl.u32 v1, $0x2;
	v1 =	vand.u32 $0xFFFFF07F, v1;
	v8 =	vld [tilespmem:s31+$0xFFFFFFE0];
	s7 =	sand.u32 $0xF800, s7;
	s12 =	sand.u32 $0x380, s14;
	v7 =	vand.u32 $0xC00, v7  }
0x212: {  	s4 =	sshrl.u32 s4, $0x1;
	s1 =	smul.u32 $0x4925, s1;
	v10 =	vshll.u32 v2, $0x3;
	v9 =	vand.u32 $0x380, v9;
	v11 =	vld [tilespmem:s31+$0xFFFFFFF0];
	s12 =	sor.u32 s12, s7;
	v1 =	vor.u32 v7, v1  }
0x213: {  	v7 =	vshll.u32 v4, $0x3;
	s7 =	smul.u32 $0x4925, s4;
	s4 =	sshrl.u32 s13, $0x1;
	s13 =	sand.u32 $0xFFFE, s10;
	v12 =	vshll.u32 v3, $0x3;
	v13 =	vld [tilespmem:s12+$0x1CD0];
	v9 =	vor.u32 v9, v1  }
0x214: {  	s9 =	sand.u32 $0xFFFE, s9;
	v10 =	vand.u32 $0xC00, v10;
	v7 =	vand.u32 $0xC00, v7;
	s10 =	smul.u32 $0x4925, s4;
	s4 =	sshrl.u32 s13, $0x1;
	v1 =	vshll.u32 v5, $0x3;
	v14 =	vld [tilespmem:s31+$0x0]  }
0x215: {  	s8 =	sand.u32 $0xFFFE, s8;
	s9 =	sshrl.u32 s9, $0x1;
	v12 =	vand.u32 $0xC00, v12;
	s4 =	smul.u32 $0x4925, s4;
	v15 =	vand.u32 $0xC00, v1;
	v16 =	vshll.u32 v6, $0x3;
	v17 =	vld [tilespmem:s31+$0x10]  }
0x216: {  	s3 =	sand.u32 $0xFFFE, s3;
	s8 =	sshrl.u32 s8, $0x1;
	s9 =	smul.u32 $0x4925, s9;
	v1 =	vshrl.u32 v2, $0x2;
	v16 =	vand.u32 $0xC00, v16;
	v18 =	vshll.u32 v8, $0x3;
	v19 =	vld [tilespmem:s31+$0x20]  }
0x217: {  	s3 =	sshrl.u32 s3, $0x1;
	s8 =	smul.u32 $0x4925, s8;
	s12 =	sand.u32 $0xFFFE, s16;
	v2 =	vand.u32 $0xFFFFF07F, v2;
	v18 =	vand.u32 $0xC00, v18;
	v20 =	vshll.u32 v11, $0x3;
	v21 =	vld [tilespmem:s31+$0x30]  }
0x218: {  	s3 =	smul.u32 $0x4925, s3;
	v22 =	vshrl.u32 v4, $0x2;
	v4 =	vand.u32 $0xFFFFF07F, v4;
	s12 =	sshrl.u32 s12, $0x1;
	v20 =	vand.u32 $0xC00, v20;
	v23 =	vld [tilespmem:s31+$0x40];
	[tilespmem:v9+s22+$0x0] =	vst.idx.msk $0xffff, v13  }
0x219: {  	p0 =	slt.u32 s2, $0x17A;
	s5 =	sand.u32 $0xFFFE, s5;
	s12 =	smul.u32 $0x4925, s12;
	v9 =	vshrl.u32 v3, $0x2;
	v3 =	vand.u32 $0xFFFFF07F, v3;
	v13 =	vshll.u32 v14, $0x3;
	v24 =	vld [tilespmem:s31+$0x50]  }
0x21a: {  	s5 =	sshrl.u32 s5, $0x1;
	s11 =	sshrl.u32 s11, $0x11;
	s13 =	sand.u32 $0xFFFE, s18;
	v25 =	vshrl.u32 v5, $0x2;
	v13 =	vand.u32 $0xC00, v13;
	v26 =	vshll.u32 v17, $0x3  }
0x21b: {  	s9 =	sshrl.u32 s9, $0x11;
	s5 =	smul.u32 $0x4925, s5;
	v5 =	vand.u32 $0xFFFFF07F, v5;
	s13 =	sshrl.u32 s13, $0x1;
	v26 =	vand.u32 $0xC00, v26;
	v27 =	vshll.u32 v19, $0x3  }
0x21c: {  	s1 =	sshrl.u32 s1, $0x11;
	s6 =	sshrl.u32 s6, $0x11;
	v28 =	vshrl.u32 v6, $0x2;
	s13 =	smul.u32 $0x4925, s13;
	v27 =	vand.u32 $0xC00, v27;
	v29 =	vshll.u32 v21, $0x3  }
0x21d: {  	s7 =	sshrl.u32 s7, $0x11;
	s10 =	sshrl.u32 s10, $0x11;
	v6 =	vand.u32 $0xFFFFF07F, v6;
	s4 =	sshrl.u32 s4, $0x11;
	v29 =	vand.u32 $0xC00, v29;
	v30 =	vshll.u32 v23, $0x3  }
0x21e: {  	s8 =	sshrl.u32 s8, $0x11;
	s3 =	sshrl.u32 s3, $0x11;
	s11 =	sadd.s32 $0x54, s11;
	v31 =	vshrl.u32 v8, $0x2;
	v30 =	vand.u32 $0xC00, v30;
	v32 =	vshll.u32 v24, $0x3  }
0x21f: {  	s9 =	sadd.s32 $0x54, s9;
	s5 =	sshrl.u32 s5, $0x11;
	v8 =	vand.u32 $0xFFFFF07F, v8;
	v33 =	vshrl.u32 v11, $0x2;
	s12 =	sshrl.u32 s12, $0x11;
	v32 =	vand.u32 $0xC00, v32  }
0x220: {  	s1 =	sadd.s32 $0x54, s1;
	s6 =	sadd.s32 $0x54, s6;
	v11 =	vand.u32 $0xFFFFF07F, v11;
	s13 =	sshrl.u32 s13, $0x11;
	v34 =	vshrl.u32 v14, $0x2;
	v14 =	vand.u32 $0xFFFFF07F, v14  }
0x221: {  	s7 =	sadd.s32 $0x54, s7;
	s15 =	sadd.s32 $0x54, s10;
	s4 =	sadd.s32 $0x54, s4;
	v35 =	vshrl.u32 v17, $0x2;
	v17 =	vand.u32 $0xFFFFF07F, v17;
	v36 =	vshrl.u32 v19, $0x2  }
0x222: {  	s23 =	sadd.s32 $0x54, s8;
	s3 =	sadd.s32 $0x54, s3;
	s8 =	sshll.u32 s9, $0x7;
	v19 =	vand.u32 $0xFFFFF07F, v19;
	v37 =	vshrl.u32 v21, $0x2;
	v21 =	vand.u32 $0xFFFFF07F, v21  }
0x223: {  	s28 =	sshll.u32 s1, $0x8;
	s10 =	sadd.s32 $0x54, s5;
	s12 =	sadd.s32 $0x54, s12;
	v38 =	vshrl.u32 v23, $0x2;
	v23 =	vand.u32 $0xFFFFF07F, v23;
	v39 =	vshrl.u32 v24, $0x2  }
0x224: {  	s24 =	sshll.u32 s6, $0x8;
	s25 =	sshll.u32 s6, $0x7;
	v4 =	vor.u32 v7, v4;
	v2 =	vor.u32 v10, v2;
	s26 =	sadd.s32 $0x54, s13;
	v7 =	vand.u32 $0xFFFFF07F, v24  }
0x225: {  	s30 =	sshll.u32 s1, $0x7;
	s16 =	sshll.u32 s3, $0x7;
	s20 =	sshll.u32 s7, $0x8;
	v5 =	vor.u32 v15, v5;
	v6 =	vor.u32 v16, v6;
	v3 =	vor.u32 v12, v3  }
0x226: {  	s0 =	sshll.u32 s7, $0x7;
	s14 =	sshll.u32 s15, $0x8;
	s15 =	sshll.u32 s15, $0x7;
	v8 =	vor.u32 v18, v8;
	v10 =	vor.u32 v20, v11;
	v11 =	vor.u32 v13, v14  }
0x227: {  	s6 =	sshll.u32 s11, $0x8;
	s18 =	sshll.u32 s4, $0x8;
	s19 =	sshll.u32 s4, $0x7;
	v12 =	vor.u32 v26, v17;
	v13 =	vor.u32 v27, v19;
	v14 =	vor.u32 v29, v21  }
0x228: {  	v1 =	vand.u32 $0x380, v1;
	s7 =	sshll.u32 s9, $0x8;
	s5 =	sshll.u32 s23, $0x7;
	s13 =	sshll.u32 s11, $0x7;
	v15 =	vor.u32 v30, v23;
	v7 =	vor.u32 v32, v7  }
0x229: {  	v16 =	vand.u32 $0x380, v22;
	s9 =	sshll.u32 s10, $0x8;
	s11 =	sshll.u32 s3, $0x8;
	v9 =	vand.u32 $0x380, v9;
	s1 =	sshll.u32 s12, $0x8;
	v17 =	vand.u32 $0x380, v25  }
0x22a: {  	s20 =	sand.u32 $0xF800, s20;
	v18 =	vand.u32 $0x380, v28;
	s3 =	sshll.u32 s23, $0x8;
	v20 =	vand.u32 $0x380, v33;
	s17 =	sshll.u32 s12, $0x7;
	v19 =	vand.u32 $0x380, v31  }
0x22b: {  	s0 =	sand.u32 $0x380, s0;
	s4 =	sand.u32 $0xF800, s24;
	s12 =	sand.u32 $0x380, s25;
	v22 =	vand.u32 $0x380, v35;
	v21 =	vand.u32 $0x380, v34;
	v23 =	vand.u32 $0x380, v36  }
0x22c: {  	s4 =	sor.u32 s12, s4;
	s12 =	sshll.u32 s10, $0x7;
	s10 =	sshll.u32 s26, $0x8;
	v24 =	vand.u32 $0x380, v37;
	v25 =	vand.u32 $0x380, v38;
	v26 =	vand.u32 $0x380, v39  }
0x22d: {  	v28 =	vor.u32 v1, v2;
	v16 =	vor.u32 v16, v4;
	s23 =	sand.u32 $0xF800, s28;
	s24 =	sand.u32 $0x380, s30;
	v9 =	vor.u32 v9, v3;
	s26 =	sshll.u32 s26, $0x7;
	v27 =	vld [tilespmem:s4+$0x1880]  }
0x22e: {  	s0 =	sor.u32 s0, s20;
	v18 =	vor.u32 v18, v6;
	v17 =	vor.u32 v17, v5;
	v19 =	vor.u32 v19, v8;
	v29 =	vld [tilespmem:s4+$0x1890];
	s4 =	sor.u32 s24, s23  }
0x22f: {  	v20 =	vor.u32 v20, v10;
	s1 =	sand.u32 $0xF800, s1;
	v1 =	vor.u32 v22, v12;
	v5 =	vor.u32 v21, v11;
	v8 =	vld [tilespmem:s4+$0x18A0];
	s4 =	sand.u32 $0xF800, s14;
	s14 =	sand.u32 $0x380, s15  }
0x230: {  	v2 =	vor.u32 v24, v14;
	v6 =	vor.u32 v23, v13;
	v4 =	vor.u32 v25, v15;
	v10 =	vld [tilespmem:s0+$0x18B0];
	s0 =	sor.u32 s14, s4;
	s4 =	sand.u32 $0xF800, s18;
	s14 =	sand.u32 $0x380, s19  }
0x231: {  	v3 =	vor.u32 v26, v7;
	v11 =	vld [tilespmem:s0+$0x18C0];
	s0 =	sor.u32 s14, s4;
	s4 =	sand.u32 $0xF800, s6;
	s6 =	sand.u32 $0x380, s13  }
0x232: {  	[tilespmem:v28+s22+$0x0] =	vst.idx.msk $0xffff, v27;
	v12 =	vld [tilespmem:s0+$0x18D0];
	s0 =	sor.u32 s6, s4;
	s4 =	sand.u32 $0xF800, s7;
	s6 =	sand.u32 $0x380, s8  }
0x233: {  	[tilespmem:v16+s22+$0x0] =	vst.idx.msk $0xffff, v29;
	v13 =	vld [tilespmem:s0+$0x18E0];
	s0 =	sor.u32 s6, s4;
	s4 =	sand.u32 $0xF800, s11;
	s6 =	sand.u32 $0x380, s16  }
.Ltmp4:
0x234: {  	[tilespmem:v9+s22+$0x0] =	vst.idx.msk $0xffff, v8;
	v7 =	vld [tilespmem:s0+$0x18F0];
	s0 =	sor.u32 s6, s4;
	s4 =	sand.u32 $0x380, s17;
	(pc) =	sbr.rel @p0 .LBB2_11-.Ltmp4, $4  }
0x235: {  	[tilespmem:v17+s22+$0x0] =	vst.idx.msk $0xffff, v10;
	v8 =	vld [tilespmem:s0+$0x1C80];
	s0 =	sor.u32 s4, s1;
	s1 =	sand.u32 $0xF800, s3;
	s3 =	sand.u32 $0x380, s5  }
0x236: {  	[tilespmem:v18+s22+$0x0] =	vst.idx.msk $0xffff, v11;
	v9 =	vld [tilespmem:s0+$0x1C90];
	s0 =	sor.u32 s3, s1;
	s1 =	sand.u32 $0xF800, s9;
	s3 =	sand.u32 $0x380, s12  }
0x237: {  	[tilespmem:v19+s22+$0x0] =	vst.idx.msk $0xffff, v12;
	v10 =	vld [tilespmem:s0+$0x1CA0];
	s0 =	sor.u32 s3, s1;
	s1 =	sand.u32 $0xF800, s10;
	s3 =	sand.u32 $0x380, s26  }
0x238: {  	[tilespmem:v20+s22+$0x0] =	vst.idx.msk $0xffff, v13;
	v11 =	vld [tilespmem:s0+$0x1CB0];
	s1 =	sor.u32 s3, s1  }
0x239: {  	_ =	sdelay $0x3  }
0x23a: {  	[tilespmem:v5+s22+$0x0] =	vst.idx.msk $0xffff, v7;
	v5 =	vld [tilespmem:s1+$0x1CC0]  }
0x23b: {  	[tilespmem:v1+s22+$0x0] =	vst.idx.msk $0xffff, v8  }
0x23c: {  	[tilespmem:v6+s22+$0x0] =	vst.idx.msk $0xffff, v9  }
0x23d: {  	[tilespmem:v2+s22+$0x0] =	vst.idx.msk $0xffff, v10  }
0x23e: {  	[tilespmem:v4+s22+$0x0] =	vst.idx.msk $0xffff, v11  }
0x23f: {  	s19 =	rddreg [dreg:$0x12];
	[tilespmem:v3+s22+$0x0] =	vst.idx.msk $0xffff, v5  }
0x240: {  	p0 =	seq.s32 s19, $0xB;
	s0 =	rddreg [dreg:$0x15]  }
0x241: {  	s10 =	simm.s32 $0x0;
	s0 =	smul.u32 @!p0 $0xE000, s0  }
0x242: {  	[hbm4b:s29+s10] =	stream.linear.scatter [tilespmem:s22], [sflag:$0x4], $0x8000, $0x38;
	[tilespmem:$0x1F880] =	vst v63  }
0x243: {  	s1 =	rddreg [dreg:$0x0];
	s0 =	sshrl.u32 @!p0 s0, $0x3  }
0x244: {  	s11 =	simm.s32 $0x2;
	s2 =	simm.s32 @!p0 $0x1880;
	s0 =	sadd.s32 @!p0 s1, s0  }
0x245: {  	s1 =	simm.s32 @!p0 $0x0;
	[dreg:$0x13] =	wrdreg s0;
	s0 =	sadd.s32 @!p0 $0x1C00, s0  }
0x246: {  	[tilespmem:s2], [sflag:$0x1] =	stream.linear.gather @!p0 [hbm4b:s0+s1], $0x7000, $0x38;
	[tilespmem:$0x1F880] =	vst v63  }
0x247: {  	_ =	swait.ge [sflag:s11], $0x7000  }
0x248: {  	[sflag:s11] =	ssyncset.done $0x0  }
0x249: {  	s12 =	simm.s32 $0x3;
	[sflag:s11] =	ssyncadd.s32 $0xFFFF9000  }
0x24a: {  	_ =	swait.ge [sflag:s12], $0x8000  }
0x24b: {  	[sflag:s12] =	ssyncset.done $0x0  }
0x24c: {  	s2 =	simm.s32 $0x70;
	[sflag:s12] =	ssyncadd.s32 $0xFFFF8000  }
0x24d: {  	v1 =	vld [tilespmem:s2+$0x60]  }
0x24e: {  	s31 =	simm.s32 $0x0;
	s13 =	simm.s32 $0x2;
	v2 =	vld [tilespmem:s2+$0xFFFFFF90]  }
0x24f: {  	s3 =	simm.s32 $0x3;
	s4 =	simm.s32 $0x4;
	s6 =	simm.s32 $0x5;
	v3 =	vld [tilespmem:s2+$0xFFFFFFA0]  }
0x250: {  	s14 =	simm.s32 $0xD;
	s8 =	simm.s32 $0x6;
	s5 =	simm.s32 $0x9;
	v5 =	vld [tilespmem:s2+$0xFFFFFFB0]  }
0x251: {  	s18 =	simm.s32 $0xB;
	s9 =	sand.u32 $0xFFFE, s31;
	s3 =	sand.u32 $0xFFFE, s3;
	v6 =	vld [tilespmem:s2+$0xFFFFFFC0]  }
0x252: {  	s4 =	sand.u32 $0xFFFE, s4;
	s20 =	sand.u32 $0xFFFE, s6;
	s15 =	sshrl.u32 s9, $0x1;
	v7 =	vld [tilespmem:s2+$0xFFFFFFD0]  }
0x253: {  	s24 =	sand.u32 $0xFFFE, s8;
	s3 =	sshrl.u32 s3, $0x1;
	s15 =	smul.u32 $0x4925, s15;
	v8 =	vld [tilespmem:s2+$0xFFFFFFE0]  }
0x254: {  	s17 =	sshrl.u32 s4, $0x1;
	s23 =	sshrl.u32 s20, $0x1;
	s9 =	smul.u32 $0x4925, s3;
	v11 =	vld [tilespmem:s2+$0xFFFFFFF0]  }
0x255: {  	s4 =	sshrl.u32 s24, $0x1;
	s3 =	smul.u32 $0x4925, s23;
	s10 =	simm.s32 $0x7;
	v15 =	vld [tilespmem:s2+$0x10]  }
0x256: {  	s20 =	sshrl.u32 s15, $0xA;
	s29 =	simm.s32 $0x0;
	s25 =	sand.u32 $0xFFFE, s10;
	v18 =	vld [tilespmem:s2+$0x20];
	v4 =	vshll.u32 v1, $0x3  }
0x257: {  	s26 =	sshrl.u32 s25, $0x1;
	s25 =	sand.u32 $0x380, s20;
	s1 =	sand.u32 $0xFFFE, s14;
	v20 =	vld [tilespmem:s2+$0x30];
	v9 =	vshrl.u32 v1, $0x2;
	v1 =	vand.u32 $0xFFFFF07F, v1;
	v10 =	vshll.u32 v2, $0x3  }
0x258: {  	s6 =	smul.u32 $0x4925, s26;
	s0 =	simm.s32 $0xC;
	s7 =	sshrl.u32 s1, $0x1;
	v22 =	vld [tilespmem:s2+$0x40];
	v12 =	vshll.u32 v3, $0x3;
	v13 =	vshll.u32 v5, $0x3;
	v14 =	vshll.u32 v7, $0x3  }
0x259: {  	s1 =	simm.s32 $0xA;
	s0 =	sand.u32 $0xFFFE, s0;
	s7 =	smul.u32 $0x4925, s7;
	v25 =	vld [tilespmem:s2+$0x50];
	v16 =	vshrl.u32 v2, $0x2;
	v17 =	vshll.u32 v8, $0x3;
	v2 =	vand.u32 $0xFFFFF07F, v2  }
0x25a: {  	s23 =	sand.u32 $0xFFFE, s1;
	s0 =	sshrl.u32 s0, $0x1;
	s11 =	simm.s32 $0x8;
	v19 =	vshll.u32 v11, $0x3;
	v21 =	vshrl.u32 v3, $0x2;
	v3 =	vand.u32 $0xFFFFF07F, v3  }
0x25b: {  	s0 =	smul.u32 $0x4925, s0;
	s14 =	sshrl.u32 s7, $0xA;
	s28 =	sand.u32 $0xFFFE, s11;
	v23 =	vshrl.u32 v5, $0x2;
	v5 =	vand.u32 $0xFFFFF07F, v5;
	v26 =	vshrl.u32 v6, $0x2  }
0x25c: {  	s11 =	sand.u32 $0xFFFE, s5;
	s30 =	sand.u32 $0x380, s14;
	s8 =	sshrl.u32 s28, $0x1;
	v27 =	vshll.u32 v15, $0x3;
	v28 =	vshll.u32 v18, $0x3;
	v29 =	vshrl.u32 v7, $0x2  }
0x25d: {  	s12 =	sand.u32 $0xFFFE, s13;
	s13 =	sshrl.u32 s7, $0x9;
	s7 =	smul.u32 $0x4925, s17;
	v30 =	vshll.u32 v20, $0x3;
	v7 =	vand.u32 $0xFFFFF07F, v7;
	v31 =	vshll.u32 v22, $0x3  }
0x25e: {  	s14 =	sshrl.u32 s15, $0x9;
	s15 =	sshrl.u32 s3, $0x9;
	s17 =	smul.u32 $0x4925, s4;
	v32 =	vshrl.u32 v8, $0x2;
	v33 =	vshll.u32 v25, $0x3;
	v8 =	vand.u32 $0xFFFFF07F, v8  }
0x25f: {  	s5 =	smul.u32 $0x4925, s8;
	s24 =	sand.u32 $0x3800, s14;
	s14 =	sand.u32 $0xFFFE, s18;
	v34 =	vshrl.u32 v11, $0x2;
	v11 =	vand.u32 $0xFFFFF07F, v11;
	v36 =	vshrl.u32 v15, $0x2  }
0x260: {  	s18 =	sshrl.u32 s3, $0xA;
	s13 =	sand.u32 $0x7800, s13;
	s16 =	sshrl.u32 s12, $0x1;
	v15 =	vand.u32 $0xFFFFF07F, v15;
	v37 =	vshrl.u32 v18, $0x2;
	v18 =	vand.u32 $0xFFFFF07F, v18  }
0x261: {  	s1 =	sor.u32 s25, s24;
	s12 =	smul.u32 $0x4925, s16;
	s16 =	sor.u32 s30, s13;
	v38 =	vshrl.u32 v20, $0x2;
	v20 =	vand.u32 $0xFFFFF07F, v20;
	v39 =	vshrl.u32 v22, $0x2  }
0x262: {  	s13 =	sshrl.u32 s11, $0x1;
	s11 =	sshrl.u32 s23, $0x1;
	s23 =	sand.u32 $0x380, s18;
	v22 =	vand.u32 $0xFFFFF07F, v22;
	v41 =	vshrl.u32 v25, $0x2;
	v4 =	vand.u32 $0xC00, v4  }
0x263: {  	s24 =	sshrl.u32 s17, $0x9;
	s25 =	sshrl.u32 s17, $0xA;
	s8 =	smul.u32 $0x4925, s13;
	v9 =	vand.u32 $0x380, v9;
	v13 =	vand.u32 $0xC00, v13;
	v14 =	vand.u32 $0xC00, v14  }
0x264: {  	s13 =	sshrl.u32 s7, $0x9;
	s7 =	sshrl.u32 s7, $0xA;
	s20 =	smul.u32 $0x4925, s11;
	v17 =	vand.u32 $0xC00, v17;
	v19 =	vand.u32 $0xC00, v19;
	v27 =	vand.u32 $0xC00, v27  }
0x265: {  	s11 =	sand.u32 $0x7800, s24;
	s26 =	sshrl.u32 s12, $0x9;
	s12 =	sshrl.u32 s12, $0xA;
	v28 =	vand.u32 $0xC00, v28;
	v30 =	vand.u32 $0xC00, v30;
	v31 =	vand.u32 $0xC00, v31  }
0x266: {  	s30 =	sand.u32 $0x380, s12;
	s12 =	sshrl.u32 s9, $0x9;
	s9 =	sshrl.u32 s9, $0xA;
	v33 =	vand.u32 $0xC00, v33;
	v58 =	vand.u32 $0x380, v34;
	v60 =	vand.u32 $0x380, v36  }
0x267: {  	s7 =	sand.u32 $0x380, s7;
	s4 =	sand.u32 $0x7800, s12;
	s9 =	sand.u32 $0x380, s9;
	v61 =	vand.u32 $0x380, v37;
	v62 =	vand.u32 $0x380, v38;
	v63 =	vand.u32 $0x380, v39  }
0x268: {  	s28 =	sand.u32 $0x7800, s26;
	s26 =	sshrl.u32 s6, $0x9;
	s9 =	sor.u32 s9, s4;
	v1 =	vor.u32 v4, v1;
	v13 =	vor.u32 v13, v5;
	v14 =	vor.u32 v14, v7  }
0x269: {  	s6 =	sshrl.u32 s6, $0xA;
	s17 =	sshrl.u32 s20, $0x9;
	s3 =	sshrl.u32 s20, $0xA;
	v17 =	vor.u32 v17, v8;
	v19 =	vor.u32 v19, v11;
	v15 =	vor.u32 v27, v15;
	v5 =	vld [tilespmem:s9+$0x88B0]  }
0x26a: {  	s10 =	sor.u32 s30, s28;
	s12 =	sshrl.u32 s14, $0x1;
	s6 =	sand.u32 $0x380, s6;
	v27 =	vor.u32 v28, v18;
	v4 =	vor.u32 v9, v1;
	v9 =	vand.u32 $0xC00, v12;
	v12 =	vld [tilespmem:s2+$0x0]  }
0x26b: {  	s30 =	sshrl.u32 s5, $0x9;
	s5 =	sshrl.u32 s5, $0xA;
	s14 =	sshrl.u32 s8, $0x9;
	v1 =	vand.u32 $0xC00, v10;
	v42 =	vor.u32 v9, v3;
	v9 =	vand.u32 $0xFFFFF07F, v25;
	v25 =	vld [tilespmem:s16+$0x8CD0]  }
0x26c: {  	s8 =	sshrl.u32 s8, $0xA;
	s3 =	sand.u32 $0x380, s3;
	s4 =	sand.u32 $0x7800, s13;
	v56 =	vor.u32 v30, v20;
	v57 =	vor.u32 v31, v22;
	v40 =	vor.u32 v1, v2;
	v1 =	vld [tilespmem:s1+$0x8880]  }
0x26d: {  	s13 =	sand.u32 $0x380, s25;
	s4 =	sor.u32 s7, s4;
	s7 =	sand.u32 $0x7800, s15;
	v11 =	vand.u32 $0x380, v21;
	v18 =	vand.u32 $0x380, v26;
	v20 =	vand.u32 $0x380, v29;
	v2 =	vld [tilespmem:s1+$0x8890]  }
0x26e: {  	s5 =	sand.u32 $0x380, s5;
	s25 =	sshrl.u32 s0, $0x9;
	v26 =	vand.u32 $0x380, v32;
	v10 =	vshll.u32 v6, $0x3;
	v6 =	vand.u32 $0xFFFFF07F, v6;
	s7 =	sor.u32 s23, s7;
	v3 =	vld [tilespmem:s10+$0x88A0]  }
0x26f: {  	s11 =	sor.u32 s13, s11;
	s13 =	sand.u32 $0x7800, s26;
	s15 =	sand.u32 $0x7800, s14;
	v20 =	vor.u32 v20, v14;
	v19 =	vor.u32 v58, v19;
	v10 =	vand.u32 $0xC00, v10;
	v8 =	vld [tilespmem:s7+$0x88D0]  }
0x270: {  	s26 =	sshrl.u32 s0, $0xA;
	s28 =	sor.u32 s6, s13;
	s13 =	smul.u32 $0x4925, s12;
	v43 =	vor.u32 v10, v6;
	v10 =	vand.u32 $0x380, v16;
	v16 =	vand.u32 $0x380, v23;
	v6 =	vld [tilespmem:s4+$0x88C0]  }
0x271: {  	s6 =	sand.u32 $0x7800, s30;
	s23 =	sadd.s32 $0x1, s19;
	v14 =	vor.u32 v62, v56;
	s16 =	sand.u32 $0x380, s8;
	v7 =	vor.u32 v33, v9;
	v9 =	vld [tilespmem:s11+$0x88E0];
	v22 =	vor.u32 v16, v13  }
0x272: {  	v21 =	vand.u32 $0x380, v41;
	s5 =	sor.u32 s5, s6;
	s6 =	sand.u32 $0x7800, s17;
	s4 =	sor.u32 s16, s15;
	v23 =	vor.u32 v18, v43;
	v18 =	vor.u32 v26, v17;
	[tilespmem:v4+s21+$0x0] =	vst.idx.msk $0xffff, v25;
	v4 =	vld [tilespmem:s28+$0x88F0]  }
0x273: {  	s18 =	sshrl.u32 s13, $0x9;
	s20 =	sshrl.u32 s13, $0xA;
	v16 =	vor.u32 v60, v15;
	v24 =	vshll.u32 v12, $0x3;
	v25 =	vor.u32 v10, v40;
	v10 =	vld [tilespmem:s5+$0x8C80];
	[dreg:$0x14] =	wrdreg s23  }
0x274: {  	s1 =	sand.u32 $0x7800, s18;
	s24 =	sand.u32 $0x380, s20;
	v35 =	vshrl.u32 v12, $0x2;
	v12 =	vand.u32 $0xFFFFF07F, v12;
	v24 =	vand.u32 $0xC00, v24;
	s28 =	rddreg [dreg:$0xb]  }
0x275: {  	s3 =	sor.u32 s3, s6;
	s1 =	sor.u32 s24, s1;
	v59 =	vand.u32 $0x380, v35;
	v12 =	vor.u32 v24, v12;
	v24 =	vor.u32 v11, v42;
	s30 =	rddreg [dreg:$0x11];
	v11 =	vld [tilespmem:s4+$0x8C90]  }
0x276: {  	v15 =	vor.u32 v61, v27;
	s5 =	sand.u32 $0x380, s26;
	v17 =	vor.u32 v59, v12;
	v13 =	vld [tilespmem:s3+$0x8CA0];
	s0 =	sadd.s32 s30, s28;
	v12 =	vor.u32 v63, v57;
	s3 =	sand.u32 $0x7800, s25  }
.LBB2_13:
0x277: {  	v26 =	vld [tilespmem:s1+$0x8CB0];
	s1 =	sor.u32 s5, s3  }
0x278: {  	v7 =	vor.u32 v21, v7;
	s4 =	smov.u32 s31;
	s31 =	sadd.s32 $0xE, s31;
	s2 =	sadd.s32 $0xE0, s2  }
0x279: {  	s6 =	sadd.s32 $0x10, s4;
	s8 =	sadd.s32 $0x11, s4;
	[tilespmem:v25+s21+$0x0] =	vst.idx.msk $0xffff, v1;
	v1 =	vld [tilespmem:s1+$0x8CC0];
	s9 =	sadd.s32 $0x12, s4  }
0x27a: {  	s3 =	sadd.s32 $0x13, s4;
	s5 =	sadd.s32 $0x1B, s4;
	s7 =	sadd.s32 $0x14, s4;
	v21 =	vld [tilespmem:s2+$0x60];
	[tilespmem:v24+s21+$0x0] =	vst.idx.msk $0xffff, v2  }
0x27b: {  	s1 =	sadd.s32 $0x15, s4;
	s26 =	sadd.s32 $0x16, s4;
	s5 =	sand.u32 $0xFFFE, s5;
	v2 =	vld [tilespmem:s2+$0xFFFFFF90];
	[tilespmem:v22+s21+$0x0] =	vst.idx.msk $0xffff, v3  }
0x27c: {  	s16 =	sadd.s32 $0x17, s4;
	s18 =	sadd.s32 $0x19, s4;
	s10 =	sshrl.u32 s5, $0x1;
	v22 =	vld [tilespmem:s2+$0xFFFFFFA0];
	[tilespmem:v23+s21+$0x0] =	vst.idx.msk $0xffff, v5  }
0x27d: {  	s11 =	sand.u32 $0xFFFE, s31;
	s5 =	sadd.s32 $0x18, s4;
	s10 =	smul.u32 $0x4925, s10;
	v5 =	vld [tilespmem:s2+$0xFFFFFFB0];
	[tilespmem:v20+s21+$0x0] =	vst.idx.msk $0xffff, v6  }
0x27e: {  	s19 =	sadd.s32 $0x1A, s4;
	p1 =	slt.u32 s31, $0x17A;
	s6 =	sand.u32 $0xFFFE, s6;
	v6 =	vld [tilespmem:s2+$0xFFFFFFC0];
	[tilespmem:v18+s21+$0x0] =	vst.idx.msk $0xffff, v8  }
0x27f: {  	s4 =	sand.u32 $0xFFFE, s8;
	s8 =	sshrl.u32 s10, $0x9;
	s10 =	sshrl.u32 s10, $0xA;
	v8 =	vld [tilespmem:s2+$0xFFFFFFD0];
	v3 =	vshll.u32 v21, $0x3;
	[tilespmem:v19+s21+$0x0] =	vst.idx.msk $0xffff, v9  }
0x280: {  	s11 =	sshrl.u32 s11, $0x1;
	s12 =	sand.u32 $0x7800, s8;
	s10 =	sand.u32 $0x380, s10;
	v18 =	vshrl.u32 v21, $0x2;
	v19 =	vand.u32 $0xFFFFF07F, v21;
	v9 =	vld [tilespmem:s2+$0xFFFFFFE0];
	v3 =	vand.u32 $0xC00, v3;
	[tilespmem:v17+s21+$0x0] =	vst.idx.msk $0xffff, v4  }
0x281: {  	s6 =	sshrl.u32 s6, $0x1;
	s8 =	smul.u32 $0x4925, s11;
	v4 =	vshll.u32 v2, $0x3;
	s10 =	sor.u32 s10, s12;
	v18 =	vand.u32 $0x380, v18;
	v17 =	vld [tilespmem:s2+$0xFFFFFFF0];
	v3 =	vor.u32 v3, v19;
	[tilespmem:v16+s21+$0x0] =	vst.idx.msk $0xffff, v10  }
0x282: {  	s9 =	sand.u32 $0xFFFE, s9;
	s6 =	smul.u32 $0x4925, s6;
	s4 =	sshrl.u32 s4, $0x1;
	v10 =	vshll.u32 v22, $0x3;
	v16 =	vshll.u32 v5, $0x3;
	v19 =	vld [tilespmem:s10+$0x8CD0];
	v18 =	vor.u32 v18, v3;
	[tilespmem:v15+s21+$0x0] =	vst.idx.msk $0xffff, v11  }
0x283: {  	s17 =	smul.u32 $0x4925, s4;
	s4 =	sshrl.u32 s9, $0x1;
	s9 =	sand.u32 $0xFFFE, s3;
	v4 =	vand.u32 $0xC00, v4;
	v10 =	vand.u32 $0xC00, v10;
	v3 =	vshll.u32 v6, $0x3;
	v11 =	vld [tilespmem:s2+$0x0];
	[tilespmem:v14+s21+$0x0] =	vst.idx.msk $0xffff, v13  }
0x284: {  	s3 =	smul.u32 $0x4925, s4;
	s4 =	sshrl.u32 s9, $0x1;
	s9 =	sand.u32 $0xFFFE, s7;
	v13 =	vand.u32 $0xC00, v16;
	v14 =	vand.u32 $0xC00, v3;
	v15 =	vshll.u32 v8, $0x3;
	v16 =	vld [tilespmem:s2+$0x10];
	[tilespmem:v12+s21+$0x0] =	vst.idx.msk $0xffff, v26  }
0x285: {  	s7 =	smul.u32 $0x4925, s4;
	s4 =	sshrl.u32 s9, $0x1;
	s9 =	sand.u32 $0xFFFE, s1;
	v3 =	vshrl.u32 v2, $0x2;
	v12 =	vand.u32 $0xC00, v15;
	v15 =	vshll.u32 v9, $0x3;
	v20 =	vld [tilespmem:s2+$0x20];
	[tilespmem:v7+s21+$0x0] =	vst.idx.msk $0xffff, v1  }
0x286: {  	s1 =	smul.u32 $0x4925, s4;
	s4 =	sshrl.u32 s9, $0x1;
	s9 =	sand.u32 $0xFFFE, s26;
	v1 =	vand.u32 $0xFFFFF07F, v2;
	v2 =	vand.u32 $0xC00, v15;
	v7 =	vshll.u32 v17, $0x3;
	v15 =	vld [tilespmem:s2+$0x30]  }
0x287: {  	v21 =	vshrl.u32 v22, $0x2;
	v22 =	vand.u32 $0xFFFFF07F, v22;
	s10 =	smul.u32 $0x4925, s4;
	s4 =	sshrl.u32 s9, $0x1;
	s9 =	sand.u32 $0xFFFE, s16;
	v7 =	vand.u32 $0xC00, v7;
	v23 =	vld [tilespmem:s2+$0x40];
	[tilespmem:v18+s21+$0x0] =	vst.idx.msk $0xffff, v19  }
0x288: {  	s5 =	sand.u32 $0xFFFE, s5;
	s4 =	smul.u32 $0x4925, s4;
	s9 =	sshrl.u32 s9, $0x1;
	v18 =	vshrl.u32 v5, $0x2;
	v5 =	vand.u32 $0xFFFFF07F, v5;
	v19 =	vshll.u32 v11, $0x3;
	v24 =	vld [tilespmem:s2+$0x50]  }
0x289: {  	s5 =	sshrl.u32 s5, $0x1;
	v25 =	vshrl.u32 v6, $0x2;
	s16 =	smul.u32 $0x4925, s9;
	s9 =	sand.u32 $0xFFFE, s18;
	v19 =	vand.u32 $0xC00, v19;
	v26 =	vshll.u32 v16, $0x3  }
0x28a: {  	s23 =	smul.u32 $0x4925, s5;
	v6 =	vand.u32 $0xFFFFF07F, v6;
	s5 =	sshrl.u32 s9, $0x1;
	s9 =	sand.u32 $0xFFFE, s19;
	v26 =	vand.u32 $0xC00, v26;
	v27 =	vshll.u32 v20, $0x3  }
0x28b: {  	s25 =	sshrl.u32 s6, $0x9;
	v28 =	vshrl.u32 v8, $0x2;
	s18 =	smul.u32 $0x4925, s5;
	s5 =	sshrl.u32 s9, $0x1;
	v27 =	vand.u32 $0xC00, v27;
	v29 =	vshll.u32 v15, $0x3  }
0x28c: {  	s24 =	sshrl.u32 s8, $0xA;
	v8 =	vand.u32 $0xFFFFF07F, v8;
	s19 =	sshrl.u32 s8, $0x9;
	s26 =	smul.u32 $0x4925, s5;
	v29 =	vand.u32 $0xC00, v29;
	v30 =	vshll.u32 v23, $0x3  }
0x28d: {  	s28 =	sshrl.u32 s6, $0xA;
	s20 =	sshrl.u32 s17, $0x9;
	s30 =	sshrl.u32 s17, $0xA;
	v31 =	vshrl.u32 v9, $0x2;
	v30 =	vand.u32 $0xC00, v30;
	v32 =	vshll.u32 v24, $0x3  }
0x28e: {  	s14 =	sshrl.u32 s3, $0x9;
	s15 =	sshrl.u32 s3, $0xA;
	s6 =	sshrl.u32 s23, $0xA;
	v9 =	vand.u32 $0xFFFFF07F, v9;
	v33 =	vshrl.u32 v17, $0x2;
	v32 =	vand.u32 $0xC00, v32  }
0x28f: {  	s12 =	sshrl.u32 s7, $0x9;
	s13 =	sshrl.u32 s7, $0xA;
	s7 =	sshrl.u32 s1, $0x9;
	v17 =	vand.u32 $0xFFFFF07F, v17;
	v34 =	vshrl.u32 v11, $0x2;
	v11 =	vand.u32 $0xFFFFF07F, v11  }
0x290: {  	s11 =	sshrl.u32 s1, $0xA;
	s9 =	sshrl.u32 s10, $0x9;
	s10 =	sshrl.u32 s10, $0xA;
	v35 =	vshrl.u32 v16, $0x2;
	v16 =	vand.u32 $0xFFFFF07F, v16;
	v36 =	vshrl.u32 v20, $0x2  }
0x291: {  	s1 =	sshrl.u32 s4, $0x9;
	s3 =	sshrl.u32 s4, $0xA;
	s8 =	sshrl.u32 s16, $0x9;
	v20 =	vand.u32 $0xFFFFF07F, v20;
	v37 =	vshrl.u32 v15, $0x2;
	v15 =	vand.u32 $0xFFFFF07F, v15  }
0x292: {  	s20 =	sand.u32 $0x7800, s20;
	s17 =	sshrl.u32 s16, $0xA;
	s5 =	sshrl.u32 s23, $0x9;
	v38 =	vshrl.u32 v23, $0x2;
	v23 =	vand.u32 $0xFFFFF07F, v23;
	v39 =	vshrl.u32 v24, $0x2  }
0x293: {  	v10 =	vor.u32 v10, v22;
	s4 =	sand.u32 $0x3800, s19;
	s19 =	sand.u32 $0x380, s24;
	v4 =	vor.u32 v4, v1;
	s16 =	sshrl.u32 s18, $0x9;
	v22 =	vand.u32 $0xFFFFF07F, v24  }
0x294: {  	v14 =	vor.u32 v14, v6;
	v12 =	vor.u32 v12, v8;
	s4 =	sor.u32 s19, s4;
	v13 =	vor.u32 v13, v5;
	s19 =	sshrl.u32 s18, $0xA;
	s18 =	sshrl.u32 s26, $0x9  }
0x295: {  	s24 =	sand.u32 $0x380, s28;
	s23 =	sand.u32 $0x7800, s25;
	v40 =	vor.u32 v2, v9;
	v17 =	vor.u32 v7, v17;
	s26 =	sshrl.u32 s26, $0xA;
	v11 =	vor.u32 v19, v11;
	v1 =	vld [tilespmem:s4+$0x8880]  }
0x296: {  	s14 =	sand.u32 $0x7800, s14;
	v16 =	vor.u32 v26, v16;
	v26 =	vor.u32 v27, v20;
	v27 =	vor.u32 v29, v15;
	v2 =	vld [tilespmem:s4+$0x8890];
	s4 =	sor.u32 s24, s23;
	s23 =	sand.u32 $0x380, s30  }
0x297: {  	s15 =	sand.u32 $0x380, s15;
	s12 =	sand.u32 $0x7800, s12;
	v15 =	vand.u32 $0x380, v3;
	v29 =	vor.u32 v30, v23;
	v7 =	vor.u32 v32, v22;
	v3 =	vld [tilespmem:s4+$0x88A0];
	s4 =	sor.u32 s23, s20  }
0x298: {  	s13 =	sand.u32 $0x380, s13;
	s7 =	sand.u32 $0x7800, s7;
	v18 =	vand.u32 $0x380, v18;
	v19 =	vand.u32 $0x380, v21;
	v20 =	vand.u32 $0x380, v25;
	v5 =	vld [tilespmem:s4+$0x88B0];
	s4 =	sor.u32 s15, s14  }
0x299: {  	s11 =	sand.u32 $0x380, s11;
	v28 =	vand.u32 $0x380, v28;
	s1 =	sand.u32 $0x7800, s1;
	v30 =	vand.u32 $0x380, v31;
	v31 =	vand.u32 $0x380, v33;
	v6 =	vld [tilespmem:s4+$0x88C0];
	s4 =	sor.u32 s13, s12  }
0x29a: {  	v33 =	vand.u32 $0x380, v35;
	v32 =	vand.u32 $0x380, v34;
	v34 =	vand.u32 $0x380, v36;
	v8 =	vld [tilespmem:s4+$0x88D0];
	s4 =	sor.u32 s11, s7;
	s7 =	sand.u32 $0x7800, s9;
	s9 =	sand.u32 $0x380, s10  }
.Ltmp5:
0x29b: {  	s3 =	sand.u32 $0x380, s3;
	v35 =	vand.u32 $0x380, v37;
	v21 =	vand.u32 $0x380, v39;
	v36 =	vand.u32 $0x380, v38;
	v9 =	vld [tilespmem:s4+$0x88E0];
	s4 =	sor.u32 s9, s7;
	(pc) =	sbr.rel @p1 .LBB2_13-.Ltmp5, $4  }
0x29c: {  	s1 =	sor.u32 s3, s1;
	s3 =	sand.u32 $0x7800, s8;
	v24 =	vor.u32 v19, v10;
	v25 =	vor.u32 v15, v4;
	v22 =	vor.u32 v18, v13;
	v4 =	vld [tilespmem:s4+$0x88F0];
	s4 =	sand.u32 $0x380, s17  }
0x29d: {  	v23 =	vor.u32 v20, v14;
	v20 =	vor.u32 v28, v12;
	v18 =	vor.u32 v30, v40;
	v10 =	vld [tilespmem:s1+$0x8C80];
	s1 =	sor.u32 s4, s3;
	s3 =	sand.u32 $0x7800, s5;
	s4 =	sand.u32 $0x380, s6  }
0x29e: {  	v19 =	vor.u32 v31, v17;
	v16 =	vor.u32 v33, v16;
	v17 =	vor.u32 v32, v11;
	v11 =	vld [tilespmem:s1+$0x8C90];
	s1 =	sor.u32 s4, s3;
	s3 =	sand.u32 $0x7800, s16;
	s4 =	sand.u32 $0x380, s19  }
0x29f: {  	v14 =	vor.u32 v35, v27;
	v15 =	vor.u32 v34, v26;
	v12 =	vor.u32 v36, v29;
	s5 =	sand.u32 $0x380, s26;
	v13 =	vld [tilespmem:s1+$0x8CA0];
	s1 =	sor.u32 s4, s3;
	s3 =	sand.u32 $0x7800, s18  }
0x2a0: {  	_ =	sdelay $0x3  }
0x2a1: {  	[tilespmem:v25+s21+$0x0] =	vst.idx.msk $0xffff, v1  }
0x2a2: {  	[tilespmem:v24+s21+$0x0] =	vst.idx.msk $0xffff, v2  }
0x2a3: {  	[tilespmem:v22+s21+$0x0] =	vst.idx.msk $0xffff, v3  }
0x2a4: {  	[tilespmem:v23+s21+$0x0] =	vst.idx.msk $0xffff, v5  }
0x2a5: {  	[tilespmem:v20+s21+$0x0] =	vst.idx.msk $0xffff, v6  }
0x2a6: {  	[tilespmem:v18+s21+$0x0] =	vst.idx.msk $0xffff, v8  }
0x2a7: {  	v1 =	vld [tilespmem:s1+$0x8CB0];
	s20 =	sor.u32 s5, s3;
	[tilespmem:v19+s21+$0x0] =	vst.idx.msk $0xffff, v9  }
0x2a8: {  	v2 =	vor.u32 v21, v7;
	v3 =	vld [tilespmem:s20+$0x8CC0];
	[tilespmem:v17+s21+$0x0] =	vst.idx.msk $0xffff, v4  }
0x2a9: {  	[tilespmem:v16+s21+$0x0] =	vst.idx.msk $0xffff, v10  }
0x2aa: {  	s23 =	simm.s32 $0x4;
	s31 =	simm.s32 $0x70;
	[tilespmem:v15+s21+$0x0] =	vst.idx.msk $0xffff, v11  }
0x2ab: {  	s2 =	simm.s32 $0x0;
	s24 =	simm.s32 $0x2;
	s25 =	simm.s32 $0x3;
	[tilespmem:v14+s21+$0x0] =	vst.idx.msk $0xffff, v13  }
0x2ac: {  	s26 =	simm.s32 $0xD;
	s4 =	simm.s32 $0x4;
	s28 =	simm.s32 $0x5;
	[tilespmem:v12+s21+$0x0] =	vst.idx.msk $0xffff, v1  }
0x2ad: {  	s6 =	simm.s32 $0x6;
	s7 =	simm.s32 $0x7;
	s8 =	simm.s32 $0x8;
	[tilespmem:v2+s21+$0x0] =	vst.idx.msk $0xffff, v3  }
0x2ae: {  	[hbm4b:s0+s29] =	stream.linear.scatter [tilespmem:s21], [sflag:$0x3], $0x8000, $0x38;
	[tilespmem:$0x1F880] =	vst v63  }
0x2af: {  	s9 =	simm.s32 $0x9;
	s10 =	simm.s32 $0xA;
	_ =	swait.ge [sflag:s23], $0x8000  }
0x2b0: {  	s12 =	simm.s32 $0xB;
	s3 =	sand.u32 $0xFFFE, s26;
	[sflag:s23] =	ssyncset.done $0x0  }
0x2b1: {  	s11 =	sand.u32 $0xFFFE, s2;
	s3 =	sshrl.u32 s3, $0x1;
	[sflag:s23] =	ssyncadd.s32 $0xFFFF8000  }
0x2b2: {  	s1 =	sand.u32 $0xFFFE, s25;
	s11 =	sshrl.u32 s11, $0x1;
	s3 =	smul.u32 $0x4925, s3;
	v1 =	vld [tilespmem:s31+$0x60]  }
0x2b3: {  	s4 =	sand.u32 $0xFFFE, s4;
	s1 =	sshrl.u32 s1, $0x1;
	s11 =	smul.u32 $0x4925, s11;
	v2 =	vld [tilespmem:s31+$0xFFFFFF90]  }
0x2b4: {  	s5 =	sand.u32 $0xFFFE, s28;
	s4 =	sshrl.u32 s4, $0x1;
	s1 =	smul.u32 $0x4925, s1;
	v3 =	vld [tilespmem:s31+$0xFFFFFFA0]  }
0x2b5: {  	s6 =	sand.u32 $0xFFFE, s6;
	s5 =	sshrl.u32 s5, $0x1;
	s4 =	smul.u32 $0x4925, s4;
	v4 =	vld [tilespmem:s31+$0xFFFFFFB0]  }
0x2b6: {  	s7 =	sand.u32 $0xFFFE, s7;
	s6 =	sshrl.u32 s6, $0x1;
	s5 =	smul.u32 $0x4925, s5;
	v5 =	vld [tilespmem:s31+$0xFFFFFFC0]  }
0x2b7: {  	s8 =	sand.u32 $0xFFFE, s8;
	s7 =	sshrl.u32 s7, $0x1;
	s6 =	smul.u32 $0x4925, s6;
	v6 =	vld [tilespmem:s31+$0xFFFFFFD0]  }
0x2b8: {  	s9 =	sand.u32 $0xFFFE, s9;
	s8 =	sshrl.u32 s8, $0x1;
	s7 =	smul.u32 $0x4925, s7;
	v8 =	vld [tilespmem:s31+$0xFFFFFFE0]  }
0x2b9: {  	s10 =	sand.u32 $0xFFFE, s10;
	s9 =	sshrl.u32 s9, $0x1;
	s8 =	smul.u32 $0x4925, s8;
	v11 =	vld [tilespmem:s31+$0xFFFFFFF0]  }
0x2ba: {  	s12 =	sand.u32 $0xFFFE, s12;
	s10 =	sshrl.u32 s10, $0x1;
	s9 =	smul.u32 $0x4925, s9;
	v60 =	vld [tilespmem:s31+$0x0]  }
0x2bb: {  	s13 =	simm.s32 $0xC;
	s12 =	sshrl.u32 s12, $0x1;
	s10 =	smul.u32 $0x4925, s10;
	v61 =	vld [tilespmem:s31+$0x10]  }
0x2bc: {  	s13 =	sand.u32 $0xFFFE, s13;
	s12 =	smul.u32 $0x4925, s12;
	s3 =	sshrl.u32 s3, $0x11;
	v42 =	vld [tilespmem:s31+$0x20]  }
0x2bd: {  	s11 =	sshrl.u32 s11, $0x11;
	s30 =	sshrl.u32 s1, $0x11;
	s4 =	sshrl.u32 s4, $0x11;
	v43 =	vld [tilespmem:s31+$0x30];
	v7 =	vshll.u32 v1, $0x3;
	v9 =	vshrl.u32 v1, $0x2;
	v1 =	vand.u32 $0xFFFFF07F, v1  }
0x2be: {  	s15 =	sshrl.u32 s5, $0x11;
	s16 =	sshrl.u32 s6, $0x11;
	s7 =	sshrl.u32 s7, $0x11;
	v46 =	vld [tilespmem:s31+$0x40];
	v10 =	vshll.u32 v2, $0x3;
	v59 =	vshll.u32 v4, $0x3;
	v62 =	vshll.u32 v6, $0x3  }
0x2bf: {  	s1 =	sshrl.u32 s9, $0x11;
	s5 =	sshrl.u32 s10, $0x11;
	s19 =	sshrl.u32 s12, $0x11;
	v49 =	vld [tilespmem:s31+$0x50];
	v63 =	vshrl.u32 v2, $0x2;
	v41 =	vshll.u32 v8, $0x3;
	v2 =	vand.u32 $0xFFFFF07F, v2  }
0x2c0: {  	s3 =	sadd.s32 $0x1C, s3;
	s12 =	sadd.s32 $0x1C, s11;
	s4 =	sadd.s32 $0x1C, s4;
	v44 =	vshll.u32 v11, $0x3;
	v45 =	vshrl.u32 v3, $0x2;
	v47 =	vshrl.u32 v4, $0x2  }
0x2c1: {  	s26 =	sadd.s32 $0x1C, s15;
	s7 =	sadd.s32 $0x1C, s7;
	s1 =	sadd.s32 $0x1C, s1;
	v48 =	vshll.u32 v60, $0x3;
	v4 =	vand.u32 $0xFFFFF07F, v4;
	v26 =	vshrl.u32 v5, $0x2  }
0x2c2: {  	s5 =	sadd.s32 $0x1C, s5;
	s0 =	sand.u32 $0xFFFE, s24;
	s14 =	sshll.u32 s3, $0x8;
	v27 =	vshll.u32 v61, $0x3;
	v28 =	vshll.u32 v42, $0x3;
	v29 =	vshrl.u32 v6, $0x2  }
0x2c3: {  	s3 =	sshll.u32 s3, $0x7;
	s29 =	sshrl.u32 s13, $0x1;
	s24 =	sshll.u32 s12, $0x8;
	v30 =	vshll.u32 v43, $0x3;
	v6 =	vand.u32 $0xFFFFF07F, v6;
	v31 =	vshll.u32 v46, $0x3  }
0x2c4: {  	s6 =	sshll.u32 s12, $0x7;
	s11 =	sshll.u32 s26, $0x7;
	s15 =	sshll.u32 s7, $0x8;
	v32 =	vshrl.u32 v8, $0x2;
	v33 =	vshll.u32 v49, $0x3;
	v8 =	vand.u32 $0xFFFFF07F, v8  }
0x2c5: {  	s7 =	sshll.u32 s7, $0x7;
	s0 =	sshrl.u32 s0, $0x1;
	s14 =	sand.u32 $0xF800, s14;
	v34 =	vshrl.u32 v11, $0x2;
	v11 =	vand.u32 $0xFFFFF07F, v11;
	v35 =	vshrl.u32 v60, $0x2  }
0x2c6: {  	s3 =	sand.u32 $0x380, s3;
	s13 =	smul.u32 $0x4925, s29;
	s10 =	sand.u32 $0x7800, s24;
	v13 =	vand.u32 $0xFFFFF07F, v60;
	v36 =	vshrl.u32 v61, $0x2;
	v14 =	vand.u32 $0xFFFFF07F, v61  }
0x2c7: {  	s6 =	sand.u32 $0x380, s6;
	s29 =	sadd.s32 $0x1C, s16;
	s0 =	smul.u32 $0x4925, s0;
	v37 =	vshrl.u32 v42, $0x2;
	v18 =	vand.u32 $0xFFFFF07F, v42;
	v38 =	vshrl.u32 v43, $0x2  }
0x2c8: {  	s11 =	sand.u32 $0x380, s11;
	s18 =	sor.u32 s3, s14;
	s3 =	sshrl.u32 s8, $0x11;
	v19 =	vand.u32 $0xFFFFF07F, v43;
	v39 =	vshrl.u32 v46, $0x2;
	v22 =	vand.u32 $0xFFFFF07F, v46  }
0x2c9: {  	s6 =	sor.u32 s6, s10;
	s23 =	sadd.s32 $0x1C, s30;
	s0 =	sshrl.u32 s0, $0x11;
	v40 =	vshrl.u32 v49, $0x2;
	v7 =	vand.u32 $0xC00, v7;
	v9 =	vand.u32 $0x380, v9  }
0x2ca: {  	s30 =	sshll.u32 s4, $0x8;
	s4 =	sshll.u32 s4, $0x7;
	s17 =	sadd.s32 $0x1C, s0;
	v12 =	vand.u32 $0xC00, v59;
	v15 =	vand.u32 $0xC00, v62;
	v17 =	vand.u32 $0xC00, v41  }
0x2cb: {  	s28 =	sshll.u32 s23, $0x8;
	s25 =	sshll.u32 s17, $0x8;
	s8 =	sshll.u32 s17, $0x7;
	v20 =	vand.u32 $0xC00, v44;
	v24 =	vand.u32 $0xC00, v48;
	v27 =	vand.u32 $0xC00, v27  }
0x2cc: {  	s9 =	sshll.u32 s23, $0x7;
	s10 =	sand.u32 $0xF800, s25;
	s8 =	sand.u32 $0x380, s8;
	v54 =	vand.u32 $0x380, v29;
	v1 =	vor.u32 v7, v1;
	v7 =	vshll.u32 v3, $0x3  }
0x2cd: {  	s9 =	sand.u32 $0x380, s9;
	s8 =	sor.u32 s8, s10;
	s10 =	sand.u32 $0xF800, s28;
	v3 =	vand.u32 $0xFFFFF07F, v3;
	v6 =	vor.u32 v15, v6;
	v1 =	vor.u32 v9, v1  }
0x2ce: {  	s4 =	sand.u32 $0x380, s4;
	s9 =	sor.u32 s9, s10;
	s10 =	sand.u32 $0xF800, s30;
	v9 =	vand.u32 $0xC00, v10;
	v10 =	vshll.u32 v5, $0x3;
	v7 =	vand.u32 $0xC00, v7  }
0x2cf: {  	s16 =	sand.u32 $0xF800, s15;
	s7 =	sand.u32 $0x380, s7;
	s4 =	sor.u32 s4, s10;
	v5 =	vand.u32 $0xFFFFF07F, v5;
	v6 =	vor.u32 v54, v6;
	v3 =	vor.u32 v7, v3;
	v7 =	vld [tilespmem:s18+$0x8CD0]  }
0x2d0: {  	s14 =	sshll.u32 s29, $0x8;
	s12 =	sshll.u32 s29, $0x7;
	s20 =	sshrl.u32 s13, $0x11;
	v55 =	vld [tilespmem:s4+$0x88C0];
	v10 =	vand.u32 $0xC00, v10;
	v2 =	vor.u32 v9, v2;
	v9 =	vand.u32 $0x380, v63  }
0x2d1: {  	s13 =	sshll.u32 s26, $0x8;
	s3 =	sadd.s32 $0x1C, s3;
	s12 =	sand.u32 $0x380, s12;
	v50 =	vld [tilespmem:s6+$0x8880];
	v5 =	vor.u32 v10, v5;
	v10 =	vand.u32 $0x380, v45;
	v2 =	vor.u32 v9, v2  }
0x2d2: {  	s0 =	sadd.s32 $0x1C, s20;
	s20 =	sshll.u32 s5, $0x8;
	s5 =	sshll.u32 s5, $0x7;
	v51 =	vand.u32 $0x380, v47;
	v4 =	vor.u32 v12, v4;
	v9 =	vld [tilespmem:s6+$0x8890];
	v3 =	vor.u32 v10, v3  }
0x2d3: {  	s17 =	sshll.u32 s3, $0x8;
	s3 =	sshll.u32 s3, $0x7;
	v28 =	vand.u32 $0xC00, v28;
	s10 =	sand.u32 $0xF800, s13;
	v52 =	vand.u32 $0x380, v26;
	v4 =	vor.u32 v51, v4;
	v10 =	vld [tilespmem:s8+$0x88A0]  }
0x2d4: {  	s5 =	sand.u32 $0x380, s5;
	s3 =	sand.u32 $0x380, s3;
	v53 =	vld [tilespmem:s9+$0x88B0];
	s10 =	sor.u32 s11, s10;
	v8 =	vor.u32 v17, v8;
	v5 =	vor.u32 v52, v5;
	[tilespmem:v1+s22+$0x0] =	vst.idx.msk $0xffff, v7;
	v7 =	vand.u32 $0x380, v32  }
0x2d5: {  	s25 =	sshll.u32 s0, $0x8;
	s0 =	sshll.u32 s0, $0x7;
	v30 =	vand.u32 $0xC00, v30;
	v31 =	vand.u32 $0xC00, v31;
	s11 =	sand.u32 $0xF800, s14;
	v56 =	vld [tilespmem:s10+$0x88D0];
	[tilespmem:v6+s22+$0x0] =	vst.idx.msk $0xffff, v55;
	v59 =	vor.u32 v7, v8  }
0x2d6: {  	s28 =	sand.u32 $0xF800, s25;
	v33 =	vand.u32 $0xC00, v33;
	v58 =	vand.u32 $0x380, v34;
	v11 =	vor.u32 v20, v11;
	s11 =	sor.u32 s12, s11;
	s18 =	sadd.s32 $0x1C, s19;
	[tilespmem:v2+s22+$0x0] =	vst.idx.msk $0xffff, v50  }
0x2d7: {  	v62 =	vand.u32 $0x380, v38;
	v13 =	vor.u32 v24, v13;
	v57 =	vor.u32 v28, v18;
	s19 =	sshll.u32 s1, $0x8;
	s1 =	sshll.u32 s1, $0x7;
	s6 =	sor.u32 s7, s16;
	[tilespmem:v3+s22+$0x0] =	vst.idx.msk $0xffff, v9  }
0x2d8: {  	v19 =	vor.u32 v30, v19;
	v18 =	vor.u32 v58, v11;
	v60 =	vld [tilespmem:s11+$0x88E0];
	s7 =	sand.u32 $0xF800, s17;
	s4 =	sand.u32 $0xF800, s19;
	s1 =	sand.u32 $0x380, s1;
	v2 =	vand.u32 $0xFFFFF07F, v49;
	[tilespmem:v4+s22+$0x0] =	vst.idx.msk $0xffff, v10  }
0x2d9: {  	v11 =	vand.u32 $0x380, v37;
	s23 =	sshll.u32 s18, $0x8;
	s24 =	sshll.u32 s18, $0x7;
	s3 =	sor.u32 s3, s7;
	v7 =	vld [tilespmem:s6+$0x88F0];
	v61 =	vor.u32 v33, v2;
	v2 =	vand.u32 $0x380, v35;
	[tilespmem:v5+s22+$0x0] =	vst.idx.msk $0xffff, v53  }
0x2da: {  	s1 =	sor.u32 s1, s4;
	s4 =	sand.u32 $0xF800, s20;
	s26 =	sand.u32 $0xF800, s23;
	v1 =	vor.u32 v27, v14;
	v8 =	vld [tilespmem:s3+$0x8C80];
	v4 =	vand.u32 $0x380, v36;
	v5 =	vor.u32 v2, v13;
	[tilespmem:v59+s22+$0x0] =	vst.idx.msk $0xffff, v56  }
0x2db: {  	v63 =	vand.u32 $0x380, v39;
	s4 =	sor.u32 s5, s4;
	v6 =	vor.u32 v11, v57;
	s3 =	sand.u32 $0x380, s24;
	v9 =	vld [tilespmem:s1+$0x8C90];
	v1 =	vor.u32 v4, v1;
	s29 =	rddreg [dreg:$0xc]  }
0x2dc: {  	s0 =	sand.u32 $0x380, s0;
	v3 =	vor.u32 v31, v22;
	v10 =	vld [tilespmem:s4+$0x8CA0];
	s1 =	sor.u32 s3, s26;
	v4 =	vand.u32 $0x380, v40;
	v2 =	vor.u32 v62, v19;
	s30 =	rddreg [dreg:$0x11]  }
0x2dd: {  	v11 =	vld [tilespmem:s1+$0x8CB0];
	s1 =	sor.u32 s0, s28;
	v3 =	vor.u32 v63, v3;
	v4 =	vor.u32 v4, v61;
	[tilespmem:v18+s22+$0x0] =	vst.idx.msk $0xffff, v60;
	s0 =	sadd.s32 s30, s29  }
.LBB2_15:
0x2de: {  	s4 =	sadd.s32 $0x10, s2;
	s6 =	sadd.s32 $0x11, s2  }
0x2df: {  	[tilespmem:v5+s22+$0x0] =	vst.idx.msk $0xffff, v7;
	v5 =	vld [tilespmem:s1+$0x8CC0];
	s1 =	smov.u32 s2;
	s2 =	sadd.s32 $0xE, s2;
	s31 =	sadd.s32 $0xE0, s31  }
0x2e0: {  	s7 =	sadd.s32 $0x12, s1;
	s10 =	sadd.s32 $0x13, s1;
	s3 =	sadd.s32 $0x1B, s1;
	[tilespmem:v1+s22+$0x0] =	vst.idx.msk $0xffff, v8  }
0x2e1: {  	s11 =	sadd.s32 $0x14, s1;
	s9 =	sadd.s32 $0x15, s1;
	s5 =	sand.u32 $0xFFFE, s3;
	[tilespmem:v6+s22+$0x0] =	vst.idx.msk $0xffff, v9  }
0x2e2: {  	s16 =	sadd.s32 $0x17, s1;
	s3 =	sadd.s32 $0x16, s1;
	s5 =	sshrl.u32 s5, $0x1;
	v1 =	vld [tilespmem:s31+$0x60];
	[tilespmem:v2+s22+$0x0] =	vst.idx.msk $0xffff, v10  }
0x2e3: {  	s8 =	sadd.s32 $0x18, s1;
	s13 =	sand.u32 $0xFFFE, s2;
	v2 =	vld [tilespmem:s31+$0xFFFFFF90];
	s12 =	smul.u32 $0x4925, s5;
	[tilespmem:v3+s22+$0x0] =	vst.idx.msk $0xffff, v11  }
0x2e4: {  	s18 =	sadd.s32 $0x1A, s1;
	p1 =	slt.u32 s2, $0x17A;
	s5 =	sadd.s32 $0x19, s1;
	v3 =	vld [tilespmem:s31+$0xFFFFFFA0];
	[tilespmem:v4+s22+$0x0] =	vst.idx.msk $0xffff, v5  }
0x2e5: {  	s1 =	sand.u32 $0xFFFE, s4;
	s4 =	sand.u32 $0xFFFE, s6;
	v4 =	vld [tilespmem:s31+$0xFFFFFFB0];
	s6 =	sshrl.u32 s12, $0x11  }
0x2e6: {  	s12 =	sshrl.u32 s13, $0x1;
	s13 =	sand.u32 $0xFFFE, s7;
	v5 =	vld [tilespmem:s31+$0xFFFFFFC0];
	s6 =	sadd.s32 $0x1C, s6  }
0x2e7: {  	s1 =	sshrl.u32 s1, $0x1;
	v6 =	vld [tilespmem:s31+$0xFFFFFFD0];
	s7 =	sshll.u32 s6, $0x8;
	s14 =	sshll.u32 s6, $0x7;
	v7 =	vshll.u32 v1, $0x3  }
0x2e8: {  	s6 =	smul.u32 $0x4925, s12;
	v9 =	vshrl.u32 v1, $0x2;
	v1 =	vand.u32 $0xFFFFF07F, v1;
	v8 =	vld [tilespmem:s31+$0xFFFFFFE0];
	s7 =	sand.u32 $0xF800, s7;
	s12 =	sand.u32 $0x380, s14;
	v7 =	vand.u32 $0xC00, v7  }
0x2e9: {  	s4 =	sshrl.u32 s4, $0x1;
	s1 =	smul.u32 $0x4925, s1;
	v10 =	vshll.u32 v2, $0x3;
	v9 =	vand.u32 $0x380, v9;
	v11 =	vld [tilespmem:s31+$0xFFFFFFF0];
	s12 =	sor.u32 s12, s7;
	v1 =	vor.u32 v7, v1  }
0x2ea: {  	v7 =	vshll.u32 v3, $0x3;
	s7 =	smul.u32 $0x4925, s4;
	s4 =	sshrl.u32 s13, $0x1;
	s13 =	sand.u32 $0xFFFE, s10;
	v12 =	vshll.u32 v4, $0x3;
	v13 =	vld [tilespmem:s12+$0x8CD0];
	v9 =	vor.u32 v9, v1  }
0x2eb: {  	s11 =	sand.u32 $0xFFFE, s11;
	v10 =	vand.u32 $0xC00, v10;
	v7 =	vand.u32 $0xC00, v7;
	s10 =	smul.u32 $0x4925, s4;
	s4 =	sshrl.u32 s13, $0x1;
	v1 =	vshll.u32 v5, $0x3;
	v14 =	vld [tilespmem:s31+$0x0]  }
0x2ec: {  	s9 =	sand.u32 $0xFFFE, s9;
	s11 =	sshrl.u32 s11, $0x1;
	v12 =	vand.u32 $0xC00, v12;
	s4 =	smul.u32 $0x4925, s4;
	v15 =	vand.u32 $0xC00, v1;
	v16 =	vshll.u32 v6, $0x3;
	v17 =	vld [tilespmem:s31+$0x10]  }
0x2ed: {  	s9 =	sshrl.u32 s9, $0x1;
	s3 =	sand.u32 $0xFFFE, s3;
	s11 =	smul.u32 $0x4925, s11;
	v1 =	vshrl.u32 v2, $0x2;
	v16 =	vand.u32 $0xC00, v16;
	v18 =	vshll.u32 v8, $0x3;
	v19 =	vld [tilespmem:s31+$0x20]  }
0x2ee: {  	s9 =	smul.u32 $0x4925, s9;
	s3 =	sshrl.u32 s3, $0x1;
	s12 =	sand.u32 $0xFFFE, s16;
	v2 =	vand.u32 $0xFFFFF07F, v2;
	v18 =	vand.u32 $0xC00, v18;
	v20 =	vshll.u32 v11, $0x3;
	v21 =	vld [tilespmem:s31+$0x30]  }
0x2ef: {  	s8 =	sand.u32 $0xFFFE, s8;
	s3 =	smul.u32 $0x4925, s3;
	v22 =	vshrl.u32 v3, $0x2;
	v3 =	vand.u32 $0xFFFFF07F, v3;
	s12 =	sshrl.u32 s12, $0x1;
	v20 =	vand.u32 $0xC00, v20;
	v23 =	vld [tilespmem:s31+$0x40];
	[tilespmem:v9+s22+$0x0] =	vst.idx.msk $0xffff, v13  }
0x2f0: {  	s8 =	sshrl.u32 s8, $0x1;
	s5 =	sand.u32 $0xFFFE, s5;
	s12 =	smul.u32 $0x4925, s12;
	v9 =	vshrl.u32 v4, $0x2;
	v4 =	vand.u32 $0xFFFFF07F, v4;
	v13 =	vshll.u32 v14, $0x3;
	v24 =	vld [tilespmem:s31+$0x50]  }
0x2f1: {  	s8 =	smul.u32 $0x4925, s8;
	s5 =	sshrl.u32 s5, $0x1;
	s13 =	sand.u32 $0xFFFE, s18;
	v25 =	vshrl.u32 v5, $0x2;
	v13 =	vand.u32 $0xC00, v13;
	v26 =	vshll.u32 v17, $0x3  }
0x2f2: {  	s11 =	sshrl.u32 s11, $0x11;
	s5 =	smul.u32 $0x4925, s5;
	v5 =	vand.u32 $0xFFFFF07F, v5;
	s13 =	sshrl.u32 s13, $0x1;
	v26 =	vand.u32 $0xC00, v26;
	v27 =	vshll.u32 v19, $0x3  }
0x2f3: {  	s1 =	sshrl.u32 s1, $0x11;
	s6 =	sshrl.u32 s6, $0x11;
	v28 =	vshrl.u32 v6, $0x2;
	s13 =	smul.u32 $0x4925, s13;
	v27 =	vand.u32 $0xC00, v27;
	v29 =	vshll.u32 v21, $0x3  }
0x2f4: {  	s7 =	sshrl.u32 s7, $0x11;
	s10 =	sshrl.u32 s10, $0x11;
	v6 =	vand.u32 $0xFFFFF07F, v6;
	s4 =	sshrl.u32 s4, $0x11;
	v29 =	vand.u32 $0xC00, v29;
	v30 =	vshll.u32 v23, $0x3  }
0x2f5: {  	s9 =	sshrl.u32 s9, $0x11;
	s8 =	sshrl.u32 s8, $0x11;
	s3 =	sshrl.u32 s3, $0x11;
	v31 =	vshrl.u32 v8, $0x2;
	v30 =	vand.u32 $0xC00, v30;
	v32 =	vshll.u32 v24, $0x3  }
0x2f6: {  	s11 =	sadd.s32 $0x1C, s11;
	s5 =	sshrl.u32 s5, $0x11;
	v8 =	vand.u32 $0xFFFFF07F, v8;
	v33 =	vshrl.u32 v11, $0x2;
	s12 =	sshrl.u32 s12, $0x11;
	v32 =	vand.u32 $0xC00, v32  }
0x2f7: {  	s1 =	sadd.s32 $0x1C, s1;
	s6 =	sadd.s32 $0x1C, s6;
	v11 =	vand.u32 $0xFFFFF07F, v11;
	s13 =	sshrl.u32 s13, $0x11;
	v34 =	vshrl.u32 v14, $0x2;
	v14 =	vand.u32 $0xFFFFF07F, v14  }
0x2f8: {  	s7 =	sadd.s32 $0x1C, s7;
	s15 =	sadd.s32 $0x1C, s10;
	s4 =	sadd.s32 $0x1C, s4;
	v35 =	vshrl.u32 v17, $0x2;
	v17 =	vand.u32 $0xFFFFF07F, v17;
	v36 =	vshrl.u32 v19, $0x2  }
0x2f9: {  	s9 =	sadd.s32 $0x1C, s9;
	s23 =	sadd.s32 $0x1C, s8;
	s3 =	sadd.s32 $0x1C, s3;
	v19 =	vand.u32 $0xFFFFF07F, v19;
	v37 =	vshrl.u32 v21, $0x2;
	v21 =	vand.u32 $0xFFFFF07F, v21  }
0x2fa: {  	s8 =	sshll.u32 s9, $0x7;
	s10 =	sadd.s32 $0x1C, s5;
	s12 =	sadd.s32 $0x1C, s12;
	v38 =	vshrl.u32 v23, $0x2;
	v23 =	vand.u32 $0xFFFFF07F, v23;
	v39 =	vshrl.u32 v24, $0x2  }
0x2fb: {  	s24 =	sshll.u32 s6, $0x8;
	s25 =	sshll.u32 s6, $0x7;
	v3 =	vor.u32 v7, v3;
	v2 =	vor.u32 v10, v2;
	s26 =	sadd.s32 $0x1C, s13;
	v7 =	vand.u32 $0xFFFFF07F, v24  }
0x2fc: {  	s28 =	sshll.u32 s1, $0x8;
	s30 =	sshll.u32 s1, $0x7;
	s20 =	sshll.u32 s7, $0x8;
	v5 =	vor.u32 v15, v5;
	v6 =	vor.u32 v16, v6;
	v4 =	vor.u32 v12, v4  }
0x2fd: {  	s29 =	sshll.u32 s7, $0x7;
	s14 =	sshll.u32 s15, $0x8;
	s15 =	sshll.u32 s15, $0x7;
	v8 =	vor.u32 v18, v8;
	v10 =	vor.u32 v20, v11;
	v11 =	vor.u32 v13, v14  }
0x2fe: {  	s6 =	sshll.u32 s11, $0x8;
	s18 =	sshll.u32 s4, $0x8;
	s19 =	sshll.u32 s4, $0x7;
	v12 =	vor.u32 v26, v17;
	v13 =	vor.u32 v27, v19;
	v14 =	vor.u32 v29, v21  }
0x2ff: {  	s16 =	sshll.u32 s3, $0x7;
	v1 =	vand.u32 $0x380, v1;
	s7 =	sshll.u32 s9, $0x8;
	s13 =	sshll.u32 s11, $0x7;
	v15 =	vor.u32 v30, v23;
	v7 =	vor.u32 v32, v7  }
0x300: {  	s6 =	sand.u32 $0xF800, s6;
	v16 =	vand.u32 $0x380, v22;
	s11 =	sshll.u32 s3, $0x8;
	v9 =	vand.u32 $0x380, v9;
	s1 =	sshll.u32 s12, $0x8;
	v17 =	vand.u32 $0x380, v25  }
0x301: {  	s5 =	sshll.u32 s23, $0x7;
	v18 =	vand.u32 $0x380, v28;
	s3 =	sshll.u32 s23, $0x8;
	v20 =	vand.u32 $0x380, v33;
	s17 =	sshll.u32 s12, $0x7;
	v19 =	vand.u32 $0x380, v31  }
0x302: {  	s9 =	sshll.u32 s10, $0x8;
	s4 =	sand.u32 $0x7800, s24;
	s12 =	sand.u32 $0x380, s25;
	v22 =	vand.u32 $0x380, v35;
	v21 =	vand.u32 $0x380, v34;
	v23 =	vand.u32 $0x380, v36  }
0x303: {  	s4 =	sor.u32 s12, s4;
	s12 =	sshll.u32 s10, $0x7;
	s10 =	sshll.u32 s26, $0x8;
	v24 =	vand.u32 $0x380, v37;
	v25 =	vand.u32 $0x380, v38;
	v26 =	vand.u32 $0x380, v39  }
0x304: {  	v28 =	vor.u32 v1, v2;
	v16 =	vor.u32 v16, v3;
	s23 =	sand.u32 $0xF800, s28;
	s24 =	sand.u32 $0x380, s30;
	v9 =	vor.u32 v9, v4;
	s26 =	sshll.u32 s26, $0x7;
	v27 =	vld [tilespmem:s4+$0x8880]  }
0x305: {  	s20 =	sand.u32 $0xF800, s20;
	v18 =	vor.u32 v18, v6;
	v17 =	vor.u32 v17, v5;
	v19 =	vor.u32 v19, v8;
	v29 =	vld [tilespmem:s4+$0x8890];
	s4 =	sor.u32 s24, s23;
	s23 =	sand.u32 $0x380, s29  }
0x306: {  	s14 =	sand.u32 $0xF800, s14;
	s15 =	sand.u32 $0x380, s15;
	v20 =	vor.u32 v20, v10;
	v1 =	vor.u32 v22, v12;
	v5 =	vor.u32 v21, v11;
	v8 =	vld [tilespmem:s4+$0x88A0];
	s4 =	sor.u32 s23, s20  }
0x307: {  	v2 =	vor.u32 v24, v14;
	v6 =	vor.u32 v23, v13;
	v3 =	vor.u32 v25, v15;
	v10 =	vld [tilespmem:s4+$0x88B0];
	s4 =	sor.u32 s15, s14;
	s14 =	sand.u32 $0xF800, s18;
	s15 =	sand.u32 $0x380, s19  }
0x308: {  	s13 =	sand.u32 $0x380, s13;
	s1 =	sand.u32 $0xF800, s1;
	v4 =	vor.u32 v26, v7;
	v11 =	vld [tilespmem:s4+$0x88C0];
	s4 =	sor.u32 s15, s14  }
0x309: {  	[tilespmem:v28+s22+$0x0] =	vst.idx.msk $0xffff, v27;
	v12 =	vld [tilespmem:s4+$0x88D0];
	s4 =	sor.u32 s13, s6;
	s6 =	sand.u32 $0xF800, s7;
	s7 =	sand.u32 $0x380, s8  }
0x30a: {  	[tilespmem:v16+s22+$0x0] =	vst.idx.msk $0xffff, v29;
	v13 =	vld [tilespmem:s4+$0x88E0];
	s4 =	sor.u32 s7, s6;
	s6 =	sand.u32 $0xF800, s11;
	s7 =	sand.u32 $0x380, s16  }
.Ltmp6:
0x30b: {  	[tilespmem:v9+s22+$0x0] =	vst.idx.msk $0xffff, v8;
	v7 =	vld [tilespmem:s4+$0x88F0];
	s4 =	sor.u32 s7, s6;
	s6 =	sand.u32 $0x380, s17;
	(pc) =	sbr.rel @p1 .LBB2_15-.Ltmp6, $4  }
0x30c: {  	s3 =	sand.u32 $0xF800, s3;
	[tilespmem:v17+s22+$0x0] =	vst.idx.msk $0xffff, v10;
	v8 =	vld [tilespmem:s4+$0x8C80];
	s1 =	sor.u32 s6, s1;
	s4 =	sand.u32 $0x380, s5  }
0x30d: {  	[tilespmem:v18+s22+$0x0] =	vst.idx.msk $0xffff, v11;
	v9 =	vld [tilespmem:s1+$0x8C90];
	s1 =	sor.u32 s4, s3;
	s3 =	sand.u32 $0xF800, s9;
	s4 =	sand.u32 $0x380, s12  }
0x30e: {  	[tilespmem:v19+s22+$0x0] =	vst.idx.msk $0xffff, v12;
	v10 =	vld [tilespmem:s1+$0x8CA0];
	s1 =	sor.u32 s4, s3;
	s3 =	sand.u32 $0xF800, s10;
	s4 =	sand.u32 $0x380, s26  }
0x30f: {  	[tilespmem:v20+s22+$0x0] =	vst.idx.msk $0xffff, v13;
	v11 =	vld [tilespmem:s1+$0x8CB0];
	s1 =	sor.u32 s4, s3  }
0x310: {  	_ =	sdelay $0x3  }
0x311: {  	[tilespmem:v5+s22+$0x0] =	vst.idx.msk $0xffff, v7;
	v5 =	vld [tilespmem:s1+$0x8CC0]  }
0x312: {  	[tilespmem:v1+s22+$0x0] =	vst.idx.msk $0xffff, v8  }
0x313: {  	[tilespmem:v6+s22+$0x0] =	vst.idx.msk $0xffff, v9  }
0x314: {  	[tilespmem:v2+s22+$0x0] =	vst.idx.msk $0xffff, v10  }
0x315: {  	[tilespmem:v3+s22+$0x0] =	vst.idx.msk $0xffff, v11  }
0x316: {  	s24 =	simm.s32 $0x0;
	s25 =	simm.s32 $0x3;
	[tilespmem:v4+s22+$0x0] =	vst.idx.msk $0xffff, v5  }
0x317: {  	[hbm4b:s0+s24] =	stream.linear.scatter [tilespmem:s22], [sflag:$0x4], $0x8000, $0x38;
	[tilespmem:$0x1F880] =	vst v63  }
0x318: {  	_ =	swait.ge [sflag:s25], $0x8000  }
0x319: {  	[sflag:s25] =	ssyncset.done $0x0  }
0x31a: {  	s2 =	simm.s32 $0x70;
	[sflag:s25] =	ssyncadd.s32 $0xFFFF8000  }
0x31b: {  	v1 =	vld [tilespmem:s2+$0x60]  }
0x31c: {  	v2 =	vld [tilespmem:s2+$0xFFFFFF90]  }
0x31d: {  	s31 =	simm.s32 $0x0;
	s26 =	simm.s32 $0x2;
	v3 =	vld [tilespmem:s2+$0xFFFFFFA0]  }
0x31e: {  	s28 =	simm.s32 $0x3;
	s4 =	simm.s32 $0x4;
	s7 =	simm.s32 $0x5;
	v5 =	vld [tilespmem:s2+$0xFFFFFFB0]  }
0x31f: {  	s3 =	simm.s32 $0xD;
	s10 =	simm.s32 $0x6;
	s11 =	simm.s32 $0x7;
	v6 =	vld [tilespmem:s2+$0xFFFFFFC0]  }
0x320: {  	s12 =	simm.s32 $0x8;
	s5 =	simm.s32 $0x9;
	s29 =	simm.s32 $0xA;
	v7 =	vld [tilespmem:s2+$0xFFFFFFD0]  }
0x321: {  	s8 =	simm.s32 $0xB;
	s3 =	sand.u32 $0xFFFE, s3;
	s9 =	sand.u32 $0xFFFE, s31;
	v8 =	vld [tilespmem:s2+$0xFFFFFFE0]  }
0x322: {  	s13 =	sand.u32 $0xFFFE, s26;
	s1 =	sand.u32 $0xFFFE, s28;
	s4 =	sand.u32 $0xFFFE, s4;
	v11 =	vld [tilespmem:s2+$0xFFFFFFF0]  }
0x323: {  	s17 =	sand.u32 $0xFFFE, s10;
	s19 =	sand.u32 $0xFFFE, s11;
	s6 =	sshrl.u32 s3, $0x1;
	v15 =	vld [tilespmem:s2+$0x10]  }
0x324: {  	s23 =	sand.u32 $0xFFFE, s12;
	s9 =	sshrl.u32 s9, $0x1;
	s6 =	smul.u32 $0x4925, s6;
	v18 =	vld [tilespmem:s2+$0x20];
	v4 =	vshll.u32 v1, $0x3  }
0x325: {  	s30 =	sshrl.u32 s13, $0x1;
	s1 =	sshrl.u32 s1, $0x1;
	s15 =	smul.u32 $0x4925, s9;
	v20 =	vld [tilespmem:s2+$0x30];
	v9 =	vshrl.u32 v1, $0x2;
	v1 =	vand.u32 $0xFFFFF07F, v1;
	v10 =	vshll.u32 v2, $0x3  }
0x326: {  	s13 =	sshrl.u32 s4, $0x1;
	s4 =	sshrl.u32 s17, $0x1;
	s9 =	smul.u32 $0x4925, s30;
	v22 =	vld [tilespmem:s2+$0x40];
	v12 =	vshll.u32 v3, $0x3;
	v13 =	vshll.u32 v5, $0x3;
	v14 =	vshll.u32 v7, $0x3  }
0x327: {  	s20 =	sshrl.u32 s19, $0x1;
	s3 =	sand.u32 $0xFFFE, s29;
	s17 =	smul.u32 $0x4925, s4;
	v25 =	vld [tilespmem:s2+$0x50];
	v16 =	vshrl.u32 v2, $0x2;
	v17 =	vshll.u32 v8, $0x3;
	v2 =	vand.u32 $0xFFFFF07F, v2  }
0x328: {  	s30 =	sshrl.u32 s3, $0x1;
	s14 =	sshrl.u32 s6, $0x9;
	s6 =	sshrl.u32 s6, $0xA;
	v19 =	vshll.u32 v11, $0x3;
	v21 =	vshrl.u32 v3, $0x2;
	v3 =	vand.u32 $0xFFFFF07F, v3  }
0x329: {  	s28 =	sshrl.u32 s15, $0x9;
	s29 =	sshrl.u32 s15, $0xA;
	s12 =	sshrl.u32 s9, $0x9;
	v23 =	vshrl.u32 v5, $0x2;
	v5 =	vand.u32 $0xFFFFF07F, v5;
	v26 =	vshrl.u32 v6, $0x2  }
0x32a: {  	s9 =	sshrl.u32 s9, $0xA;
	s0 =	simm.s32 $0xC;
	s14 =	sand.u32 $0x7800, s14;
	v27 =	vshll.u32 v15, $0x3;
	v28 =	vshll.u32 v18, $0x3;
	v29 =	vshrl.u32 v7, $0x2  }
0x32b: {  	s6 =	sand.u32 $0x380, s6;
	s24 =	sshrl.u32 s23, $0x1;
	s4 =	sand.u32 $0x3800, s28;
	v30 =	vshll.u32 v20, $0x3;
	v7 =	vand.u32 $0xFFFFF07F, v7;
	v31 =	vshll.u32 v22, $0x3  }
0x32c: {  	s10 =	sand.u32 $0x380, s29;
	s23 =	smul.u32 $0x4925, s30;
	s28 =	sshrl.u32 s17, $0xA;
	v32 =	vshrl.u32 v8, $0x2;
	v33 =	vshll.u32 v25, $0x3;
	v8 =	vand.u32 $0xFFFFF07F, v8  }
0x32d: {  	s18 =	sor.u32 s6, s14;
	s6 =	smul.u32 $0x4925, s1;
	s14 =	sand.u32 $0xFFFE, s7;
	v34 =	vshrl.u32 v11, $0x2;
	v11 =	vand.u32 $0xFFFFF07F, v11;
	v36 =	vshrl.u32 v15, $0x2  }
0x32e: {  	s7 =	smul.u32 $0x4925, s13;
	s3 =	sor.u32 s10, s4;
	s13 =	sand.u32 $0xFFFE, s8;
	v15 =	vand.u32 $0xFFFFF07F, v15;
	v37 =	vshrl.u32 v18, $0x2;
	v18 =	vand.u32 $0xFFFFF07F, v18  }
0x32f: {  	s4 =	sand.u32 $0x7800, s12;
	s0 =	sand.u32 $0xFFFE, s0;
	s16 =	sshrl.u32 s14, $0x1;
	v38 =	vshrl.u32 v20, $0x2;
	v20 =	vand.u32 $0xFFFFF07F, v20;
	v39 =	vshrl.u32 v22, $0x2  }
0x330: {  	s14 =	sand.u32 $0x380, s9;
	s10 =	sshrl.u32 s13, $0x1;
	s1 =	smul.u32 $0x4925, s16;
	v22 =	vand.u32 $0xFFFFF07F, v22;
	v41 =	vshrl.u32 v25, $0x2;
	v4 =	vand.u32 $0xC00, v4  }
0x331: {  	s0 =	sshrl.u32 s0, $0x1;
	s16 =	smul.u32 $0x4925, s20;
	s25 =	sand.u32 $0xFFFE, s5;
	v9 =	vand.u32 $0x380, v9;
	v13 =	vand.u32 $0xC00, v13;
	v14 =	vand.u32 $0xC00, v14  }
0x332: {  	s5 =	smul.u32 $0x4925, s24;
	s8 =	sor.u32 s14, s4;
	s15 =	sshrl.u32 s6, $0x9;
	v17 =	vand.u32 $0xC00, v17;
	v19 =	vand.u32 $0xC00, v19;
	v27 =	vand.u32 $0xC00, v27  }
0x333: {  	s20 =	sshrl.u32 s6, $0xA;
	s24 =	sshrl.u32 s7, $0x9;
	s7 =	sshrl.u32 s7, $0xA;
	v28 =	vand.u32 $0xC00, v28;
	v30 =	vand.u32 $0xC00, v30;
	v31 =	vand.u32 $0xC00, v31  }
0x334: {  	s10 =	smul.u32 $0x4925, s10;
	s4 =	sand.u32 $0x7800, s15;
	s9 =	sand.u32 $0x380, s20;
	v33 =	vand.u32 $0xC00, v33;
	v58 =	vand.u32 $0x380, v34;
	v60 =	vand.u32 $0x380, v36  }
0x335: {  	s26 =	sshrl.u32 s25, $0x1;
	s7 =	sand.u32 $0x380, s7;
	s4 =	sor.u32 s9, s4;
	v61 =	vand.u32 $0x380, v37;
	v62 =	vand.u32 $0x380, v38;
	v63 =	vand.u32 $0x380, v39  }
0x336: {  	s9 =	sand.u32 $0x7800, s24;
	s25 =	sshrl.u32 s1, $0x9;
	s1 =	sshrl.u32 s1, $0xA;
	v1 =	vor.u32 v4, v1;
	v13 =	vor.u32 v13, v5;
	v14 =	vor.u32 v14, v7  }
0x337: {  	s7 =	sor.u32 s7, s9;
	s9 =	sand.u32 $0x7800, s25;
	s1 =	sand.u32 $0x380, s1;
	v17 =	vor.u32 v17, v8;
	v19 =	vor.u32 v19, v11;
	v15 =	vor.u32 v27, v15  }
0x338: {  	s0 =	smul.u32 $0x4925, s0;
	s6 =	sshrl.u32 s23, $0xA;
	s1 =	sor.u32 s1, s9;
	v27 =	vor.u32 v28, v18;
	v56 =	vor.u32 v30, v20;
	v57 =	vor.u32 v31, v22;
	v5 =	vld [tilespmem:s4+$0xC0B0]  }
0x339: {  	s11 =	sand.u32 $0x380, s28;
	s6 =	sand.u32 $0x380, s6;
	s19 =	smul.u32 $0x4925, s26;
	v11 =	vand.u32 $0x380, v21;
	v18 =	vand.u32 $0x380, v26;
	v20 =	vand.u32 $0x380, v29;
	v7 =	vld [tilespmem:s1+$0xC0D0]  }
0x33a: {  	s26 =	sshrl.u32 s17, $0x9;
	s29 =	sshrl.u32 s16, $0x9;
	s30 =	sshrl.u32 s16, $0xA;
	v26 =	vand.u32 $0x380, v32;
	v4 =	vor.u32 v9, v1;
	v9 =	vand.u32 $0xC00, v12;
	v12 =	vld [tilespmem:s2+$0x0]  }
0x33b: {  	s15 =	sshrl.u32 s5, $0x9;
	s5 =	sshrl.u32 s5, $0xA;
	s20 =	sshrl.u32 s10, $0x9;
	v1 =	vand.u32 $0xC00, v10;
	v42 =	vor.u32 v9, v3;
	v9 =	vand.u32 $0xFFFFF07F, v25;
	v25 =	vld [tilespmem:s18+$0xC4D0]  }
0x33c: {  	s28 =	sshrl.u32 s0, $0xA;
	s13 =	sand.u32 $0x7800, s29;
	s14 =	sand.u32 $0x380, s30;
	v22 =	vand.u32 $0x380, v41;
	v10 =	vshll.u32 v6, $0x3;
	v40 =	vor.u32 v1, v2;
	v1 =	vld [tilespmem:s3+$0xC080]  }
0x33d: {  	s16 =	sand.u32 $0x7800, s15;
	s5 =	sand.u32 $0x380, s5;
	s9 =	sand.u32 $0x7800, s26;
	v6 =	vand.u32 $0xFFFFF07F, v6;
	v20 =	vor.u32 v20, v14;
	v10 =	vand.u32 $0xC00, v10;
	v2 =	vld [tilespmem:s3+$0xC090]  }
0x33e: {  	s17 =	sshrl.u32 s19, $0x9;
	v19 =	vor.u32 v58, v19;
	v14 =	vor.u32 v62, v56;
	v3 =	vld [tilespmem:s8+$0xC0A0];
	s18 =	sshrl.u32 s19, $0xA;
	s19 =	sshrl.u32 s23, $0x9;
	v43 =	vor.u32 v10, v6  }
0x33f: {  	s25 =	sand.u32 $0x7800, s20;
	s9 =	sor.u32 s11, s9;
	v10 =	vand.u32 $0x380, v16;
	v8 =	vor.u32 v33, v9;
	v16 =	vand.u32 $0x380, v23;
	v6 =	vld [tilespmem:s7+$0xC0C0];
	s1 =	sand.u32 $0x7800, s19  }
0x340: {  	s26 =	sshrl.u32 s0, $0x9;
	s4 =	sor.u32 s5, s16;
	v9 =	vld [tilespmem:s9+$0xC0E0];
	v21 =	vor.u32 v16, v13;
	s24 =	sor.u32 s6, s1;
	v23 =	vor.u32 v18, v43;
	v18 =	vor.u32 v26, v17  }
0x341: {  	s5 =	sand.u32 $0x7800, s17;
	s3 =	sor.u32 s14, s13;
	s23 =	sshrl.u32 s10, $0xA;
	v16 =	vor.u32 v60, v15;
	v13 =	vld [tilespmem:s24+$0xC4A0];
	v24 =	vshll.u32 v12, $0x3;
	v35 =	vshrl.u32 v12, $0x2;
	[tilespmem:v4+s21+$0x0] =	vst.idx.msk $0xffff, v25  }
0x342: {  	s7 =	sand.u32 $0x380, s18;
	v12 =	vand.u32 $0xFFFFF07F, v12;
	v24 =	vand.u32 $0xC00, v24;
	v4 =	vld [tilespmem:s3+$0xC0F0];
	v25 =	vor.u32 v10, v40;
	s3 =	sand.u32 $0x380, s23;
	s29 =	rddreg [dreg:$0xd]  }
0x343: {  	s5 =	sor.u32 s7, s5;
	v59 =	vand.u32 $0x380, v35;
	v10 =	vld [tilespmem:s4+$0xC480];
	v12 =	vor.u32 v24, v12;
	v24 =	vor.u32 v11, v42;
	s1 =	sor.u32 s3, s25;
	s30 =	rddreg [dreg:$0x11]  }
0x344: {  	v15 =	vor.u32 v61, v27;
	v11 =	vld [tilespmem:s5+$0xC490];
	s3 =	sand.u32 $0x7800, s26;
	s5 =	sand.u32 $0x380, s28;
	v17 =	vor.u32 v59, v12;
	s0 =	sadd.s32 s30, s29;
	v12 =	vor.u32 v63, v57  }
.LBB2_17:
0x345: {  	v26 =	vld [tilespmem:s1+$0xC4B0];
	s1 =	sor.u32 s5, s3  }
0x346: {  	v8 =	vor.u32 v22, v8;
	s4 =	smov.u32 s31;
	s31 =	sadd.s32 $0xE, s31;
	s2 =	sadd.s32 $0xE0, s2  }
0x347: {  	s6 =	sadd.s32 $0x10, s4;
	s8 =	sadd.s32 $0x11, s4;
	[tilespmem:v25+s21+$0x0] =	vst.idx.msk $0xffff, v1;
	v1 =	vld [tilespmem:s1+$0xC4C0];
	s9 =	sadd.s32 $0x12, s4  }
0x348: {  	s3 =	sadd.s32 $0x13, s4;
	s5 =	sadd.s32 $0x1B, s4;
	s7 =	sadd.s32 $0x14, s4;
	v22 =	vld [tilespmem:s2+$0x60];
	[tilespmem:v24+s21+$0x0] =	vst.idx.msk $0xffff, v2  }
0x349: {  	s1 =	sadd.s32 $0x15, s4;
	s26 =	sadd.s32 $0x16, s4;
	s5 =	sand.u32 $0xFFFE, s5;
	v2 =	vld [tilespmem:s2+$0xFFFFFF90];
	[tilespmem:v21+s21+$0x0] =	vst.idx.msk $0xffff, v3  }
0x34a: {  	s16 =	sadd.s32 $0x17, s4;
	s18 =	sadd.s32 $0x19, s4;
	s10 =	sshrl.u32 s5, $0x1;
	v21 =	vld [tilespmem:s2+$0xFFFFFFA0];
	[tilespmem:v23+s21+$0x0] =	vst.idx.msk $0xffff, v5  }
0x34b: {  	s11 =	sand.u32 $0xFFFE, s31;
	s5 =	sadd.s32 $0x18, s4;
	s10 =	smul.u32 $0x4925, s10;
	v5 =	vld [tilespmem:s2+$0xFFFFFFB0];
	[tilespmem:v20+s21+$0x0] =	vst.idx.msk $0xffff, v6  }
0x34c: {  	s19 =	sadd.s32 $0x1A, s4;
	p1 =	slt.u32 s31, $0x17A;
	s6 =	sand.u32 $0xFFFE, s6;
	v6 =	vld [tilespmem:s2+$0xFFFFFFC0];
	[tilespmem:v18+s21+$0x0] =	vst.idx.msk $0xffff, v7  }
0x34d: {  	s4 =	sand.u32 $0xFFFE, s8;
	s8 =	sshrl.u32 s10, $0x9;
	s10 =	sshrl.u32 s10, $0xA;
	v7 =	vld [tilespmem:s2+$0xFFFFFFD0];
	v3 =	vshll.u32 v22, $0x3;
	[tilespmem:v19+s21+$0x0] =	vst.idx.msk $0xffff, v9  }
0x34e: {  	s11 =	sshrl.u32 s11, $0x1;
	s12 =	sand.u32 $0x7800, s8;
	s10 =	sand.u32 $0x380, s10;
	v18 =	vshrl.u32 v22, $0x2;
	v19 =	vand.u32 $0xFFFFF07F, v22;
	v9 =	vld [tilespmem:s2+$0xFFFFFFE0];
	v3 =	vand.u32 $0xC00, v3;
	[tilespmem:v17+s21+$0x0] =	vst.idx.msk $0xffff, v4  }
0x34f: {  	s6 =	sshrl.u32 s6, $0x1;
	s8 =	smul.u32 $0x4925, s11;
	v4 =	vshll.u32 v2, $0x3;
	s10 =	sor.u32 s10, s12;
	v18 =	vand.u32 $0x380, v18;
	v17 =	vld [tilespmem:s2+$0xFFFFFFF0];
	v3 =	vor.u32 v3, v19;
	[tilespmem:v16+s21+$0x0] =	vst.idx.msk $0xffff, v10  }
0x350: {  	s9 =	sand.u32 $0xFFFE, s9;
	s6 =	smul.u32 $0x4925, s6;
	s4 =	sshrl.u32 s4, $0x1;
	v10 =	vshll.u32 v21, $0x3;
	v16 =	vshll.u32 v5, $0x3;
	v19 =	vld [tilespmem:s10+$0xC4D0];
	v18 =	vor.u32 v18, v3;
	[tilespmem:v15+s21+$0x0] =	vst.idx.msk $0xffff, v11  }
0x351: {  	s17 =	smul.u32 $0x4925, s4;
	s4 =	sshrl.u32 s9, $0x1;
	s9 =	sand.u32 $0xFFFE, s3;
	v4 =	vand.u32 $0xC00, v4;
	v10 =	vand.u32 $0xC00, v10;
	v3 =	vshll.u32 v6, $0x3;
	v11 =	vld [tilespmem:s2+$0x0];
	[tilespmem:v14+s21+$0x0] =	vst.idx.msk $0xffff, v13  }
0x352: {  	s3 =	smul.u32 $0x4925, s4;
	s4 =	sshrl.u32 s9, $0x1;
	s9 =	sand.u32 $0xFFFE, s7;
	v13 =	vand.u32 $0xC00, v16;
	v14 =	vand.u32 $0xC00, v3;
	v15 =	vshll.u32 v7, $0x3;
	v16 =	vld [tilespmem:s2+$0x10];
	[tilespmem:v12+s21+$0x0] =	vst.idx.msk $0xffff, v26  }
0x353: {  	s7 =	smul.u32 $0x4925, s4;
	s4 =	sshrl.u32 s9, $0x1;
	s9 =	sand.u32 $0xFFFE, s1;
	v3 =	vshrl.u32 v2, $0x2;
	v12 =	vand.u32 $0xC00, v15;
	v15 =	vshll.u32 v9, $0x3;
	v20 =	vld [tilespmem:s2+$0x20];
	[tilespmem:v8+s21+$0x0] =	vst.idx.msk $0xffff, v1  }
0x354: {  	s1 =	smul.u32 $0x4925, s4;
	s4 =	sshrl.u32 s9, $0x1;
	s9 =	sand.u32 $0xFFFE, s26;
	v1 =	vand.u32 $0xFFFFF07F, v2;
	v2 =	vand.u32 $0xC00, v15;
	v8 =	vshll.u32 v17, $0x3;
	v15 =	vld [tilespmem:s2+$0x30]  }
0x355: {  	v22 =	vshrl.u32 v21, $0x2;
	v21 =	vand.u32 $0xFFFFF07F, v21;
	s10 =	smul.u32 $0x4925, s4;
	s4 =	sshrl.u32 s9, $0x1;
	s9 =	sand.u32 $0xFFFE, s16;
	v8 =	vand.u32 $0xC00, v8;
	v23 =	vld [tilespmem:s2+$0x40];
	[tilespmem:v18+s21+$0x0] =	vst.idx.msk $0xffff, v19  }
0x356: {  	s5 =	sand.u32 $0xFFFE, s5;
	s4 =	smul.u32 $0x4925, s4;
	s9 =	sshrl.u32 s9, $0x1;
	v18 =	vshrl.u32 v5, $0x2;
	v5 =	vand.u32 $0xFFFFF07F, v5;
	v19 =	vshll.u32 v11, $0x3;
	v24 =	vld [tilespmem:s2+$0x50]  }
0x357: {  	s5 =	sshrl.u32 s5, $0x1;
	v25 =	vshrl.u32 v6, $0x2;
	s16 =	smul.u32 $0x4925, s9;
	s9 =	sand.u32 $0xFFFE, s18;
	v19 =	vand.u32 $0xC00, v19;
	v26 =	vshll.u32 v16, $0x3  }
0x358: {  	s23 =	smul.u32 $0x4925, s5;
	v6 =	vand.u32 $0xFFFFF07F, v6;
	s5 =	sshrl.u32 s9, $0x1;
	s9 =	sand.u32 $0xFFFE, s19;
	v26 =	vand.u32 $0xC00, v26;
	v27 =	vshll.u32 v20, $0x3  }
0x359: {  	s25 =	sshrl.u32 s6, $0x9;
	v28 =	vshrl.u32 v7, $0x2;
	s18 =	smul.u32 $0x4925, s5;
	s5 =	sshrl.u32 s9, $0x1;
	v27 =	vand.u32 $0xC00, v27;
	v29 =	vshll.u32 v15, $0x3  }
0x35a: {  	s24 =	sshrl.u32 s8, $0xA;
	v7 =	vand.u32 $0xFFFFF07F, v7;
	s19 =	sshrl.u32 s8, $0x9;
	s26 =	smul.u32 $0x4925, s5;
	v29 =	vand.u32 $0xC00, v29;
	v30 =	vshll.u32 v23, $0x3  }
0x35b: {  	s28 =	sshrl.u32 s6, $0xA;
	s20 =	sshrl.u32 s17, $0x9;
	s29 =	sshrl.u32 s17, $0xA;
	v31 =	vshrl.u32 v9, $0x2;
	v30 =	vand.u32 $0xC00, v30;
	v32 =	vshll.u32 v24, $0x3  }
0x35c: {  	s14 =	sshrl.u32 s3, $0x9;
	s15 =	sshrl.u32 s3, $0xA;
	s6 =	sshrl.u32 s23, $0xA;
	v9 =	vand.u32 $0xFFFFF07F, v9;
	v33 =	vshrl.u32 v17, $0x2;
	v32 =	vand.u32 $0xC00, v32  }
0x35d: {  	s12 =	sshrl.u32 s7, $0x9;
	s13 =	sshrl.u32 s7, $0xA;
	s7 =	sshrl.u32 s1, $0x9;
	v17 =	vand.u32 $0xFFFFF07F, v17;
	v34 =	vshrl.u32 v11, $0x2;
	v11 =	vand.u32 $0xFFFFF07F, v11  }
0x35e: {  	s11 =	sshrl.u32 s1, $0xA;
	s9 =	sshrl.u32 s10, $0x9;
	s10 =	sshrl.u32 s10, $0xA;
	v35 =	vshrl.u32 v16, $0x2;
	v16 =	vand.u32 $0xFFFFF07F, v16;
	v36 =	vshrl.u32 v20, $0x2  }
0x35f: {  	s1 =	sshrl.u32 s4, $0x9;
	s3 =	sshrl.u32 s4, $0xA;
	s8 =	sshrl.u32 s16, $0x9;
	v20 =	vand.u32 $0xFFFFF07F, v20;
	v37 =	vshrl.u32 v15, $0x2;
	v15 =	vand.u32 $0xFFFFF07F, v15  }
0x360: {  	s20 =	sand.u32 $0x7800, s20;
	s17 =	sshrl.u32 s16, $0xA;
	s5 =	sshrl.u32 s23, $0x9;
	v38 =	vshrl.u32 v23, $0x2;
	v23 =	vand.u32 $0xFFFFF07F, v23;
	v39 =	vshrl.u32 v24, $0x2  }
0x361: {  	v10 =	vor.u32 v10, v21;
	s4 =	sand.u32 $0x3800, s19;
	s19 =	sand.u32 $0x380, s24;
	v4 =	vor.u32 v4, v1;
	s16 =	sshrl.u32 s18, $0x9;
	v21 =	vand.u32 $0xFFFFF07F, v24  }
0x362: {  	v14 =	vor.u32 v14, v6;
	v12 =	vor.u32 v12, v7;
	s4 =	sor.u32 s19, s4;
	v13 =	vor.u32 v13, v5;
	s19 =	sshrl.u32 s18, $0xA;
	s18 =	sshrl.u32 s26, $0x9  }
0x363: {  	s24 =	sand.u32 $0x380, s28;
	s23 =	sand.u32 $0x7800, s25;
	v40 =	vor.u32 v2, v9;
	v17 =	vor.u32 v8, v17;
	s26 =	sshrl.u32 s26, $0xA;
	v11 =	vor.u32 v19, v11;
	v1 =	vld [tilespmem:s4+$0xC080]  }
0x364: {  	s14 =	sand.u32 $0x7800, s14;
	v16 =	vor.u32 v26, v16;
	v26 =	vor.u32 v27, v20;
	v27 =	vor.u32 v29, v15;
	v2 =	vld [tilespmem:s4+$0xC090];
	s4 =	sor.u32 s24, s23;
	s23 =	sand.u32 $0x380, s29  }
0x365: {  	s15 =	sand.u32 $0x380, s15;
	s12 =	sand.u32 $0x7800, s12;
	v15 =	vand.u32 $0x380, v3;
	v29 =	vor.u32 v30, v23;
	v8 =	vor.u32 v32, v21;
	v3 =	vld [tilespmem:s4+$0xC0A0];
	s4 =	sor.u32 s23, s20  }
0x366: {  	s13 =	sand.u32 $0x380, s13;
	s7 =	sand.u32 $0x7800, s7;
	v18 =	vand.u32 $0x380, v18;
	v19 =	vand.u32 $0x380, v22;
	v20 =	vand.u32 $0x380, v25;
	v5 =	vld [tilespmem:s4+$0xC0B0];
	s4 =	sor.u32 s15, s14  }
0x367: {  	s11 =	sand.u32 $0x380, s11;
	v28 =	vand.u32 $0x380, v28;
	s1 =	sand.u32 $0x7800, s1;
	v30 =	vand.u32 $0x380, v31;
	v31 =	vand.u32 $0x380, v33;
	v6 =	vld [tilespmem:s4+$0xC0C0];
	s4 =	sor.u32 s13, s12  }
0x368: {  	v33 =	vand.u32 $0x380, v35;
	v32 =	vand.u32 $0x380, v34;
	v34 =	vand.u32 $0x380, v36;
	v7 =	vld [tilespmem:s4+$0xC0D0];
	s4 =	sor.u32 s11, s7;
	s7 =	sand.u32 $0x7800, s9;
	s9 =	sand.u32 $0x380, s10  }
.Ltmp7:
0x369: {  	s3 =	sand.u32 $0x380, s3;
	v35 =	vand.u32 $0x380, v37;
	v22 =	vand.u32 $0x380, v39;
	v36 =	vand.u32 $0x380, v38;
	v9 =	vld [tilespmem:s4+$0xC0E0];
	s4 =	sor.u32 s9, s7;
	(pc) =	sbr.rel @p1 .LBB2_17-.Ltmp7, $4  }
0x36a: {  	s1 =	sor.u32 s3, s1;
	s3 =	sand.u32 $0x7800, s8;
	v24 =	vor.u32 v19, v10;
	v25 =	vor.u32 v15, v4;
	v21 =	vor.u32 v18, v13;
	v4 =	vld [tilespmem:s4+$0xC0F0];
	s4 =	sand.u32 $0x380, s17  }
0x36b: {  	v23 =	vor.u32 v20, v14;
	v20 =	vor.u32 v28, v12;
	v18 =	vor.u32 v30, v40;
	v10 =	vld [tilespmem:s1+$0xC480];
	s1 =	sor.u32 s4, s3;
	s3 =	sand.u32 $0x7800, s5;
	s4 =	sand.u32 $0x380, s6  }
0x36c: {  	v19 =	vor.u32 v31, v17;
	v16 =	vor.u32 v33, v16;
	v17 =	vor.u32 v32, v11;
	v11 =	vld [tilespmem:s1+$0xC490];
	s1 =	sor.u32 s4, s3;
	s3 =	sand.u32 $0x7800, s16;
	s4 =	sand.u32 $0x380, s19  }
0x36d: {  	v14 =	vor.u32 v35, v27;
	v15 =	vor.u32 v34, v26;
	v12 =	vor.u32 v36, v29;
	s5 =	sand.u32 $0x380, s26;
	v13 =	vld [tilespmem:s1+$0xC4A0];
	s1 =	sor.u32 s4, s3;
	s3 =	sand.u32 $0x7800, s18  }
0x36e: {  	_ =	sdelay $0x3  }
0x36f: {  	[tilespmem:v25+s21+$0x0] =	vst.idx.msk $0xffff, v1  }
0x370: {  	[tilespmem:v24+s21+$0x0] =	vst.idx.msk $0xffff, v2  }
0x371: {  	[tilespmem:v21+s21+$0x0] =	vst.idx.msk $0xffff, v3  }
0x372: {  	[tilespmem:v23+s21+$0x0] =	vst.idx.msk $0xffff, v5  }
0x373: {  	[tilespmem:v20+s21+$0x0] =	vst.idx.msk $0xffff, v6  }
0x374: {  	[tilespmem:v18+s21+$0x0] =	vst.idx.msk $0xffff, v7  }
0x375: {  	v1 =	vld [tilespmem:s1+$0xC4B0];
	s19 =	sor.u32 s5, s3;
	[tilespmem:v19+s21+$0x0] =	vst.idx.msk $0xffff, v9  }
0x376: {  	v2 =	vor.u32 v22, v8;
	v3 =	vld [tilespmem:s19+$0xC4C0];
	[tilespmem:v17+s21+$0x0] =	vst.idx.msk $0xffff, v4  }
0x377: {  	[tilespmem:v16+s21+$0x0] =	vst.idx.msk $0xffff, v10  }
0x378: {  	s20 =	simm.s32 $0x0;
	s23 =	simm.s32 $0x4;
	s31 =	simm.s32 $0x70;
	[tilespmem:v15+s21+$0x0] =	vst.idx.msk $0xffff, v11  }
0x379: {  	s2 =	simm.s32 $0x0;
	s25 =	simm.s32 $0x3;
	s26 =	simm.s32 $0xD;
	[tilespmem:v14+s21+$0x0] =	vst.idx.msk $0xffff, v13  }
0x37a: {  	s4 =	simm.s32 $0x4;
	s28 =	simm.s32 $0x5;
	s6 =	simm.s32 $0x6;
	[tilespmem:v12+s21+$0x0] =	vst.idx.msk $0xffff, v1  }
0x37b: {  	s7 =	simm.s32 $0x7;
	s8 =	simm.s32 $0x8;
	s9 =	simm.s32 $0x9;
	[tilespmem:v2+s21+$0x0] =	vst.idx.msk $0xffff, v3  }
0x37c: {  	[hbm4b:s0+s20] =	stream.linear.scatter [tilespmem:s21], [sflag:$0x3], $0x8000, $0x38;
	[tilespmem:$0x1F880] =	vst v63  }
0x37d: {  	s10 =	simm.s32 $0xA;
	s12 =	simm.s32 $0xB;
	_ =	swait.ge [sflag:s23], $0x8000  }
0x37e: {  	s13 =	simm.s32 $0xC;
	s3 =	sand.u32 $0xFFFE, s26;
	[sflag:s23] =	ssyncset.done $0x0  }
0x37f: {  	s11 =	sand.u32 $0xFFFE, s2;
	s3 =	sshrl.u32 s3, $0x1;
	[sflag:s23] =	ssyncadd.s32 $0xFFFF8000  }
0x380: {  	s1 =	sand.u32 $0xFFFE, s25;
	s11 =	sshrl.u32 s11, $0x1;
	s3 =	smul.u32 $0x4925, s3;
	v1 =	vld [tilespmem:s31+$0x60]  }
0x381: {  	s4 =	sand.u32 $0xFFFE, s4;
	s1 =	sshrl.u32 s1, $0x1;
	s11 =	smul.u32 $0x4925, s11;
	v2 =	vld [tilespmem:s31+$0xFFFFFF90]  }
0x382: {  	s5 =	sand.u32 $0xFFFE, s28;
	s4 =	sshrl.u32 s4, $0x1;
	s1 =	smul.u32 $0x4925, s1;
	v3 =	vld [tilespmem:s31+$0xFFFFFFA0]  }
0x383: {  	s6 =	sand.u32 $0xFFFE, s6;
	s5 =	sshrl.u32 s5, $0x1;
	s4 =	smul.u32 $0x4925, s4;
	v4 =	vld [tilespmem:s31+$0xFFFFFFB0]  }
0x384: {  	s7 =	sand.u32 $0xFFFE, s7;
	s6 =	sshrl.u32 s6, $0x1;
	s5 =	smul.u32 $0x4925, s5;
	v5 =	vld [tilespmem:s31+$0xFFFFFFC0]  }
0x385: {  	s8 =	sand.u32 $0xFFFE, s8;
	s7 =	sshrl.u32 s7, $0x1;
	s6 =	smul.u32 $0x4925, s6;
	v6 =	vld [tilespmem:s31+$0xFFFFFFD0]  }
0x386: {  	s9 =	sand.u32 $0xFFFE, s9;
	s8 =	sshrl.u32 s8, $0x1;
	s7 =	smul.u32 $0x4925, s7;
	v8 =	vld [tilespmem:s31+$0xFFFFFFE0]  }
0x387: {  	s10 =	sand.u32 $0xFFFE, s10;
	s9 =	sshrl.u32 s9, $0x1;
	s8 =	smul.u32 $0x4925, s8;
	v11 =	vld [tilespmem:s31+$0xFFFFFFF0]  }
0x388: {  	s12 =	sand.u32 $0xFFFE, s12;
	s10 =	sshrl.u32 s10, $0x1;
	s9 =	smul.u32 $0x4925, s9;
	v60 =	vld [tilespmem:s31+$0x0]  }
0x389: {  	s13 =	sand.u32 $0xFFFE, s13;
	s12 =	sshrl.u32 s12, $0x1;
	s10 =	smul.u32 $0x4925, s10;
	v61 =	vld [tilespmem:s31+$0x10]  }
0x38a: {  	s24 =	simm.s32 $0x2;
	s29 =	sshrl.u32 s13, $0x1;
	s12 =	smul.u32 $0x4925, s12;
	v42 =	vld [tilespmem:s31+$0x20]  }
0x38b: {  	s13 =	smul.u32 $0x4925, s29;
	s3 =	sshrl.u32 s3, $0x11;
	s11 =	sshrl.u32 s11, $0x11;
	v43 =	vld [tilespmem:s31+$0x30];
	v7 =	vshll.u32 v1, $0x3;
	v9 =	vshrl.u32 v1, $0x2;
	v1 =	vand.u32 $0xFFFFF07F, v1  }
0x38c: {  	s30 =	sshrl.u32 s1, $0x11;
	s4 =	sshrl.u32 s4, $0x11;
	s15 =	sshrl.u32 s5, $0x11;
	v46 =	vld [tilespmem:s31+$0x40];
	v10 =	vshll.u32 v2, $0x3;
	v59 =	vshll.u32 v4, $0x3;
	v62 =	vshll.u32 v6, $0x3  }
0x38d: {  	s16 =	sshrl.u32 s6, $0x11;
	s7 =	sshrl.u32 s7, $0x11;
	s1 =	sshrl.u32 s9, $0x11;
	v49 =	vld [tilespmem:s31+$0x50];
	v63 =	vshrl.u32 v2, $0x2;
	v41 =	vshll.u32 v8, $0x3;
	v2 =	vand.u32 $0xFFFFF07F, v2  }
0x38e: {  	s5 =	sshrl.u32 s10, $0x11;
	s19 =	sshrl.u32 s12, $0x11;
	s3 =	sadd.s32 $0x54, s3;
	v44 =	vshll.u32 v11, $0x3;
	v45 =	vshrl.u32 v3, $0x2;
	v47 =	vshrl.u32 v4, $0x2  }
0x38f: {  	s12 =	sadd.s32 $0x54, s11;
	s4 =	sadd.s32 $0x54, s4;
	s26 =	sadd.s32 $0x54, s15;
	v48 =	vshll.u32 v60, $0x3;
	v4 =	vand.u32 $0xFFFFF07F, v4;
	v26 =	vshrl.u32 v5, $0x2  }
0x390: {  	s29 =	sadd.s32 $0x54, s16;
	s7 =	sadd.s32 $0x54, s7;
	s1 =	sadd.s32 $0x54, s1;
	v27 =	vshll.u32 v61, $0x3;
	v28 =	vshll.u32 v42, $0x3;
	v29 =	vshrl.u32 v6, $0x2  }
0x391: {  	s5 =	sadd.s32 $0x54, s5;
	s0 =	sand.u32 $0xFFFE, s24;
	s14 =	sshll.u32 s3, $0x8;
	v30 =	vshll.u32 v43, $0x3;
	v6 =	vand.u32 $0xFFFFF07F, v6;
	v31 =	vshll.u32 v46, $0x3  }
0x392: {  	s3 =	sshll.u32 s3, $0x7;
	s20 =	sshrl.u32 s13, $0x11;
	s24 =	sshll.u32 s12, $0x8;
	v32 =	vshrl.u32 v8, $0x2;
	v33 =	vshll.u32 v49, $0x3;
	v8 =	vand.u32 $0xFFFFF07F, v8  }
0x393: {  	s6 =	sshll.u32 s12, $0x7;
	s13 =	sshll.u32 s26, $0x8;
	s11 =	sshll.u32 s26, $0x7;
	v34 =	vshrl.u32 v11, $0x2;
	v11 =	vand.u32 $0xFFFFF07F, v11;
	v35 =	vshrl.u32 v60, $0x2  }
0x394: {  	s12 =	sshll.u32 s29, $0x7;
	s0 =	sshrl.u32 s0, $0x1;
	s14 =	sand.u32 $0xF800, s14;
	v13 =	vand.u32 $0xFFFFF07F, v60;
	v36 =	vshrl.u32 v61, $0x2;
	v14 =	vand.u32 $0xFFFFF07F, v61  }
0x395: {  	s3 =	sand.u32 $0x380, s3;
	s10 =	sand.u32 $0xF800, s24;
	s0 =	smul.u32 $0x4925, s0;
	v37 =	vshrl.u32 v42, $0x2;
	v18 =	vand.u32 $0xFFFFF07F, v42;
	v38 =	vshrl.u32 v43, $0x2  }
0x396: {  	s6 =	sand.u32 $0x380, s6;
	s18 =	sor.u32 s3, s14;
	s3 =	sshrl.u32 s8, $0x11;
	v19 =	vand.u32 $0xFFFFF07F, v43;
	v39 =	vshrl.u32 v46, $0x2;
	v22 =	vand.u32 $0xFFFFF07F, v46  }
0x397: {  	s6 =	sor.u32 s6, s10;
	s23 =	sadd.s32 $0x54, s30;
	s0 =	sshrl.u32 s0, $0x11;
	v40 =	vshrl.u32 v49, $0x2;
	v7 =	vand.u32 $0xC00, v7;
	v9 =	vand.u32 $0x380, v9  }
0x398: {  	s30 =	sshll.u32 s4, $0x8;
	s4 =	sshll.u32 s4, $0x7;
	s17 =	sadd.s32 $0x54, s0;
	v12 =	vand.u32 $0xC00, v59;
	v15 =	vand.u32 $0xC00, v62;
	v17 =	vand.u32 $0xC00, v41  }
0x399: {  	s28 =	sshll.u32 s23, $0x8;
	s25 =	sshll.u32 s17, $0x8;
	s8 =	sshll.u32 s17, $0x7;
	v20 =	vand.u32 $0xC00, v44;
	v24 =	vand.u32 $0xC00, v48;
	v27 =	vand.u32 $0xC00, v27  }
0x39a: {  	s9 =	sshll.u32 s23, $0x7;
	s10 =	sand.u32 $0xF800, s25;
	s8 =	sand.u32 $0x380, s8;
	v54 =	vand.u32 $0x380, v29;
	v1 =	vor.u32 v7, v1;
	v7 =	vshll.u32 v3, $0x3  }
0x39b: {  	s9 =	sand.u32 $0x380, s9;
	s8 =	sor.u32 s8, s10;
	s10 =	sand.u32 $0xF800, s28;
	v3 =	vand.u32 $0xFFFFF07F, v3;
	v6 =	vor.u32 v15, v6;
	v1 =	vor.u32 v9, v1  }
0x39c: {  	s4 =	sand.u32 $0x380, s4;
	s9 =	sor.u32 s9, s10;
	s10 =	sand.u32 $0xF800, s30;
	v9 =	vand.u32 $0xC00, v10;
	v10 =	vshll.u32 v5, $0x3;
	v7 =	vand.u32 $0xC00, v7  }
0x39d: {  	s15 =	sshll.u32 s7, $0x8;
	s7 =	sshll.u32 s7, $0x7;
	s4 =	sor.u32 s4, s10;
	v5 =	vand.u32 $0xFFFFF07F, v5;
	v6 =	vor.u32 v54, v6;
	v3 =	vor.u32 v7, v3;
	v7 =	vld [tilespmem:s18+$0x8CD0]  }
0x39e: {  	s11 =	sand.u32 $0x380, s11;
	s12 =	sand.u32 $0x380, s12;
	s16 =	sand.u32 $0xF800, s15;
	v55 =	vld [tilespmem:s4+$0x88C0];
	v10 =	vand.u32 $0xC00, v10;
	v2 =	vor.u32 v9, v2;
	v9 =	vand.u32 $0x380, v63  }
0x39f: {  	s7 =	sand.u32 $0x380, s7;
	s14 =	sshll.u32 s29, $0x8;
	s3 =	sadd.s32 $0x54, s3;
	v50 =	vld [tilespmem:s6+$0x8880];
	v5 =	vor.u32 v10, v5;
	v10 =	vand.u32 $0x380, v45;
	v2 =	vor.u32 v9, v2  }
0x3a0: {  	s0 =	sadd.s32 $0x54, s20;
	s20 =	sshll.u32 s5, $0x8;
	s5 =	sshll.u32 s5, $0x7;
	v51 =	vand.u32 $0x380, v47;
	v4 =	vor.u32 v12, v4;
	v9 =	vld [tilespmem:s6+$0x8890];
	v3 =	vor.u32 v10, v3  }
0x3a1: {  	s17 =	sshll.u32 s3, $0x8;
	s3 =	sshll.u32 s3, $0x7;
	v28 =	vand.u32 $0xC00, v28;
	s10 =	sand.u32 $0xF800, s13;
	v52 =	vand.u32 $0x380, v26;
	v4 =	vor.u32 v51, v4;
	v10 =	vld [tilespmem:s8+$0x88A0]  }
0x3a2: {  	s5 =	sand.u32 $0x380, s5;
	s3 =	sand.u32 $0x380, s3;
	v53 =	vld [tilespmem:s9+$0x88B0];
	s10 =	sor.u32 s11, s10;
	v8 =	vor.u32 v17, v8;
	v5 =	vor.u32 v52, v5;
	[tilespmem:v1+s22+$0x0] =	vst.idx.msk $0xffff, v7;
	v7 =	vand.u32 $0x380, v32  }
0x3a3: {  	s25 =	sshll.u32 s0, $0x8;
	s0 =	sshll.u32 s0, $0x7;
	v30 =	vand.u32 $0xC00, v30;
	v31 =	vand.u32 $0xC00, v31;
	s11 =	sand.u32 $0xF800, s14;
	v56 =	vld [tilespmem:s10+$0x88D0];
	[tilespmem:v6+s22+$0x0] =	vst.idx.msk $0xffff, v55;
	v59 =	vor.u32 v7, v8  }
0x3a4: {  	s28 =	sand.u32 $0xF800, s25;
	v33 =	vand.u32 $0xC00, v33;
	v58 =	vand.u32 $0x380, v34;
	v11 =	vor.u32 v20, v11;
	s11 =	sor.u32 s12, s11;
	s18 =	sadd.s32 $0x54, s19;
	[tilespmem:v2+s22+$0x0] =	vst.idx.msk $0xffff, v50  }
0x3a5: {  	v62 =	vand.u32 $0x380, v38;
	v13 =	vor.u32 v24, v13;
	v57 =	vor.u32 v28, v18;
	s19 =	sshll.u32 s1, $0x8;
	s1 =	sshll.u32 s1, $0x7;
	s6 =	sor.u32 s7, s16;
	[tilespmem:v3+s22+$0x0] =	vst.idx.msk $0xffff, v9  }
0x3a6: {  	v19 =	vor.u32 v30, v19;
	v18 =	vor.u32 v58, v11;
	v60 =	vld [tilespmem:s11+$0x88E0];
	s7 =	sand.u32 $0xF800, s17;
	s4 =	sand.u32 $0xF800, s19;
	s1 =	sand.u32 $0x380, s1;
	v2 =	vand.u32 $0xFFFFF07F, v49;
	[tilespmem:v4+s22+$0x0] =	vst.idx.msk $0xffff, v10  }
0x3a7: {  	v11 =	vand.u32 $0x380, v37;
	s23 =	sshll.u32 s18, $0x8;
	s24 =	sshll.u32 s18, $0x7;
	s3 =	sor.u32 s3, s7;
	v7 =	vld [tilespmem:s6+$0x88F0];
	v61 =	vor.u32 v33, v2;
	v2 =	vand.u32 $0x380, v35;
	[tilespmem:v5+s22+$0x0] =	vst.idx.msk $0xffff, v53  }
0x3a8: {  	s1 =	sor.u32 s1, s4;
	s4 =	sand.u32 $0xF800, s20;
	s26 =	sand.u32 $0xF800, s23;
	v1 =	vor.u32 v27, v14;
	v8 =	vld [tilespmem:s3+$0x8C80];
	v4 =	vand.u32 $0x380, v36;
	v5 =	vor.u32 v2, v13;
	[tilespmem:v59+s22+$0x0] =	vst.idx.msk $0xffff, v56  }
0x3a9: {  	v63 =	vand.u32 $0x380, v39;
	s4 =	sor.u32 s5, s4;
	v6 =	vor.u32 v11, v57;
	s3 =	sand.u32 $0x380, s24;
	v9 =	vld [tilespmem:s1+$0x8C90];
	v1 =	vor.u32 v4, v1;
	s29 =	rddreg [dreg:$0xe]  }
0x3aa: {  	s0 =	sand.u32 $0x380, s0;
	v3 =	vor.u32 v31, v22;
	v10 =	vld [tilespmem:s4+$0x8CA0];
	s1 =	sor.u32 s3, s26;
	v4 =	vand.u32 $0x380, v40;
	v2 =	vor.u32 v62, v19;
	s30 =	rddreg [dreg:$0x11]  }
0x3ab: {  	v11 =	vld [tilespmem:s1+$0x8CB0];
	s1 =	sor.u32 s0, s28;
	v3 =	vor.u32 v63, v3;
	v4 =	vor.u32 v4, v61;
	[tilespmem:v18+s22+$0x0] =	vst.idx.msk $0xffff, v60;
	s0 =	sadd.s32 s30, s29  }
.LBB2_19:
0x3ac: {  	s4 =	sadd.s32 $0x10, s2;
	s6 =	sadd.s32 $0x11, s2  }
0x3ad: {  	[tilespmem:v5+s22+$0x0] =	vst.idx.msk $0xffff, v7;
	v5 =	vld [tilespmem:s1+$0x8CC0];
	s1 =	smov.u32 s2;
	s2 =	sadd.s32 $0xE, s2;
	s31 =	sadd.s32 $0xE0, s31  }
0x3ae: {  	s7 =	sadd.s32 $0x12, s1;
	s10 =	sadd.s32 $0x13, s1;
	s3 =	sadd.s32 $0x1B, s1;
	[tilespmem:v1+s22+$0x0] =	vst.idx.msk $0xffff, v8  }
0x3af: {  	s11 =	sadd.s32 $0x14, s1;
	s9 =	sadd.s32 $0x15, s1;
	s5 =	sand.u32 $0xFFFE, s3;
	[tilespmem:v6+s22+$0x0] =	vst.idx.msk $0xffff, v9  }
0x3b0: {  	s16 =	sadd.s32 $0x17, s1;
	s3 =	sadd.s32 $0x16, s1;
	s5 =	sshrl.u32 s5, $0x1;
	v1 =	vld [tilespmem:s31+$0x60];
	[tilespmem:v2+s22+$0x0] =	vst.idx.msk $0xffff, v10  }
0x3b1: {  	s8 =	sadd.s32 $0x18, s1;
	s13 =	sand.u32 $0xFFFE, s2;
	v2 =	vld [tilespmem:s31+$0xFFFFFF90];
	s12 =	smul.u32 $0x4925, s5;
	[tilespmem:v3+s22+$0x0] =	vst.idx.msk $0xffff, v11  }
0x3b2: {  	s18 =	sadd.s32 $0x1A, s1;
	p1 =	slt.u32 s2, $0x17A;
	s5 =	sadd.s32 $0x19, s1;
	v3 =	vld [tilespmem:s31+$0xFFFFFFA0];
	[tilespmem:v4+s22+$0x0] =	vst.idx.msk $0xffff, v5  }
0x3b3: {  	s1 =	sand.u32 $0xFFFE, s4;
	s4 =	sand.u32 $0xFFFE, s6;
	v4 =	vld [tilespmem:s31+$0xFFFFFFB0];
	s6 =	sshrl.u32 s12, $0x11  }
0x3b4: {  	s12 =	sshrl.u32 s13, $0x1;
	s13 =	sand.u32 $0xFFFE, s7;
	v5 =	vld [tilespmem:s31+$0xFFFFFFC0];
	s6 =	sadd.s32 $0x54, s6  }
0x3b5: {  	s1 =	sshrl.u32 s1, $0x1;
	v6 =	vld [tilespmem:s31+$0xFFFFFFD0];
	s7 =	sshll.u32 s6, $0x8;
	s14 =	sshll.u32 s6, $0x7;
	v7 =	vshll.u32 v1, $0x3  }
0x3b6: {  	s6 =	smul.u32 $0x4925, s12;
	v9 =	vshrl.u32 v1, $0x2;
	v1 =	vand.u32 $0xFFFFF07F, v1;
	v8 =	vld [tilespmem:s31+$0xFFFFFFE0];
	s7 =	sand.u32 $0xF800, s7;
	s12 =	sand.u32 $0x380, s14;
	v7 =	vand.u32 $0xC00, v7  }
0x3b7: {  	s4 =	sshrl.u32 s4, $0x1;
	s1 =	smul.u32 $0x4925, s1;
	v10 =	vshll.u32 v2, $0x3;
	v9 =	vand.u32 $0x380, v9;
	v11 =	vld [tilespmem:s31+$0xFFFFFFF0];
	s12 =	sor.u32 s12, s7;
	v1 =	vor.u32 v7, v1  }
0x3b8: {  	v7 =	vshll.u32 v3, $0x3;
	s7 =	smul.u32 $0x4925, s4;
	s4 =	sshrl.u32 s13, $0x1;
	s13 =	sand.u32 $0xFFFE, s10;
	v12 =	vshll.u32 v4, $0x3;
	v13 =	vld [tilespmem:s12+$0x8CD0];
	v9 =	vor.u32 v9, v1  }
0x3b9: {  	s11 =	sand.u32 $0xFFFE, s11;
	v10 =	vand.u32 $0xC00, v10;
	v7 =	vand.u32 $0xC00, v7;
	s10 =	smul.u32 $0x4925, s4;
	s4 =	sshrl.u32 s13, $0x1;
	v1 =	vshll.u32 v5, $0x3;
	v14 =	vld [tilespmem:s31+$0x0]  }
0x3ba: {  	s9 =	sand.u32 $0xFFFE, s9;
	s11 =	sshrl.u32 s11, $0x1;
	v12 =	vand.u32 $0xC00, v12;
	s4 =	smul.u32 $0x4925, s4;
	v15 =	vand.u32 $0xC00, v1;
	v16 =	vshll.u32 v6, $0x3;
	v17 =	vld [tilespmem:s31+$0x10]  }
0x3bb: {  	s9 =	sshrl.u32 s9, $0x1;
	s3 =	sand.u32 $0xFFFE, s3;
	s11 =	smul.u32 $0x4925, s11;
	v1 =	vshrl.u32 v2, $0x2;
	v16 =	vand.u32 $0xC00, v16;
	v18 =	vshll.u32 v8, $0x3;
	v19 =	vld [tilespmem:s31+$0x20]  }
0x3bc: {  	s9 =	smul.u32 $0x4925, s9;
	s3 =	sshrl.u32 s3, $0x1;
	s12 =	sand.u32 $0xFFFE, s16;
	v2 =	vand.u32 $0xFFFFF07F, v2;
	v18 =	vand.u32 $0xC00, v18;
	v20 =	vshll.u32 v11, $0x3;
	v21 =	vld [tilespmem:s31+$0x30]  }
0x3bd: {  	s8 =	sand.u32 $0xFFFE, s8;
	s3 =	smul.u32 $0x4925, s3;
	v22 =	vshrl.u32 v3, $0x2;
	v3 =	vand.u32 $0xFFFFF07F, v3;
	s12 =	sshrl.u32 s12, $0x1;
	v20 =	vand.u32 $0xC00, v20;
	v23 =	vld [tilespmem:s31+$0x40];
	[tilespmem:v9+s22+$0x0] =	vst.idx.msk $0xffff, v13  }
0x3be: {  	s8 =	sshrl.u32 s8, $0x1;
	s5 =	sand.u32 $0xFFFE, s5;
	s12 =	smul.u32 $0x4925, s12;
	v9 =	vshrl.u32 v4, $0x2;
	v4 =	vand.u32 $0xFFFFF07F, v4;
	v13 =	vshll.u32 v14, $0x3;
	v24 =	vld [tilespmem:s31+$0x50]  }
0x3bf: {  	s8 =	smul.u32 $0x4925, s8;
	s5 =	sshrl.u32 s5, $0x1;
	s13 =	sand.u32 $0xFFFE, s18;
	v25 =	vshrl.u32 v5, $0x2;
	v13 =	vand.u32 $0xC00, v13;
	v26 =	vshll.u32 v17, $0x3  }
0x3c0: {  	s11 =	sshrl.u32 s11, $0x11;
	s5 =	smul.u32 $0x4925, s5;
	v5 =	vand.u32 $0xFFFFF07F, v5;
	s13 =	sshrl.u32 s13, $0x1;
	v26 =	vand.u32 $0xC00, v26;
	v27 =	vshll.u32 v19, $0x3  }
0x3c1: {  	s1 =	sshrl.u32 s1, $0x11;
	s6 =	sshrl.u32 s6, $0x11;
	v28 =	vshrl.u32 v6, $0x2;
	s13 =	smul.u32 $0x4925, s13;
	v27 =	vand.u32 $0xC00, v27;
	v29 =	vshll.u32 v21, $0x3  }
0x3c2: {  	s7 =	sshrl.u32 s7, $0x11;
	s10 =	sshrl.u32 s10, $0x11;
	v6 =	vand.u32 $0xFFFFF07F, v6;
	s4 =	sshrl.u32 s4, $0x11;
	v29 =	vand.u32 $0xC00, v29;
	v30 =	vshll.u32 v23, $0x3  }
0x3c3: {  	s9 =	sshrl.u32 s9, $0x11;
	s8 =	sshrl.u32 s8, $0x11;
	s3 =	sshrl.u32 s3, $0x11;
	v31 =	vshrl.u32 v8, $0x2;
	v30 =	vand.u32 $0xC00, v30;
	v32 =	vshll.u32 v24, $0x3  }
0x3c4: {  	s11 =	sadd.s32 $0x54, s11;
	s5 =	sshrl.u32 s5, $0x11;
	v8 =	vand.u32 $0xFFFFF07F, v8;
	v33 =	vshrl.u32 v11, $0x2;
	s12 =	sshrl.u32 s12, $0x11;
	v32 =	vand.u32 $0xC00, v32  }
0x3c5: {  	s1 =	sadd.s32 $0x54, s1;
	s6 =	sadd.s32 $0x54, s6;
	v11 =	vand.u32 $0xFFFFF07F, v11;
	s13 =	sshrl.u32 s13, $0x11;
	v34 =	vshrl.u32 v14, $0x2;
	v14 =	vand.u32 $0xFFFFF07F, v14  }
0x3c6: {  	s7 =	sadd.s32 $0x54, s7;
	s15 =	sadd.s32 $0x54, s10;
	s4 =	sadd.s32 $0x54, s4;
	v35 =	vshrl.u32 v17, $0x2;
	v17 =	vand.u32 $0xFFFFF07F, v17;
	v36 =	vshrl.u32 v19, $0x2  }
0x3c7: {  	s9 =	sadd.s32 $0x54, s9;
	s23 =	sadd.s32 $0x54, s8;
	s3 =	sadd.s32 $0x54, s3;
	v19 =	vand.u32 $0xFFFFF07F, v19;
	v37 =	vshrl.u32 v21, $0x2;
	v21 =	vand.u32 $0xFFFFF07F, v21  }
0x3c8: {  	s8 =	sshll.u32 s9, $0x7;
	s10 =	sadd.s32 $0x54, s5;
	s12 =	sadd.s32 $0x54, s12;
	v38 =	vshrl.u32 v23, $0x2;
	v23 =	vand.u32 $0xFFFFF07F, v23;
	v39 =	vshrl.u32 v24, $0x2  }
0x3c9: {  	s24 =	sshll.u32 s6, $0x8;
	s25 =	sshll.u32 s6, $0x7;
	v3 =	vor.u32 v7, v3;
	v2 =	vor.u32 v10, v2;
	s26 =	sadd.s32 $0x54, s13;
	v7 =	vand.u32 $0xFFFFF07F, v24  }
0x3ca: {  	s28 =	sshll.u32 s1, $0x8;
	s29 =	sshll.u32 s1, $0x7;
	s20 =	sshll.u32 s7, $0x8;
	v5 =	vor.u32 v15, v5;
	v6 =	vor.u32 v16, v6;
	v4 =	vor.u32 v12, v4  }
0x3cb: {  	s30 =	sshll.u32 s7, $0x7;
	s14 =	sshll.u32 s15, $0x8;
	s15 =	sshll.u32 s15, $0x7;
	v8 =	vor.u32 v18, v8;
	v10 =	vor.u32 v20, v11;
	v11 =	vor.u32 v13, v14  }
0x3cc: {  	s6 =	sshll.u32 s11, $0x8;
	s18 =	sshll.u32 s4, $0x8;
	s19 =	sshll.u32 s4, $0x7;
	v12 =	vor.u32 v26, v17;
	v13 =	vor.u32 v27, v19;
	v14 =	vor.u32 v29, v21  }
0x3cd: {  	s16 =	sshll.u32 s3, $0x7;
	v1 =	vand.u32 $0x380, v1;
	s7 =	sshll.u32 s9, $0x8;
	s13 =	sshll.u32 s11, $0x7;
	v15 =	vor.u32 v30, v23;
	v7 =	vor.u32 v32, v7  }
0x3ce: {  	s6 =	sand.u32 $0xF800, s6;
	v16 =	vand.u32 $0x380, v22;
	s11 =	sshll.u32 s3, $0x8;
	v9 =	vand.u32 $0x380, v9;
	s1 =	sshll.u32 s12, $0x8;
	v17 =	vand.u32 $0x380, v25  }
0x3cf: {  	s5 =	sshll.u32 s23, $0x7;
	v18 =	vand.u32 $0x380, v28;
	s3 =	sshll.u32 s23, $0x8;
	v20 =	vand.u32 $0x380, v33;
	s17 =	sshll.u32 s12, $0x7;
	v19 =	vand.u32 $0x380, v31  }
0x3d0: {  	s9 =	sshll.u32 s10, $0x8;
	s4 =	sand.u32 $0xF800, s24;
	s12 =	sand.u32 $0x380, s25;
	v22 =	vand.u32 $0x380, v35;
	v21 =	vand.u32 $0x380, v34;
	v23 =	vand.u32 $0x380, v36  }
0x3d1: {  	s4 =	sor.u32 s12, s4;
	s12 =	sshll.u32 s10, $0x7;
	s10 =	sshll.u32 s26, $0x8;
	v24 =	vand.u32 $0x380, v37;
	v25 =	vand.u32 $0x380, v38;
	v26 =	vand.u32 $0x380, v39  }
0x3d2: {  	v28 =	vor.u32 v1, v2;
	v16 =	vor.u32 v16, v3;
	s23 =	sand.u32 $0xF800, s28;
	s24 =	sand.u32 $0x380, s29;
	v9 =	vor.u32 v9, v4;
	s26 =	sshll.u32 s26, $0x7;
	v27 =	vld [tilespmem:s4+$0x8880]  }
0x3d3: {  	s20 =	sand.u32 $0xF800, s20;
	v18 =	vor.u32 v18, v6;
	v17 =	vor.u32 v17, v5;
	v19 =	vor.u32 v19, v8;
	v29 =	vld [tilespmem:s4+$0x8890];
	s4 =	sor.u32 s24, s23;
	s23 =	sand.u32 $0x380, s30  }
0x3d4: {  	s14 =	sand.u32 $0xF800, s14;
	s15 =	sand.u32 $0x380, s15;
	v20 =	vor.u32 v20, v10;
	v1 =	vor.u32 v22, v12;
	v5 =	vor.u32 v21, v11;
	v8 =	vld [tilespmem:s4+$0x88A0];
	s4 =	sor.u32 s23, s20  }
0x3d5: {  	v2 =	vor.u32 v24, v14;
	v6 =	vor.u32 v23, v13;
	v3 =	vor.u32 v25, v15;
	v10 =	vld [tilespmem:s4+$0x88B0];
	s4 =	sor.u32 s15, s14;
	s14 =	sand.u32 $0xF800, s18;
	s15 =	sand.u32 $0x380, s19  }
0x3d6: {  	s13 =	sand.u32 $0x380, s13;
	s1 =	sand.u32 $0xF800, s1;
	v4 =	vor.u32 v26, v7;
	v11 =	vld [tilespmem:s4+$0x88C0];
	s4 =	sor.u32 s15, s14  }
0x3d7: {  	[tilespmem:v28+s22+$0x0] =	vst.idx.msk $0xffff, v27;
	v12 =	vld [tilespmem:s4+$0x88D0];
	s4 =	sor.u32 s13, s6;
	s6 =	sand.u32 $0xF800, s7;
	s7 =	sand.u32 $0x380, s8  }
0x3d8: {  	[tilespmem:v16+s22+$0x0] =	vst.idx.msk $0xffff, v29;
	v13 =	vld [tilespmem:s4+$0x88E0];
	s4 =	sor.u32 s7, s6;
	s6 =	sand.u32 $0xF800, s11;
	s7 =	sand.u32 $0x380, s16  }
.Ltmp8:
0x3d9: {  	[tilespmem:v9+s22+$0x0] =	vst.idx.msk $0xffff, v8;
	v7 =	vld [tilespmem:s4+$0x88F0];
	s4 =	sor.u32 s7, s6;
	s6 =	sand.u32 $0x380, s17;
	(pc) =	sbr.rel @p1 .LBB2_19-.Ltmp8, $4  }
0x3da: {  	s3 =	sand.u32 $0xF800, s3;
	[tilespmem:v17+s22+$0x0] =	vst.idx.msk $0xffff, v10;
	v8 =	vld [tilespmem:s4+$0x8C80];
	s1 =	sor.u32 s6, s1;
	s4 =	sand.u32 $0x380, s5  }
0x3db: {  	[tilespmem:v18+s22+$0x0] =	vst.idx.msk $0xffff, v11;
	v9 =	vld [tilespmem:s1+$0x8C90];
	s1 =	sor.u32 s4, s3;
	s3 =	sand.u32 $0xF800, s9;
	s4 =	sand.u32 $0x380, s12  }
0x3dc: {  	[tilespmem:v19+s22+$0x0] =	vst.idx.msk $0xffff, v12;
	v10 =	vld [tilespmem:s1+$0x8CA0];
	s1 =	sor.u32 s4, s3;
	s3 =	sand.u32 $0xF800, s10;
	s4 =	sand.u32 $0x380, s26  }
0x3dd: {  	[tilespmem:v20+s22+$0x0] =	vst.idx.msk $0xffff, v13;
	v11 =	vld [tilespmem:s1+$0x8CB0];
	s1 =	sor.u32 s4, s3  }
0x3de: {  	_ =	sdelay $0x3  }
0x3df: {  	[tilespmem:v5+s22+$0x0] =	vst.idx.msk $0xffff, v7;
	v63 =	vld [tilespmem:s1+$0x8CC0]  }
0x3e0: {  	[tilespmem:v1+s22+$0x0] =	vst.idx.msk $0xffff, v8  }
0x3e1: {  	[tilespmem:v6+s22+$0x0] =	vst.idx.msk $0xffff, v9  }
0x3e2: {  	[tilespmem:v2+s22+$0x0] =	vst.idx.msk $0xffff, v10  }
0x3e3: {  	[tilespmem:v3+s22+$0x0] =	vst.idx.msk $0xffff, v11  }
0x3e4: {  	s29 =	simm.s32 $0x0;
	[tilespmem:v4+s22+$0x0] =	vst.idx.msk $0xffff, v63  }
0x3e5: {  	[hbm4b:s0+s29] =	stream.linear.scatter [tilespmem:s22], [sflag:$0x4], $0x8000, $0x38;
	[tilespmem:$0x1F880] =	vst v63  }
0x3e6: {  	s0 =	rddreg [dreg:$0x13]  }
0x3e7: {  	s1 =	simm.s32 @!p0 $0x0;
	s4 =	rddreg [dreg:$0x14]  }
0x3e8: {  	s2 =	simm.s32 @!p0 $0x8880;
	s0 =	sadd.s32 @!p0 $0x2A00, s0;
	p1 =	sne.s32 @!p0 s4, $0xC  }
0x3e9: {  	[tilespmem:s2], [sflag:$0x2] =	stream.linear.gather @!p0 [hbm4b:s0+s1], $0x7000, $0x38;
	[tilespmem:$0x1F880] =	vst v63  }
0x3ea: {  	p0 =	por p0, !p1  }
.Ltmp9:
0x3eb: {  	_ = 	snop;
	(pc) =	sbr.rel @!p0 .LBB2_4-.Ltmp9, $1  }
0x3ec: {  	_ =	sdelay $0x3  }
0x3ed: {  	s0 =	simm.s32 $0x3  }
0x3ee: {  	_ =	swait.ge [sflag:s0], $0x8000  }
0x3ef: {  	[sflag:s0] =	ssyncset.done $0x0  }
0x3f0: {  	s1 =	simm.s32 $0x4;
	[sflag:s0] =	ssyncadd.s32 $0xFFFF8000  }
0x3f1: {  	_ =	swait.ge [sflag:s1], $0x8000  }
0x3f2: {  	s2 =	rddreg [dreg:$0x10]  }
0x3f3: {  	s31 =	rddreg [dreg:$0xf];
	s2 =	sadd.s32 $0x1, s2  }
0x3f4: {  	p0 =	sne.s32 s2, s31  }
.Ltmp10:
0x3f5: {  	_ = 	snop;
	(pc) =	sbr.rel @p0 .LBB2_1-.Ltmp10, $3  }
0x3f6: {  	_ =	sdelay $0x1  }
0x3f7: {  	[sflag:s1] =	ssyncset.done $0x0  }
0x3f8: {  	[sflag:s1] =	ssyncadd.s32 $0xFFFF8000  }
0x3f9: {  	_ =	sfence.sel $0x180000  }
0x3fa: {  	[bflag:$0x0] =	sbarrier.arrive $0xFFFF  }
0x3fb: {  	_ =	strace $0x90000047  }
0x3fc: {  	s0 =	stileid.u32;
	[bflag:$0x2] =	sbarrier.arrive $0xFFFF  }
0x3fd: {  	p0 =	sne.s32 s0, $0x0;
	s0 =	rddreg [dreg:$0x3]  }
0x3fe: {  	s0 =	sadd.s32 @!p0 $0x100000, s0  }
0x3ff: {  	[sflag:s0] =	ssyncadd.tile.s32 @!p0 $0x1;
	_ =	shalt  }
.Lfunc_end2:
_tile_overlayer_lowered:
.L_overlay_start_2:
0x400: {  	(tag) =	ssettag $0x2  }
0x401: {  	s0 =	rddreg [dreg:$0x0];
	s2 =	stileid.u32  }
0x402: {  	s1 =	rddreg [dreg:$0x1];
	p0 =	sne.s32 s2, $0x0  }
0x403: {  	s3 =	rddreg [dreg:$0x2];
	[bflag:$0x3] =	sbarrier.arrive $0xFFFF;
	s2 =	simm.s32 @!p0 $0x1C05  }
0x404: {  	[timem:s3], [sflag:s2] =	dma.local @!p0 [hbm:s0], s1  }
0x405: {  	s0 =	simm.s32 @!p0 $0x5  }
0x406: {  	_ =	swait.ge @!p0 [sflag:s0], s1  }
0x407: {  	s1 =	ssub.s32 @!p0 $0x0, s1;
	[sflag:s0] =	ssyncset.done @!p0 $0x0  }
0x408: {  	[sflag:s0] =	ssyncadd.s32 @!p0 s1  }
0x409: {  	[bflag:$0x3] =	sbarrier.arrive $0xFFFF  }
0x40a: {  	_ =	shalt  }

</sc_bundles>
